<compile_context>
chip_gen: v7x
topology: tpu7x:2x2x1
jax: 0.10.2.dev20260603
libtpu: 0.0.44.dev20260713+nightly
codegen_flags: <defaults>
</compile_context>

<pallas_src>
import functools

import jax
import jax.numpy as jnp
from jax import lax
from jax.experimental import pallas as pl
from jax.experimental.pallas import tpu as pltpu
from jax.experimental.pallas import tpu_sc as plsc

N = 10000
E = 320000
NPAD = 12288
BLK = 1000

NC = 2
NS = 16
L = 16
NH = NPAD // NC
NW = NH // NS
GCH = 128
EBLK = E // 128
WBLK = 157


def _sc_body(ei_hbm, ef_hbm, mem_hbm,
             win_out, memcol_out, efw_out,
             ev, winner_v, shared, mbuf, wslice, eidx2, colidx, colbuf,
             membuf, eft_buf, efw_buf, sem, rsem):
    c = lax.axis_index("c")
    s = lax.axis_index("s")
    node_base = c * NH
    lanes = lax.iota(jnp.int32, L)
    neg1 = jnp.full((L,), -1, jnp.int32)
    dump = jnp.full((L,), NH, jnp.int32) + lanes

    b0 = s * (EBLK // NS) + jnp.minimum(s, 3)
    rows_cp = pltpu.async_copy(ei_hbm.at[pl.ds(b0 * 256, WBLK * 256)], ev,
                               rsem)

    def init_body(i, _):
        winner_v[pl.ds(i * L, L)] = neg1
        return 0
    lax.fori_loop(0, (NH + L) // L, init_body, 0)
    rows_cp.wait()

    with jax.named_scope("p1_scan"):
        def scan_body(b, val):
            for i in range(8):
                r = ev[pl.ds(b * 256 + i * L, L)]
                lidx = plsc.bitcast(r - node_base, jnp.uint32)
                idxc = plsc.bitcast(
                    jnp.minimum(lidx, plsc.bitcast(dump, jnp.uint32)),
                    jnp.int32)
                plsc.store_scatter(winner_v, [idxc], val + i * L)
            return val + 128
        lax.fori_loop(0, WBLK, scan_body, b0 * 128 + lanes)

    out_base = node_base + s * NW
    with jax.named_scope("p2_merge"):
        pltpu.sync_copy(winner_v.at[pl.ds(0, NH)], shared.at[s])
        plsc.subcore_barrier()
        pltpu.sync_copy(shared.at[:, pl.ds(s * NW, NW)], mbuf)

        def merge_body(k, _):
            acc = neg1
            for j in range(NS):
                acc = jnp.maximum(acc, mbuf[j, pl.ds(k * L, L)])
            wslice[pl.ds(k * L, L)] = acc
            dummy = out_base + k * L + lanes
            e = jnp.where(acc >= 0, acc, dummy)
            hi = lax.shift_right_logical(e, 7)
            colidx[pl.ds(k * L, L)] = (
                lax.shift_left(hi, 8) + (e & 127) + 128)
            for f in range(16):
                eidx2[f, pl.ds(k * L, L)] = e + f * E
            return 0
        lax.fori_loop(0, NW // L, merge_body, 0)
    win_cp = pltpu.async_copy(wslice, win_out.at[pl.ds(out_base, NW)], rsem)

    with jax.named_scope("p3_gather"):
        nch = NW // GCH
        col_cps = [
            pltpu.async_copy(ei_hbm.at[colidx.at[pl.ds(j * GCH, GCH)]],
                             colbuf.at[pl.ds(j * GCH, GCH)], sem)
            for j in range(nch)
        ]
        ef_cps = [
            pltpu.async_copy(ef_hbm.at[eidx2.at[f, pl.ds(j * GCH, GCH)]],
                             eft_buf.at[f, pl.ds(j * GCH, GCH)], sem)
            for f in range(16)
            for j in range(nch)
        ]
        for cp in col_cps:
            cp.wait()
        mem_cps = [
            pltpu.async_copy(mem_hbm.at[colbuf.at[pl.ds(j * GCH, GCH)]],
                             membuf.at[pl.ds(j * GCH, GCH)], sem)
            for j in range(nch)
        ]
        for cp in ef_cps:
            cp.wait()

        def tr_body(g, _):
            nvec = g * L + lanes
            for f in range(16):
                v = eft_buf[f, pl.ds(g * L, L)]
                plsc.store_scatter(efw_buf, [nvec, jnp.full((L,), f,
                                                            jnp.int32)], v)
            return 0
        lax.fori_loop(0, NW // L, tr_body, 0)
        pltpu.sync_copy(efw_buf, efw_out.at[pl.ds(out_base, NW)])
        for cp in mem_cps:
            cp.wait()
        pltpu.sync_copy(membuf, memcol_out.at[pl.ds(out_base, NW)])
    win_cp.wait()


_sc_gather = functools.partial(
    pl.kernel,
    out_type=[
        jax.ShapeDtypeStruct((NPAD,), jnp.int32),
        jax.ShapeDtypeStruct((NPAD, 128), jnp.float32),
        jax.ShapeDtypeStruct((NPAD, 16), jnp.float32),
    ],
    mesh=plsc.VectorSubcoreMesh(core_axis_name="c", subcore_axis_name="s"),
    scratch_types=[
        pltpu.VMEM((WBLK * 256,), jnp.int32),
        pltpu.VMEM((NH + L,), jnp.int32),
        pltpu.VMEM_SHARED((NS, NH), jnp.int32),
        pltpu.VMEM((NS, NW), jnp.int32),
        pltpu.VMEM((NW,), jnp.int32),
        pltpu.VMEM((16, NW), jnp.int32),
        pltpu.VMEM((NW,), jnp.int32),
        pltpu.VMEM((NW,), jnp.int32),
        pltpu.VMEM((NW, 128), jnp.float32),
        pltpu.VMEM((16, NW), jnp.float32),
        pltpu.VMEM((NW, 16), jnp.float32),
        pltpu.SemaphoreType.DMA,
        pltpu.SemaphoreType.DMA,
    ],
    compiler_params=pltpu.CompilerParams(needs_layout_passes=False,
                                         use_tc_tiling_on_sc=False),
)(_sc_body)


def _dense_body(mem_ref, memcol_ref, nf_ref, ef_ref, win_ref,
                w1a_ref, w1b_ref, w1c_ref, b1_ref, w2_ref, b2_ref,
                wih_ref, bih_ref, whh_ref, bhh_ref,
                wemba_ref, wembb_ref, bemb_ref,
                emb_out, mem_out):
    f32 = jnp.float32
    mem = mem_ref[...]

    x1 = (jnp.dot(mem, w1a_ref[...], preferred_element_type=f32)
          + jnp.dot(memcol_ref[...], w1b_ref[...], preferred_element_type=f32)
          + jnp.dot(ef_ref[...], w1c_ref[...], preferred_element_type=f32)
          + b1_ref[...])
    h1 = jnp.maximum(x1, 0.0)
    msg = jnp.dot(h1, w2_ref[...], preferred_element_type=f32) + b2_ref[...]

    gi = jnp.dot(msg, wih_ref[...], preferred_element_type=f32) + bih_ref[...]
    gh = jnp.dot(mem, whh_ref[...], preferred_element_type=f32) + bhh_ref[...]
    r = jax.nn.sigmoid(gi[:, :128] + gh[:, :128])
    z = jax.nn.sigmoid(gi[:, 128:256] + gh[:, 128:256])
    n = jnp.tanh(gi[:, 256:] + r * gh[:, 256:])
    gru = (1.0 - z) * n + z * mem

    mask = win_ref[...] >= 0
    newmem = jnp.where(mask, gru, mem)

    emb = (jnp.dot(newmem, wemba_ref[...], preferred_element_type=f32)
           + jnp.dot(nf_ref[...], wembb_ref[...], preferred_element_type=f32)
           + bemb_ref[...])
    emb_out[...] = emb
    mem_out[...] = newmem


def kernel(node_features, edge_index, edge_features, memory,
           W1, b1, W2, b2, Wih, bih, Whh, bhh, Wemb, bemb):
    ei_blocked = edge_index.reshape(2, EBLK, 128).transpose(1, 0, 2).reshape(-1)
    ef_flat = edge_features.T.reshape(-1)
    win_p, memcol_p, efw_p = _sc_gather(ei_blocked, ef_flat, memory)
    win_p = win_p.reshape(NPAD, 1)

    grid = N // BLK
    row_spec = lambda w: pl.BlockSpec((BLK, w), lambda i: (i, 0))
    full_spec = lambda a, b: pl.BlockSpec((a, b), lambda i: (0, 0))

    emb, newmem = pl.pallas_call(
        _dense_body,
        grid=(grid,),
        in_specs=[
            row_spec(128), row_spec(128), row_spec(128), row_spec(16),
            row_spec(1),
            full_spec(128, 128), full_spec(128, 128), full_spec(16, 128),
            full_spec(1, 128),
            full_spec(128, 128), full_spec(1, 128),
            full_spec(128, 384), full_spec(1, 384),
            full_spec(128, 384), full_spec(1, 384),
            full_spec(128, 128), full_spec(128, 128), full_spec(1, 128),
        ],
        out_specs=[row_spec(128), row_spec(128)],
        out_shape=[
            jax.ShapeDtypeStruct((N, 128), jnp.float32),
            jax.ShapeDtypeStruct((N, 128), jnp.float32),
        ],
    )(
        memory, memcol_p, node_features, efw_p, win_p,
        W1[:, :128].T, W1[:, 128:256].T, W1[:, 256:].T, b1.reshape(1, 128),
        W2.T, b2.reshape(1, 128),
        Wih.T, bih.reshape(1, 384),
        Whh.T, bhh.reshape(1, 384),
        Wemb[:, :128].T, Wemb[:, 128:].T, bemb.reshape(1, 128),
    )
    return emb, newmem

# --- scband reference (transcript-rebuilt; emitter-appended) ---
"""Pipeline reference for scband-temporal-graph-network-74491912781913 (READ-ONLY COPY).

The authoritative reference and input builder live on the scoring server;
editing this copy changes nothing except your own understanding.
"""

import jax, jax.numpy as jnp
import numpy as np

N = 10000
E = 320000
DF = 128   # node feature dim
DE = 16    # edge feature dim
DM = 128   # memory dim
H = 128    # hidden dim


def _uniform(key, shape, fan_in):
    bound = 1.0 / np.sqrt(fan_in)
    return jax.random.uniform(key, shape, minval=-bound, maxval=bound, dtype=jnp.float32)


def setup_inputs(seed: int = 0) -> dict:
    key = jax.random.key(seed)
    ks = jax.random.split(key, 16)
    node_features = jax.random.normal(ks[0], (N, DF), dtype=jnp.float32)
    edge_index = jax.random.randint(ks[1], (2, E), 0, N).astype(jnp.int32)
    edge_features = jax.random.normal(ks[2], (E, DE), dtype=jnp.float32)
    memory = jax.random.normal(ks[3], (N, DM), dtype=jnp.float32)
    # message_fn: Linear(2*DM+DE -> H), ReLU, Linear(H -> H)
    W1 = _uniform(ks[4], (H, 2 * DM + DE), 2 * DM + DE)
    b1 = _uniform(ks[5], (H,), 2 * DM + DE)
    W2 = _uniform(ks[6], (H, H), H)
    b2 = _uniform(ks[7], (H,), H)
    # GRUCell(input=H, hidden=DM)
    Wih = _uniform(ks[8], (3 * DM, H), DM)
    bih = _uniform(ks[9], (3 * DM,), DM)
    Whh = _uniform(ks[10], (3 * DM, DM), DM)
    bhh = _uniform(ks[11], (3 * DM,), DM)
    # embedding: Linear(DM+DF -> H)
    Wemb = _uniform(ks[12], (H, DM + DF), DM + DF)
    bemb = _uniform(ks[13], (H,), DM + DF)
    return {
        "node_features": node_features,
        "edge_index": edge_index,
        "edge_features": edge_features,
        "memory": memory,
        "W1": W1, "b1": b1, "W2": W2, "b2": b2,
        "Wih": Wih, "bih": bih, "Whh": Whh, "bhh": bhh,
        "Wemb": Wemb, "bemb": bemb,
    }


def _gru_cell(x, h, Wih, bih, Whh, bhh):
    gi = x @ Wih.T + bih
    gh = h @ Whh.T + bhh
    i_r, i_z, i_n = jnp.split(gi, 3, axis=-1)
    h_r, h_z, h_n = jnp.split(gh, 3, axis=-1)
    r = jax.nn.sigmoid(i_r + h_r)
    z = jax.nn.sigmoid(i_z + h_z)
    n = jnp.tanh(i_n + r * h_n)
    return (1.0 - z) * n + z * h


def reference(node_features, edge_index, edge_features, memory,
              W1, b1, W2, b2, Wih, bih, Whh, bhh, Wemb, bemb):
    row = edge_index[0]
    col = edge_index[1]
    msg_in = jnp.concatenate([memory[row], memory[col], edge_features], axis=-1)
    h1 = jax.nn.relu(msg_in @ W1.T + b1)
    messages = h1 @ W2.T + b2
    new_memory = _gru_cell(messages, memory[row], Wih, bih, Whh, bhh)
    updated_memory = memory.at[row].set(new_memory)
    embeddings = jnp.concatenate([updated_memory, node_features], axis=-1) @ Wemb.T + bemb
    return (embeddings, updated_memory)

if __name__ == "__main__":
    import jax
    _d = setup_inputs()
    print(jax.jit(kernel)(*tuple(_d.values())))

</pallas_src>

<mosaic_0001>
#map = affine_map<(d0, d1) -> (0)>
#map1 = affine_map<(d0, d1) -> (0, 0)>
module attributes {stable_mosaic.version = 14 : i64} {
  func.func @_sc_body(%arg0: i32, %arg1: i32, %arg2: memref<640000xi32, #tpu.memory_space<hbm>>, %arg3: memref<5120000xf32, #tpu.memory_space<hbm>>, %arg4: memref<10000x128xf32, #tpu.memory_space<hbm>>, %arg5: memref<12288xi32, #tpu.memory_space<hbm>>, %arg6: memref<12288x128xf32, #tpu.memory_space<hbm>>, %arg7: memref<12288x16xf32, #tpu.memory_space<hbm>>, %arg8: memref<40192xi32, #tpu.memory_space<vmem>>, %arg9: memref<6160xi32, #tpu.memory_space<vmem>>, %arg10: memref<16x6144xi32, #tpu.memory_space<vmem_shared>>, %arg11: memref<16x384xi32, #tpu.memory_space<vmem>>, %arg12: memref<384xi32, #tpu.memory_space<vmem>>, %arg13: memref<16x384xi32, #tpu.memory_space<vmem>>, %arg14: memref<384xi32, #tpu.memory_space<vmem>>, %arg15: memref<384xi32, #tpu.memory_space<vmem>>, %arg16: memref<384x128xf32, #tpu.memory_space<vmem>>, %arg17: memref<16x384xf32, #tpu.memory_space<vmem>>, %arg18: memref<384x16xf32, #tpu.memory_space<vmem>>, %arg19: memref<!tpu.dma_semaphore, #tpu.memory_space<semaphore_mem>>, %arg20: memref<!tpu.dma_semaphore, #tpu.memory_space<semaphore_mem>>) attributes {dimension_semantics = [#tpu.dimension_semantics<core_parallel>, #tpu.dimension_semantics<subcore_parallel>], iteration_bounds = array<i64: 2, 16>, scalar_prefetch = 0 : i64, scratch_operands = 13 : i64, tpu.core_type = #tpu.core_type<sc_vector_subcore>, window_params = [{transform_indices = #map}, {transform_indices = #map}, {transform_indices = #map1}, {transform_indices = #map}, {transform_indices = #map1}, {transform_indices = #map1}]} {
    %mul3A = arith.constant 6144 : i32
    %mul3A_0 = arith.muli %arg0, %mul3A : i32
    %iota3A = tpu.iota {dimensions = array<i32: 0>} : vector<16xi32>
    %broadcast_in_dim3A = arith.constant -1 : i32
    %broadcast_in_dim3A_1 = vector.broadcast %broadcast_in_dim3A : i32 to vector<16xi32>
    %broadcast_in_dim3A_2 = arith.constant 6144 : i32
    %broadcast_in_dim3A_3 = vector.broadcast %broadcast_in_dim3A_2 : i32 to vector<16xi32>
    %add3A = arith.addi %broadcast_in_dim3A_3, %iota3A : vector<16xi32>
    %mul3A_4 = arith.constant 156 : i32
    %mul3A_5 = arith.muli %arg1, %mul3A_4 : i32
    %min3A = arith.constant 3 : i32
    %min3A_6 = arith.minsi %arg1, %min3A : i32
    %add3A_7 = arith.addi %mul3A_5, %min3A_6 : i32
    %mul3A_8 = arith.constant 256 : i32
    %mul3A_9 = arith.muli %add3A_7, %mul3A_8 : i32
    %dma_start3A = tpu.memref_slice %arg2[%mul3A_9] : memref<640000xi32, #tpu.memory_space<hbm>> -> memref<40192xi32, #tpu.memory_space<hbm>>
    %dma_start3A_10 = tpu.memref_slice %arg2[%mul3A_9] : memref<640000xi32, #tpu.memory_space<hbm>> -> memref<40192xi32, #tpu.memory_space<hbm>>
    tpu.enqueue_dma source(%dma_start3A_10 : memref<40192xi32, #tpu.memory_space<hbm>>) target(%arg8 : memref<40192xi32, #tpu.memory_space<vmem>>) target_semaphore(%arg20 : memref<!tpu.dma_semaphore, #tpu.memory_space<semaphore_mem>>)
    %scan3A = arith.constant 0 : i32
    %scan3A_11 = arith.constant 0 : i32
    %scan3A_12 = arith.constant 385 : i32
    %scan3A_13 = arith.addi %scan3A_11, %scan3A_12 : i32
    %scan3A_14 = arith.constant 1 : i32
    %scan3A_15 = scf.for %scan3A_1095 = %scan3A_11 to %scan3A_13 step %scan3A_14 iter_args(%scan3A_1096 = %scan3A) -> (i32)  : i32 {
      %mul3A_1097 = arith.constant 16 : i32
      %mul3A_1098 = arith.muli %scan3A_1095, %mul3A_1097 : i32
      %swap3A = arith.index_cast %mul3A_1098 : i32 to index
      %swap3A_1099 = tpu.vector_load %arg9[%swap3A] {strides = array<i32>} : memref<6160xi32, #tpu.memory_space<vmem>>, vector<16xi32>,
      tpu.vector_store %arg9[%swap3A], %broadcast_in_dim3A_1 {strides = array<i32>} : memref<6160xi32, #tpu.memory_space<vmem>>, vector<16xi32>,
      %scan3A_1100 = arith.constant 0 : i32
      scf.yield %scan3A_1100 : i32
    }
    %scan3A_16 = arith.constant 385 : i32
    %dma_wait3A = tpu.memref_slice %arg2[%mul3A_9] : memref<640000xi32, #tpu.memory_space<hbm>> -> memref<40192xi32, #tpu.memory_space<hbm>>
    %dma_wait3A_17 = tpu.memref_slice %arg2[%mul3A_9] : memref<640000xi32, #tpu.memory_space<hbm>> -> memref<40192xi32, #tpu.memory_space<hbm>>
    tpu.wait_dma2 semaphore(%arg20 : memref<!tpu.dma_semaphore, #tpu.memory_space<semaphore_mem>>) src(%dma_wait3A_17 : memref<40192xi32, #tpu.memory_space<hbm>>) dst(%arg8 : memref<40192xi32, #tpu.memory_space<vmem>>)
    "tpu.trace_start"() <{level = 10 : i32, message = "p1_scan"}> : () -> ()
    %mul3A_18 = arith.constant 128 : i32
    %mul3A_19 = arith.muli %add3A_7, %mul3A_18 : i32
    %add3A_20 = vector.broadcast %mul3A_19 : i32 to vector<16xi32>
    %add3A_21 = arith.addi %add3A_20, %iota3A : vector<16xi32>
    %scan3A_22 = arith.constant 0 : i32
    %scan3A_23 = arith.constant 157 : i32
    %scan3A_24 = arith.addi %scan3A_22, %scan3A_23 : i32
    %scan3A_25 = arith.constant 1 : i32
    %scan3A_26 = scf.for %scan3A_1095 = %scan3A_22 to %scan3A_24 step %scan3A_25 iter_args(%scan3A_1096 = %add3A_21) -> (vector<16xi32>)  : i32 {
      %mul3A_1097 = arith.constant 256 : i32
      %mul3A_1098 = arith.muli %scan3A_1095, %mul3A_1097 : i32
      %add3A_1099 = arith.constant 0 : i32
      %add3A_1100 = arith.addi %mul3A_1098, %add3A_1099 : i32
      %get3A = arith.index_cast %add3A_1100 : i32 to index
      %get3A_1101 = tpu.vector_load %arg8[%get3A] {strides = array<i32>} : memref<40192xi32, #tpu.memory_space<vmem>>, vector<16xi32>,
      %sub3A = vector.broadcast %mul3A_0 : i32 to vector<16xi32>
      %sub3A_1102 = arith.subi %get3A_1101, %sub3A : vector<16xi32>
      %bitcast3A = vector.bitcast %sub3A_1102 : vector<16xi32> to vector<16xi32>
      %bitcast3A_1103 = vector.bitcast %add3A : vector<16xi32> to vector<16xi32>
      %min3A_1104 = arith.minui %bitcast3A, %bitcast3A_1103 : vector<16xi32>
      %bitcast3A_1105 = vector.bitcast %min3A_1104 : vector<16xi32> to vector<16xi32>
      %add3A_1106 = arith.constant 0 : i32
      %add3A_1107 = vector.broadcast %add3A_1106 : i32 to vector<16xi32>
      %add3A_1108 = arith.addi %scan3A_1096, %add3A_1107 : vector<16xi32>
      tpu.vector_store_idx %arg9[%bitcast3A_1105], %add3A_1108 : memref<6160xi32, #tpu.memory_space<vmem>>[vector<16xi32>], vector<16xi32>,
      %mul3A_1109 = arith.constant 256 : i32
      %mul3A_1110 = arith.muli %scan3A_1095, %mul3A_1109 : i32
      %add3A_1111 = arith.constant 16 : i32
      %add3A_1112 = arith.addi %mul3A_1110, %add3A_1111 : i32
      %get3A_1113 = arith.index_cast %add3A_1112 : i32 to index
      %get3A_1114 = tpu.vector_load %arg8[%get3A_1113] {strides = array<i32>} : memref<40192xi32, #tpu.memory_space<vmem>>, vector<16xi32>,
      %sub3A_1115 = vector.broadcast %mul3A_0 : i32 to vector<16xi32>
      %sub3A_1116 = arith.subi %get3A_1114, %sub3A_1115 : vector<16xi32>
      %bitcast3A_1117 = vector.bitcast %sub3A_1116 : vector<16xi32> to vector<16xi32>
      %bitcast3A_1118 = vector.bitcast %add3A : vector<16xi32> to vector<16xi32>
      %min3A_1119 = arith.minui %bitcast3A_1117, %bitcast3A_1118 : vector<16xi32>
      %bitcast3A_1120 = vector.bitcast %min3A_1119 : vector<16xi32> to vector<16xi32>
      %add3A_1121 = arith.constant 16 : i32
      %add3A_1122 = vector.broadcast %add3A_1121 : i32 to vector<16xi32>
      %add3A_1123 = arith.addi %scan3A_1096, %add3A_1122 : vector<16xi32>
      tpu.vector_store_idx %arg9[%bitcast3A_1120], %add3A_1123 : memref<6160xi32, #tpu.memory_space<vmem>>[vector<16xi32>], vector<16xi32>,
      %mul3A_1124 = arith.constant 256 : i32
      %mul3A_1125 = arith.muli %scan3A_1095, %mul3A_1124 : i32
      %add3A_1126 = arith.constant 32 : i32
      %add3A_1127 = arith.addi %mul3A_1125, %add3A_1126 : i32
      %get3A_1128 = arith.index_cast %add3A_1127 : i32 to index
      %get3A_1129 = tpu.vector_load %arg8[%get3A_1128] {strides = array<i32>} : memref<40192xi32, #tpu.memory_space<vmem>>, vector<16xi32>,
      %sub3A_1130 = vector.broadcast %mul3A_0 : i32 to vector<16xi32>
      %sub3A_1131 = arith.subi %get3A_1129, %sub3A_1130 : vector<16xi32>
      %bitcast3A_1132 = vector.bitcast %sub3A_1131 : vector<16xi32> to vector<16xi32>
      %bitcast3A_1133 = vector.bitcast %add3A : vector<16xi32> to vector<16xi32>
      %min3A_1134 = arith.minui %bitcast3A_1132, %bitcast3A_1133 : vector<16xi32>
      %bitcast3A_1135 = vector.bitcast %min3A_1134 : vector<16xi32> to vector<16xi32>
      %add3A_1136 = arith.constant 32 : i32
      %add3A_1137 = vector.broadcast %add3A_1136 : i32 to vector<16xi32>
      %add3A_1138 = arith.addi %scan3A_1096, %add3A_1137 : vector<16xi32>
      tpu.vector_store_idx %arg9[%bitcast3A_1135], %add3A_1138 : memref<6160xi32, #tpu.memory_space<vmem>>[vector<16xi32>], vector<16xi32>,
      %mul3A_1139 = arith.constant 256 : i32
      %mul3A_1140 = arith.muli %scan3A_1095, %mul3A_1139 : i32
      %add3A_1141 = arith.constant 48 : i32
      %add3A_1142 = arith.addi %mul3A_1140, %add3A_1141 : i32
      %get3A_1143 = arith.index_cast %add3A_1142 : i32 to index
      %get3A_1144 = tpu.vector_load %arg8[%get3A_1143] {strides = array<i32>} : memref<40192xi32, #tpu.memory_space<vmem>>, vector<16xi32>,
      %sub3A_1145 = vector.broadcast %mul3A_0 : i32 to vector<16xi32>
      %sub3A_1146 = arith.subi %get3A_1144, %sub3A_1145 : vector<16xi32>
      %bitcast3A_1147 = vector.bitcast %sub3A_1146 : vector<16xi32> to vector<16xi32>
      %bitcast3A_1148 = vector.bitcast %add3A : vector<16xi32> to vector<16xi32>
      %min3A_1149 = arith.minui %bitcast3A_1147, %bitcast3A_1148 : vector<16xi32>
      %bitcast3A_1150 = vector.bitcast %min3A_1149 : vector<16xi32> to vector<16xi32>
      %add3A_1151 = arith.constant 48 : i32
      %add3A_1152 = vector.broadcast %add3A_1151 : i32 to vector<16xi32>
      %add3A_1153 = arith.addi %scan3A_1096, %add3A_1152 : vector<16xi32>
      tpu.vector_store_idx %arg9[%bitcast3A_1150], %add3A_1153 : memref<6160xi32, #tpu.memory_space<vmem>>[vector<16xi32>], vector<16xi32>,
      %mul3A_1154 = arith.constant 256 : i32
      %mul3A_1155 = arith.muli %scan3A_1095, %mul3A_1154 : i32
      %add3A_1156 = arith.constant 64 : i32
      %add3A_1157 = arith.addi %mul3A_1155, %add3A_1156 : i32
      %get3A_1158 = arith.index_cast %add3A_1157 : i32 to index
      %get3A_1159 = tpu.vector_load %arg8[%get3A_1158] {strides = array<i32>} : memref<40192xi32, #tpu.memory_space<vmem>>, vector<16xi32>,
      %sub3A_1160 = vector.broadcast %mul3A_0 : i32 to vector<16xi32>
      %sub3A_1161 = arith.subi %get3A_1159, %sub3A_1160 : vector<16xi32>
      %bitcast3A_1162 = vector.bitcast %sub3A_1161 : vector<16xi32> to vector<16xi32>
      %bitcast3A_1163 = vector.bitcast %add3A : vector<16xi32> to vector<16xi32>
      %min3A_1164 = arith.minui %bitcast3A_1162, %bitcast3A_1163 : vector<16xi32>
      %bitcast3A_1165 = vector.bitcast %min3A_1164 : vector<16xi32> to vector<16xi32>
      %add3A_1166 = arith.constant 64 : i32
      %add3A_1167 = vector.broadcast %add3A_1166 : i32 to vector<16xi32>
      %add3A_1168 = arith.addi %scan3A_1096, %add3A_1167 : vector<16xi32>
      tpu.vector_store_idx %arg9[%bitcast3A_1165], %add3A_1168 : memref<6160xi32, #tpu.memory_space<vmem>>[vector<16xi32>], vector<16xi32>,
      %mul3A_1169 = arith.constant 256 : i32
      %mul3A_1170 = arith.muli %scan3A_1095, %mul3A_1169 : i32
      %add3A_1171 = arith.constant 80 : i32
      %add3A_1172 = arith.addi %mul3A_1170, %add3A_1171 : i32
      %get3A_1173 = arith.index_cast %add3A_1172 : i32 to index
      %get3A_1174 = tpu.vector_load %arg8[%get3A_1173] {strides = array<i32>} : memref<40192xi32, #tpu.memory_space<vmem>>, vector<16xi32>,
      %sub3A_1175 = vector.broadcast %mul3A_0 : i32 to vector<16xi32>
      %sub3A_1176 = arith.subi %get3A_1174, %sub3A_1175 : vector<16xi32>
      %bitcast3A_1177 = vector.bitcast %sub3A_1176 : vector<16xi32> to vector<16xi32>
      %bitcast3A_1178 = vector.bitcast %add3A : vector<16xi32> to vector<16xi32>
      %min3A_1179 = arith.minui %bitcast3A_1177, %bitcast3A_1178 : vector<16xi32>
      %bitcast3A_1180 = vector.bitcast %min3A_1179 : vector<16xi32> to vector<16xi32>
      %add3A_1181 = arith.constant 80 : i32
      %add3A_1182 = vector.broadcast %add3A_1181 : i32 to vector<16xi32>
      %add3A_1183 = arith.addi %scan3A_1096, %add3A_1182 : vector<16xi32>
      tpu.vector_store_idx %arg9[%bitcast3A_1180], %add3A_1183 : memref<6160xi32, #tpu.memory_space<vmem>>[vector<16xi32>], vector<16xi32>,
      %mul3A_1184 = arith.constant 256 : i32
      %mul3A_1185 = arith.muli %scan3A_1095, %mul3A_1184 : i32
      %add3A_1186 = arith.constant 96 : i32
      %add3A_1187 = arith.addi %mul3A_1185, %add3A_1186 : i32
      %get3A_1188 = arith.index_cast %add3A_1187 : i32 to index
      %get3A_1189 = tpu.vector_load %arg8[%get3A_1188] {strides = array<i32>} : memref<40192xi32, #tpu.memory_space<vmem>>, vector<16xi32>,
      %sub3A_1190 = vector.broadcast %mul3A_0 : i32 to vector<16xi32>
      %sub3A_1191 = arith.subi %get3A_1189, %sub3A_1190 : vector<16xi32>
      %bitcast3A_1192 = vector.bitcast %sub3A_1191 : vector<16xi32> to vector<16xi32>
      %bitcast3A_1193 = vector.bitcast %add3A : vector<16xi32> to vector<16xi32>
      %min3A_1194 = arith.minui %bitcast3A_1192, %bitcast3A_1193 : vector<16xi32>
      %bitcast3A_1195 = vector.bitcast %min3A_1194 : vector<16xi32> to vector<16xi32>
      %add3A_1196 = arith.constant 96 : i32
      %add3A_1197 = vector.broadcast %add3A_1196 : i32 to vector<16xi32>
      %add3A_1198 = arith.addi %scan3A_1096, %add3A_1197 : vector<16xi32>
      tpu.vector_store_idx %arg9[%bitcast3A_1195], %add3A_1198 : memref<6160xi32, #tpu.memory_space<vmem>>[vector<16xi32>], vector<16xi32>,
      %mul3A_1199 = arith.constant 256 : i32
      %mul3A_1200 = arith.muli %scan3A_1095, %mul3A_1199 : i32
      %add3A_1201 = arith.constant 112 : i32
      %add3A_1202 = arith.addi %mul3A_1200, %add3A_1201 : i32
      %get3A_1203 = arith.index_cast %add3A_1202 : i32 to index
      %get3A_1204 = tpu.vector_load %arg8[%get3A_1203] {strides = array<i32>} : memref<40192xi32, #tpu.memory_space<vmem>>, vector<16xi32>,
      %sub3A_1205 = vector.broadcast %mul3A_0 : i32 to vector<16xi32>
      %sub3A_1206 = arith.subi %get3A_1204, %sub3A_1205 : vector<16xi32>
      %bitcast3A_1207 = vector.bitcast %sub3A_1206 : vector<16xi32> to vector<16xi32>
      %bitcast3A_1208 = vector.bitcast %add3A : vector<16xi32> to vector<16xi32>
      %min3A_1209 = arith.minui %bitcast3A_1207, %bitcast3A_1208 : vector<16xi32>
      %bitcast3A_1210 = vector.bitcast %min3A_1209 : vector<16xi32> to vector<16xi32>
      %add3A_1211 = arith.constant 112 : i32
      %add3A_1212 = vector.broadcast %add3A_1211 : i32 to vector<16xi32>
      %add3A_1213 = arith.addi %scan3A_1096, %add3A_1212 : vector<16xi32>
      tpu.vector_store_idx %arg9[%bitcast3A_1210], %add3A_1213 : memref<6160xi32, #tpu.memory_space<vmem>>[vector<16xi32>], vector<16xi32>,
      %add3A_1214 = arith.constant 128 : i32
      %add3A_1215 = vector.broadcast %add3A_1214 : i32 to vector<16xi32>
      %add3A_1216 = arith.addi %scan3A_1096, %add3A_1215 : vector<16xi32>
      scf.yield %add3A_1216 : vector<16xi32>
    }
    %scan3A_27 = arith.constant 157 : i32
    "tpu.trace_stop"() : () -> ()
    %mul3A_28 = arith.constant 384 : i32
    %mul3A_29 = arith.muli %arg1, %mul3A_28 : i32
    %add3A_30 = arith.addi %mul3A_0, %mul3A_29 : i32
    "tpu.trace_start"() <{level = 10 : i32, message = "p2_merge"}> : () -> ()
    "tpu.region"() ({
      %run_scoped3A = tpu.sem_alloc : memref<!tpu.dma_semaphore, #tpu.memory_space<semaphore_mem>>
      %dma_start3A_1095 = arith.constant 0 : i32
      %dma_start3A_1096 = tpu.memref_slice %arg9[%dma_start3A_1095] : memref<6160xi32, #tpu.memory_space<vmem>> -> memref<6144xi32, #tpu.memory_space<vmem>>
      %dma_start3A_1097 = arith.constant 0 : i32
      %dma_start3A_1098 = tpu.memref_slice %arg10[%arg1, %dma_start3A_1097] : memref<16x6144xi32, #tpu.memory_space<vmem_shared>> -> memref<1x6144xi32, #tpu.memory_space<vmem_shared>>
      %dma_start3A_1099 = tpu.memref_squeeze %dma_start3A_1098 : memref<1x6144xi32, #tpu.memory_space<vmem_shared>> -> memref<6144xi32, #tpu.memory_space<vmem_shared>>
      %dma_start3A_1100 = arith.constant 0 : i32
      %dma_start3A_1101 = tpu.memref_slice %arg10[%arg1, %dma_start3A_1100] : memref<16x6144xi32, #tpu.memory_space<vmem_shared>> -> memref<1x6144xi32, #tpu.memory_space<vmem_shared>>
      %dma_start3A_1102 = tpu.memref_squeeze %dma_start3A_1101 : memref<1x6144xi32, #tpu.memory_space<vmem_shared>> -> memref<6144xi32, #tpu.memory_space<vmem_shared>>
      %dma_start3A_1103 = arith.constant 0 : i32
      %dma_start3A_1104 = tpu.memref_slice %arg9[%dma_start3A_1103] : memref<6160xi32, #tpu.memory_space<vmem>> -> memref<6144xi32, #tpu.memory_space<vmem>>
      tpu.enqueue_dma source(%dma_start3A_1104 : memref<6144xi32, #tpu.memory_space<vmem>>) target(%dma_start3A_1102 : memref<6144xi32, #tpu.memory_space<vmem_shared>>) target_semaphore(%run_scoped3A : memref<!tpu.dma_semaphore, #tpu.memory_space<semaphore_mem>>)
      %dma_wait3A_1105 = arith.constant 0 : i32
      %dma_wait3A_1106 = tpu.memref_slice %arg9[%dma_wait3A_1105] : memref<6160xi32, #tpu.memory_space<vmem>> -> memref<6144xi32, #tpu.memory_space<vmem>>
      %dma_wait3A_1107 = arith.constant 0 : i32
      %dma_wait3A_1108 = tpu.memref_slice %arg10[%arg1, %dma_wait3A_1107] : memref<16x6144xi32, #tpu.memory_space<vmem_shared>> -> memref<1x6144xi32, #tpu.memory_space<vmem_shared>>
      %dma_wait3A_1109 = tpu.memref_squeeze %dma_wait3A_1108 : memref<1x6144xi32, #tpu.memory_space<vmem_shared>> -> memref<6144xi32, #tpu.memory_space<vmem_shared>>
      %dma_wait3A_1110 = arith.constant 0 : i32
      %dma_wait3A_1111 = tpu.memref_slice %arg10[%arg1, %dma_wait3A_1110] : memref<16x6144xi32, #tpu.memory_space<vmem_shared>> -> memref<1x6144xi32, #tpu.memory_space<vmem_shared>>
      %dma_wait3A_1112 = tpu.memref_squeeze %dma_wait3A_1111 : memref<1x6144xi32, #tpu.memory_space<vmem_shared>> -> memref<6144xi32, #tpu.memory_space<vmem_shared>>
      %dma_wait3A_1113 = arith.constant 0 : i32
      %dma_wait3A_1114 = tpu.memref_slice %arg9[%dma_wait3A_1113] : memref<6160xi32, #tpu.memory_space<vmem>> -> memref<6144xi32, #tpu.memory_space<vmem>>
      tpu.wait_dma2 semaphore(%run_scoped3A : memref<!tpu.dma_semaphore, #tpu.memory_space<semaphore_mem>>) src(%dma_wait3A_1114 : memref<6144xi32, #tpu.memory_space<vmem>>) dst(%dma_wait3A_1112 : memref<6144xi32, #tpu.memory_space<vmem_shared>>)
      tpu.yield
    }) : () -> ()
    %barrier3A = arith.constant 0 : index
    tpu.barrier barrier_id(%barrier3A)
    %mul3A_31 = arith.constant 384 : i32
    %mul3A_32 = arith.muli %arg1, %mul3A_31 : i32
    "tpu.region"() ({
      %run_scoped3A = tpu.sem_alloc : memref<!tpu.dma_semaphore, #tpu.memory_space<semaphore_mem>>
      %dma_start3A_1095 = arith.constant 0 : i32
      %dma_start3A_1096 = tpu.memref_slice %arg10[%dma_start3A_1095, %mul3A_32] : memref<16x6144xi32, #tpu.memory_space<vmem_shared>> -> memref<16x384xi32, #tpu.memory_space<vmem_shared>>
      %dma_start3A_1097 = arith.constant 0 : i32
      %dma_start3A_1098 = tpu.memref_slice %arg10[%dma_start3A_1097, %mul3A_32] : memref<16x6144xi32, #tpu.memory_space<vmem_shared>> -> memref<16x384xi32, #tpu.memory_space<vmem_shared>>
      tpu.enqueue_dma source(%dma_start3A_1098 : memref<16x384xi32, #tpu.memory_space<vmem_shared>>) target(%arg11 : memref<16x384xi32, #tpu.memory_space<vmem>>) target_semaphore(%run_scoped3A : memref<!tpu.dma_semaphore, #tpu.memory_space<semaphore_mem>>)
      %dma_wait3A_1099 = arith.constant 0 : i32
      %dma_wait3A_1100 = tpu.memref_slice %arg10[%dma_wait3A_1099, %mul3A_32] : memref<16x6144xi32, #tpu.memory_space<vmem_shared>> -> memref<16x384xi32, #tpu.memory_space<vmem_shared>>
      %dma_wait3A_1101 = arith.constant 0 : i32
      %dma_wait3A_1102 = tpu.memref_slice %arg10[%dma_wait3A_1101, %mul3A_32] : memref<16x6144xi32, #tpu.memory_space<vmem_shared>> -> memref<16x384xi32, #tpu.memory_space<vmem_shared>>
      tpu.wait_dma2 semaphore(%run_scoped3A : memref<!tpu.dma_semaphore, #tpu.memory_space<semaphore_mem>>) src(%dma_wait3A_1102 : memref<16x384xi32, #tpu.memory_space<vmem_shared>>) dst(%arg11 : memref<16x384xi32, #tpu.memory_space<vmem>>)
      tpu.yield
    }) : () -> ()
    %scan3A_33 = arith.constant 0 : i32
    %scan3A_34 = arith.constant 0 : i32
    %scan3A_35 = arith.constant 24 : i32
    %scan3A_36 = arith.addi %scan3A_34, %scan3A_35 : i32
    %scan3A_37 = arith.constant 1 : i32
    %scan3A_38 = scf.for %scan3A_1095 = %scan3A_34 to %scan3A_36 step %scan3A_37 iter_args(%scan3A_1096 = %scan3A_33) -> (i32)  : i32 {
      %mul3A_1097 = arith.constant 16 : i32
      %mul3A_1098 = arith.muli %scan3A_1095, %mul3A_1097 : i32
      %get3A = arith.constant 0 : i32
      %get3A_1099 = arith.index_cast %get3A : i32 to index
      %get3A_1100 = arith.index_cast %mul3A_1098 : i32 to index
      %get3A_1101 = tpu.vector_load %arg11[%get3A_1099, %get3A_1100] {strides = array<i32>} : memref<16x384xi32, #tpu.memory_space<vmem>>, vector<16xi32>,
      %max3A = arith.maxsi %broadcast_in_dim3A_1, %get3A_1101 : vector<16xi32>
      %mul3A_1102 = arith.constant 16 : i32
      %mul3A_1103 = arith.muli %scan3A_1095, %mul3A_1102 : i32
      %get3A_1104 = arith.constant 1 : i32
      %get3A_1105 = arith.index_cast %get3A_1104 : i32 to index
      %get3A_1106 = arith.index_cast %mul3A_1103 : i32 to index
      %get3A_1107 = tpu.vector_load %arg11[%get3A_1105, %get3A_1106] {strides = array<i32>} : memref<16x384xi32, #tpu.memory_space<vmem>>, vector<16xi32>,
      %max3A_1108 = arith.maxsi %max3A, %get3A_1107 : vector<16xi32>
      %mul3A_1109 = arith.constant 16 : i32
      %mul3A_1110 = arith.muli %scan3A_1095, %mul3A_1109 : i32
      %get3A_1111 = arith.constant 2 : i32
      %get3A_1112 = arith.index_cast %get3A_1111 : i32 to index
      %get3A_1113 = arith.index_cast %mul3A_1110 : i32 to index
      %get3A_1114 = tpu.vector_load %arg11[%get3A_1112, %get3A_1113] {strides = array<i32>} : memref<16x384xi32, #tpu.memory_space<vmem>>, vector<16xi32>,
      %max3A_1115 = arith.maxsi %max3A_1108, %get3A_1114 : vector<16xi32>
      %mul3A_1116 = arith.constant 16 : i32
      %mul3A_1117 = arith.muli %scan3A_1095, %mul3A_1116 : i32
      %get3A_1118 = arith.constant 3 : i32
      %get3A_1119 = arith.index_cast %get3A_1118 : i32 to index
      %get3A_1120 = arith.index_cast %mul3A_1117 : i32 to index
      %get3A_1121 = tpu.vector_load %arg11[%get3A_1119, %get3A_1120] {strides = array<i32>} : memref<16x384xi32, #tpu.memory_space<vmem>>, vector<16xi32>,
      %max3A_1122 = arith.maxsi %max3A_1115, %get3A_1121 : vector<16xi32>
      %mul3A_1123 = arith.constant 16 : i32
      %mul3A_1124 = arith.muli %scan3A_1095, %mul3A_1123 : i32
      %get3A_1125 = arith.constant 4 : i32
      %get3A_1126 = arith.index_cast %get3A_1125 : i32 to index
      %get3A_1127 = arith.index_cast %mul3A_1124 : i32 to index
      %get3A_1128 = tpu.vector_load %arg11[%get3A_1126, %get3A_1127] {strides = array<i32>} : memref<16x384xi32, #tpu.memory_space<vmem>>, vector<16xi32>,
      %max3A_1129 = arith.maxsi %max3A_1122, %get3A_1128 : vector<16xi32>
      %mul3A_1130 = arith.constant 16 : i32
      %mul3A_1131 = arith.muli %scan3A_1095, %mul3A_1130 : i32
      %get3A_1132 = arith.constant 5 : i32
      %get3A_1133 = arith.index_cast %get3A_1132 : i32 to index
      %get3A_1134 = arith.index_cast %mul3A_1131 : i32 to index
      %get3A_1135 = tpu.vector_load %arg11[%get3A_1133, %get3A_1134] {strides = array<i32>} : memref<16x384xi32, #tpu.memory_space<vmem>>, vector<16xi32>,
      %max3A_1136 = arith.maxsi %max3A_1129, %get3A_1135 : vector<16xi32>
      %mul3A_1137 = arith.constant 16 : i32
      %mul3A_1138 = arith.muli %scan3A_1095, %mul3A_1137 : i32
      %get3A_1139 = arith.constant 6 : i32
      %get3A_1140 = arith.index_cast %get3A_1139 : i32 to index
      %get3A_1141 = arith.index_cast %mul3A_1138 : i32 to index
      %get3A_1142 = tpu.vector_load %arg11[%get3A_1140, %get3A_1141] {strides = array<i32>} : memref<16x384xi32, #tpu.memory_space<vmem>>, vector<16xi32>,
      %max3A_1143 = arith.maxsi %max3A_1136, %get3A_1142 : vector<16xi32>
      %mul3A_1144 = arith.constant 16 : i32
      %mul3A_1145 = arith.muli %scan3A_1095, %mul3A_1144 : i32
      %get3A_1146 = arith.constant 7 : i32
      %get3A_1147 = arith.index_cast %get3A_1146 : i32 to index
      %get3A_1148 = arith.index_cast %mul3A_1145 : i32 to index
      %get3A_1149 = tpu.vector_load %arg11[%get3A_1147, %get3A_1148] {strides = array<i32>} : memref<16x384xi32, #tpu.memory_space<vmem>>, vector<16xi32>,
      %max3A_1150 = arith.maxsi %max3A_1143, %get3A_1149 : vector<16xi32>
      %mul3A_1151 = arith.constant 16 : i32
      %mul3A_1152 = arith.muli %scan3A_1095, %mul3A_1151 : i32
      %get3A_1153 = arith.constant 8 : i32
      %get3A_1154 = arith.index_cast %get3A_1153 : i32 to index
      %get3A_1155 = arith.index_cast %mul3A_1152 : i32 to index
      %get3A_1156 = tpu.vector_load %arg11[%get3A_1154, %get3A_1155] {strides = array<i32>} : memref<16x384xi32, #tpu.memory_space<vmem>>, vector<16xi32>,
      %max3A_1157 = arith.maxsi %max3A_1150, %get3A_1156 : vector<16xi32>
      %mul3A_1158 = arith.constant 16 : i32
      %mul3A_1159 = arith.muli %scan3A_1095, %mul3A_1158 : i32
      %get3A_1160 = arith.constant 9 : i32
      %get3A_1161 = arith.index_cast %get3A_1160 : i32 to index
      %get3A_1162 = arith.index_cast %mul3A_1159 : i32 to index
      %get3A_1163 = tpu.vector_load %arg11[%get3A_1161, %get3A_1162] {strides = array<i32>} : memref<16x384xi32, #tpu.memory_space<vmem>>, vector<16xi32>,
      %max3A_1164 = arith.maxsi %max3A_1157, %get3A_1163 : vector<16xi32>
      %mul3A_1165 = arith.constant 16 : i32
      %mul3A_1166 = arith.muli %scan3A_1095, %mul3A_1165 : i32
      %get3A_1167 = arith.constant 10 : i32
      %get3A_1168 = arith.index_cast %get3A_1167 : i32 to index
      %get3A_1169 = arith.index_cast %mul3A_1166 : i32 to index
      %get3A_1170 = tpu.vector_load %arg11[%get3A_1168, %get3A_1169] {strides = array<i32>} : memref<16x384xi32, #tpu.memory_space<vmem>>, vector<16xi32>,
      %max3A_1171 = arith.maxsi %max3A_1164, %get3A_1170 : vector<16xi32>
      %mul3A_1172 = arith.constant 16 : i32
      %mul3A_1173 = arith.muli %scan3A_1095, %mul3A_1172 : i32
      %get3A_1174 = arith.constant 11 : i32
      %get3A_1175 = arith.index_cast %get3A_1174 : i32 to index
      %get3A_1176 = arith.index_cast %mul3A_1173 : i32 to index
      %get3A_1177 = tpu.vector_load %arg11[%get3A_1175, %get3A_1176] {strides = array<i32>} : memref<16x384xi32, #tpu.memory_space<vmem>>, vector<16xi32>,
      %max3A_1178 = arith.maxsi %max3A_1171, %get3A_1177 : vector<16xi32>
      %mul3A_1179 = arith.constant 16 : i32
      %mul3A_1180 = arith.muli %scan3A_1095, %mul3A_1179 : i32
      %get3A_1181 = arith.constant 12 : i32
      %get3A_1182 = arith.index_cast %get3A_1181 : i32 to index
      %get3A_1183 = arith.index_cast %mul3A_1180 : i32 to index
      %get3A_1184 = tpu.vector_load %arg11[%get3A_1182, %get3A_1183] {strides = array<i32>} : memref<16x384xi32, #tpu.memory_space<vmem>>, vector<16xi32>,
      %max3A_1185 = arith.maxsi %max3A_1178, %get3A_1184 : vector<16xi32>
      %mul3A_1186 = arith.constant 16 : i32
      %mul3A_1187 = arith.muli %scan3A_1095, %mul3A_1186 : i32
      %get3A_1188 = arith.constant 13 : i32
      %get3A_1189 = arith.index_cast %get3A_1188 : i32 to index
      %get3A_1190 = arith.index_cast %mul3A_1187 : i32 to index
      %get3A_1191 = tpu.vector_load %arg11[%get3A_1189, %get3A_1190] {strides = array<i32>} : memref<16x384xi32, #tpu.memory_space<vmem>>, vector<16xi32>,
      %max3A_1192 = arith.maxsi %max3A_1185, %get3A_1191 : vector<16xi32>
      %mul3A_1193 = arith.constant 16 : i32
      %mul3A_1194 = arith.muli %scan3A_1095, %mul3A_1193 : i32
      %get3A_1195 = arith.constant 14 : i32
      %get3A_1196 = arith.index_cast %get3A_1195 : i32 to index
      %get3A_1197 = arith.index_cast %mul3A_1194 : i32 to index
      %get3A_1198 = tpu.vector_load %arg11[%get3A_1196, %get3A_1197] {strides = array<i32>} : memref<16x384xi32, #tpu.memory_space<vmem>>, vector<16xi32>,
      %max3A_1199 = arith.maxsi %max3A_1192, %get3A_1198 : vector<16xi32>
      %mul3A_1200 = arith.constant 16 : i32
      %mul3A_1201 = arith.muli %scan3A_1095, %mul3A_1200 : i32
      %get3A_1202 = arith.constant 15 : i32
      %get3A_1203 = arith.index_cast %get3A_1202 : i32 to index
      %get3A_1204 = arith.index_cast %mul3A_1201 : i32 to index
      %get3A_1205 = tpu.vector_load %arg11[%get3A_1203, %get3A_1204] {strides = array<i32>} : memref<16x384xi32, #tpu.memory_space<vmem>>, vector<16xi32>,
      %max3A_1206 = arith.maxsi %max3A_1199, %get3A_1205 : vector<16xi32>
      %mul3A_1207 = arith.constant 16 : i32
      %mul3A_1208 = arith.muli %scan3A_1095, %mul3A_1207 : i32
      %swap3A = arith.index_cast %mul3A_1208 : i32 to index
      %swap3A_1209 = tpu.vector_load %arg12[%swap3A] {strides = array<i32>} : memref<384xi32, #tpu.memory_space<vmem>>, vector<16xi32>,
      tpu.vector_store %arg12[%swap3A], %max3A_1206 {strides = array<i32>} : memref<384xi32, #tpu.memory_space<vmem>>, vector<16xi32>,
      %mul3A_1210 = arith.constant 16 : i32
      %mul3A_1211 = arith.muli %scan3A_1095, %mul3A_1210 : i32
      %add3A_1212 = arith.addi %add3A_30, %mul3A_1211 : i32
      %add3A_1213 = vector.broadcast %add3A_1212 : i32 to vector<16xi32>
      %add3A_1214 = arith.addi %add3A_1213, %iota3A : vector<16xi32>
      %ge3A = arith.constant 0 : i32
      %ge3A_1215 = vector.broadcast %ge3A : i32 to vector<16xi32>
      %ge3A_1216 = arith.cmpi sge, %max3A_1206, %ge3A_1215 : vector<16xi32>
      %select_n3A = arith.select %ge3A_1216, %max3A_1206, %add3A_1214 : vector<16xi1>, vector<16xi32>
      %shift_right_logical3A = arith.constant 7 : i32
      %shift_right_logical3A_1217 = vector.broadcast %shift_right_logical3A : i32 to vector<16xi32>
      %shift_right_logical3A_1218 = arith.shrui %select_n3A, %shift_right_logical3A_1217 : vector<16xi32>
      %shift_left3A = arith.constant 8 : i32
      %shift_left3A_1219 = vector.broadcast %shift_left3A : i32 to vector<16xi32>
      %shift_left3A_1220 = arith.shli %shift_right_logical3A_1218, %shift_left3A_1219 : vector<16xi32>
      %and3A = arith.constant 127 : i32
      %and3A_1221 = vector.broadcast %and3A : i32 to vector<16xi32>
      %and3A_1222 = arith.andi %select_n3A, %and3A_1221 : vector<16xi32>
      %add3A_1223 = arith.addi %shift_left3A_1220, %and3A_1222 : vector<16xi32>
      %add3A_1224 = arith.constant 128 : i32
      %add3A_1225 = vector.broadcast %add3A_1224 : i32 to vector<16xi32>
      %add3A_1226 = arith.addi %add3A_1223, %add3A_1225 : vector<16xi32>
      %mul3A_1227 = arith.constant 16 : i32
      %mul3A_1228 = arith.muli %scan3A_1095, %mul3A_1227 : i32
      %swap3A_1229 = arith.index_cast %mul3A_1228 : i32 to index
      %swap3A_1230 = tpu.vector_load %arg14[%swap3A_1229] {strides = array<i32>} : memref<384xi32, #tpu.memory_space<vmem>>, vector<16xi32>,
      tpu.vector_store %arg14[%swap3A_1229], %add3A_1226 {strides = array<i32>} : memref<384xi32, #tpu.memory_space<vmem>>, vector<16xi32>,
      %add3A_1231 = arith.constant 0 : i32
      %add3A_1232 = vector.broadcast %add3A_1231 : i32 to vector<16xi32>
      %add3A_1233 = arith.addi %select_n3A, %add3A_1232 : vector<16xi32>
      %mul3A_1234 = arith.constant 16 : i32
      %mul3A_1235 = arith.muli %scan3A_1095, %mul3A_1234 : i32
      %swap3A_1236 = arith.constant 0 : i32
      %swap3A_1237 = arith.index_cast %swap3A_1236 : i32 to index
      %swap3A_1238 = arith.index_cast %mul3A_1235 : i32 to index
      %swap3A_1239 = tpu.vector_load %arg13[%swap3A_1237, %swap3A_1238] {strides = array<i32>} : memref<16x384xi32, #tpu.memory_space<vmem>>, vector<16xi32>,
      tpu.vector_store %arg13[%swap3A_1237, %swap3A_1238], %add3A_1233 {strides = array<i32>} : memref<16x384xi32, #tpu.memory_space<vmem>>, vector<16xi32>,
      %add3A_1240 = arith.constant 320000 : i32
      %add3A_1241 = vector.broadcast %add3A_1240 : i32 to vector<16xi32>
      %add3A_1242 = arith.addi %select_n3A, %add3A_1241 : vector<16xi32>
      %mul3A_1243 = arith.constant 16 : i32
      %mul3A_1244 = arith.muli %scan3A_1095, %mul3A_1243 : i32
      %swap3A_1245 = arith.constant 1 : i32
      %swap3A_1246 = arith.index_cast %swap3A_1245 : i32 to index
      %swap3A_1247 = arith.index_cast %mul3A_1244 : i32 to index
      %swap3A_1248 = tpu.vector_load %arg13[%swap3A_1246, %swap3A_1247] {strides = array<i32>} : memref<16x384xi32, #tpu.memory_space<vmem>>, vector<16xi32>,
      tpu.vector_store %arg13[%swap3A_1246, %swap3A_1247], %add3A_1242 {strides = array<i32>} : memref<16x384xi32, #tpu.memory_space<vmem>>, vector<16xi32>,
      %add3A_1249 = arith.constant 640000 : i32
      %add3A_1250 = vector.broadcast %add3A_1249 : i32 to vector<16xi32>
      %add3A_1251 = arith.addi %select_n3A, %add3A_1250 : vector<16xi32>
      %mul3A_1252 = arith.constant 16 : i32
      %mul3A_1253 = arith.muli %scan3A_1095, %mul3A_1252 : i32
      %swap3A_1254 = arith.constant 2 : i32
      %swap3A_1255 = arith.index_cast %swap3A_1254 : i32 to index
      %swap3A_1256 = arith.index_cast %mul3A_1253 : i32 to index
      %swap3A_1257 = tpu.vector_load %arg13[%swap3A_1255, %swap3A_1256] {strides = array<i32>} : memref<16x384xi32, #tpu.memory_space<vmem>>, vector<16xi32>,
      tpu.vector_store %arg13[%swap3A_1255, %swap3A_1256], %add3A_1251 {strides = array<i32>} : memref<16x384xi32, #tpu.memory_space<vmem>>, vector<16xi32>,
      %add3A_1258 = arith.constant 960000 : i32
      %add3A_1259 = vector.broadcast %add3A_1258 : i32 to vector<16xi32>
      %add3A_1260 = arith.addi %select_n3A, %add3A_1259 : vector<16xi32>
      %mul3A_1261 = arith.constant 16 : i32
      %mul3A_1262 = arith.muli %scan3A_1095, %mul3A_1261 : i32
      %swap3A_1263 = arith.constant 3 : i32
      %swap3A_1264 = arith.index_cast %swap3A_1263 : i32 to index
      %swap3A_1265 = arith.index_cast %mul3A_1262 : i32 to index
      %swap3A_1266 = tpu.vector_load %arg13[%swap3A_1264, %swap3A_1265] {strides = array<i32>} : memref<16x384xi32, #tpu.memory_space<vmem>>, vector<16xi32>,
      tpu.vector_store %arg13[%swap3A_1264, %swap3A_1265], %add3A_1260 {strides = array<i32>} : memref<16x384xi32, #tpu.memory_space<vmem>>, vector<16xi32>,
      %add3A_1267 = arith.constant 1280000 : i32
      %add3A_1268 = vector.broadcast %add3A_1267 : i32 to vector<16xi32>
      %add3A_1269 = arith.addi %select_n3A, %add3A_1268 : vector<16xi32>
      %mul3A_1270 = arith.constant 16 : i32
      %mul3A_1271 = arith.muli %scan3A_1095, %mul3A_1270 : i32
      %swap3A_1272 = arith.constant 4 : i32
      %swap3A_1273 = arith.index_cast %swap3A_1272 : i32 to index
      %swap3A_1274 = arith.index_cast %mul3A_1271 : i32 to index
      %swap3A_1275 = tpu.vector_load %arg13[%swap3A_1273, %swap3A_1274] {strides = array<i32>} : memref<16x384xi32, #tpu.memory_space<vmem>>, vector<16xi32>,
      tpu.vector_store %arg13[%swap3A_1273, %swap3A_1274], %add3A_1269 {strides = array<i32>} : memref<16x384xi32, #tpu.memory_space<vmem>>, vector<16xi32>,
      %add3A_1276 = arith.constant 1600000 : i32
      %add3A_1277 = vector.broadcast %add3A_1276 : i32 to vector<16xi32>
      %add3A_1278 = arith.addi %select_n3A, %add3A_1277 : vector<16xi32>
      %mul3A_1279 = arith.constant 16 : i32
      %mul3A_1280 = arith.muli %scan3A_1095, %mul3A_1279 : i32
      %swap3A_1281 = arith.constant 5 : i32
      %swap3A_1282 = arith.index_cast %swap3A_1281 : i32 to index
      %swap3A_1283 = arith.index_cast %mul3A_1280 : i32 to index
      %swap3A_1284 = tpu.vector_load %arg13[%swap3A_1282, %swap3A_1283] {strides = array<i32>} : memref<16x384xi32, #tpu.memory_space<vmem>>, vector<16xi32>,
      tpu.vector_store %arg13[%swap3A_1282, %swap3A_1283], %add3A_1278 {strides = array<i32>} : memref<16x384xi32, #tpu.memory_space<vmem>>, vector<16xi32>,
      %add3A_1285 = arith.constant 1920000 : i32
      %add3A_1286 = vector.broadcast %add3A_1285 : i32 to vector<16xi32>
      %add3A_1287 = arith.addi %select_n3A, %add3A_1286 : vector<16xi32>
      %mul3A_1288 = arith.constant 16 : i32
      %mul3A_1289 = arith.muli %scan3A_1095, %mul3A_1288 : i32
      %swap3A_1290 = arith.constant 6 : i32
      %swap3A_1291 = arith.index_cast %swap3A_1290 : i32 to index
      %swap3A_1292 = arith.index_cast %mul3A_1289 : i32 to index
      %swap3A_1293 = tpu.vector_load %arg13[%swap3A_1291, %swap3A_1292] {strides = array<i32>} : memref<16x384xi32, #tpu.memory_space<vmem>>, vector<16xi32>,
      tpu.vector_store %arg13[%swap3A_1291, %swap3A_1292], %add3A_1287 {strides = array<i32>} : memref<16x384xi32, #tpu.memory_space<vmem>>, vector<16xi32>,
      %add3A_1294 = arith.constant 2240000 : i32
      %add3A_1295 = vector.broadcast %add3A_1294 : i32 to vector<16xi32>
      %add3A_1296 = arith.addi %select_n3A, %add3A_1295 : vector<16xi32>
      %mul3A_1297 = arith.constant 16 : i32
      %mul3A_1298 = arith.muli %scan3A_1095, %mul3A_1297 : i32
      %swap3A_1299 = arith.constant 7 : i32
      %swap3A_1300 = arith.index_cast %swap3A_1299 : i32 to index
      %swap3A_1301 = arith.index_cast %mul3A_1298 : i32 to index
      %swap3A_1302 = tpu.vector_load %arg13[%swap3A_1300, %swap3A_1301] {strides = array<i32>} : memref<16x384xi32, #tpu.memory_space<vmem>>, vector<16xi32>,
      tpu.vector_store %arg13[%swap3A_1300, %swap3A_1301], %add3A_1296 {strides = array<i32>} : memref<16x384xi32, #tpu.memory_space<vmem>>, vector<16xi32>,
      %add3A_1303 = arith.constant 2560000 : i32
      %add3A_1304 = vector.broadcast %add3A_1303 : i32 to vector<16xi32>
      %add3A_1305 = arith.addi %select_n3A, %add3A_1304 : vector<16xi32>
      %mul3A_1306 = arith.constant 16 : i32
      %mul3A_1307 = arith.muli %scan3A_1095, %mul3A_1306 : i32
      %swap3A_1308 = arith.constant 8 : i32
      %swap3A_1309 = arith.index_cast %swap3A_1308 : i32 to index
      %swap3A_1310 = arith.index_cast %mul3A_1307 : i32 to index
      %swap3A_1311 = tpu.vector_load %arg13[%swap3A_1309, %swap3A_1310] {strides = array<i32>} : memref<16x384xi32, #tpu.memory_space<vmem>>, vector<16xi32>,
      tpu.vector_store %arg13[%swap3A_1309, %swap3A_1310], %add3A_1305 {strides = array<i32>} : memref<16x384xi32, #tpu.memory_space<vmem>>, vector<16xi32>,
      %add3A_1312 = arith.constant 2880000 : i32
      %add3A_1313 = vector.broadcast %add3A_1312 : i32 to vector<16xi32>
      %add3A_1314 = arith.addi %select_n3A, %add3A_1313 : vector<16xi32>
      %mul3A_1315 = arith.constant 16 : i32
      %mul3A_1316 = arith.muli %scan3A_1095, %mul3A_1315 : i32
      %swap3A_1317 = arith.constant 9 : i32
      %swap3A_1318 = arith.index_cast %swap3A_1317 : i32 to index
      %swap3A_1319 = arith.index_cast %mul3A_1316 : i32 to index
      %swap3A_1320 = tpu.vector_load %arg13[%swap3A_1318, %swap3A_1319] {strides = array<i32>} : memref<16x384xi32, #tpu.memory_space<vmem>>, vector<16xi32>,
      tpu.vector_store %arg13[%swap3A_1318, %swap3A_1319], %add3A_1314 {strides = array<i32>} : memref<16x384xi32, #tpu.memory_space<vmem>>, vector<16xi32>,
      %add3A_1321 = arith.constant 3200000 : i32
      %add3A_1322 = vector.broadcast %add3A_1321 : i32 to vector<16xi32>
      %add3A_1323 = arith.addi %select_n3A, %add3A_1322 : vector<16xi32>
      %mul3A_1324 = arith.constant 16 : i32
      %mul3A_1325 = arith.muli %scan3A_1095, %mul3A_1324 : i32
      %swap3A_1326 = arith.constant 10 : i32
      %swap3A_1327 = arith.index_cast %swap3A_1326 : i32 to index
      %swap3A_1328 = arith.index_cast %mul3A_1325 : i32 to index
      %swap3A_1329 = tpu.vector_load %arg13[%swap3A_1327, %swap3A_1328] {strides = array<i32>} : memref<16x384xi32, #tpu.memory_space<vmem>>, vector<16xi32>,
      tpu.vector_store %arg13[%swap3A_1327, %swap3A_1328], %add3A_1323 {strides = array<i32>} : memref<16x384xi32, #tpu.memory_space<vmem>>, vector<16xi32>,
      %add3A_1330 = arith.constant 3520000 : i32
      %add3A_1331 = vector.broadcast %add3A_1330 : i32 to vector<16xi32>
      %add3A_1332 = arith.addi %select_n3A, %add3A_1331 : vector<16xi32>
      %mul3A_1333 = arith.constant 16 : i32
      %mul3A_1334 = arith.muli %scan3A_1095, %mul3A_1333 : i32
      %swap3A_1335 = arith.constant 11 : i32
      %swap3A_1336 = arith.index_cast %swap3A_1335 : i32 to index
      %swap3A_1337 = arith.index_cast %mul3A_1334 : i32 to index
      %swap3A_1338 = tpu.vector_load %arg13[%swap3A_1336, %swap3A_1337] {strides = array<i32>} : memref<16x384xi32, #tpu.memory_space<vmem>>, vector<16xi32>,
      tpu.vector_store %arg13[%swap3A_1336, %swap3A_1337], %add3A_1332 {strides = array<i32>} : memref<16x384xi32, #tpu.memory_space<vmem>>, vector<16xi32>,
      %add3A_1339 = arith.constant 3840000 : i32
      %add3A_1340 = vector.broadcast %add3A_1339 : i32 to vector<16xi32>
      %add3A_1341 = arith.addi %select_n3A, %add3A_1340 : vector<16xi32>
      %mul3A_1342 = arith.constant 16 : i32
      %mul3A_1343 = arith.muli %scan3A_1095, %mul3A_1342 : i32
      %swap3A_1344 = arith.constant 12 : i32
      %swap3A_1345 = arith.index_cast %swap3A_1344 : i32 to index
      %swap3A_1346 = arith.index_cast %mul3A_1343 : i32 to index
      %swap3A_1347 = tpu.vector_load %arg13[%swap3A_1345, %swap3A_1346] {strides = array<i32>} : memref<16x384xi32, #tpu.memory_space<vmem>>, vector<16xi32>,
      tpu.vector_store %arg13[%swap3A_1345, %swap3A_1346], %add3A_1341 {strides = array<i32>} : memref<16x384xi32, #tpu.memory_space<vmem>>, vector<16xi32>,
      %add3A_1348 = arith.constant 4160000 : i32
      %add3A_1349 = vector.broadcast %add3A_1348 : i32 to vector<16xi32>
      %add3A_1350 = arith.addi %select_n3A, %add3A_1349 : vector<16xi32>
      %mul3A_1351 = arith.constant 16 : i32
      %mul3A_1352 = arith.muli %scan3A_1095, %mul3A_1351 : i32
      %swap3A_1353 = arith.constant 13 : i32
      %swap3A_1354 = arith.index_cast %swap3A_1353 : i32 to index
      %swap3A_1355 = arith.index_cast %mul3A_1352 : i32 to index
      %swap3A_1356 = tpu.vector_load %arg13[%swap3A_1354, %swap3A_1355] {strides = array<i32>} : memref<16x384xi32, #tpu.memory_space<vmem>>, vector<16xi32>,
      tpu.vector_store %arg13[%swap3A_1354, %swap3A_1355], %add3A_1350 {strides = array<i32>} : memref<16x384xi32, #tpu.memory_space<vmem>>, vector<16xi32>,
      %add3A_1357 = arith.constant 4480000 : i32
      %add3A_1358 = vector.broadcast %add3A_1357 : i32 to vector<16xi32>
      %add3A_1359 = arith.addi %select_n3A, %add3A_1358 : vector<16xi32>
      %mul3A_1360 = arith.constant 16 : i32
      %mul3A_1361 = arith.muli %scan3A_1095, %mul3A_1360 : i32
      %swap3A_1362 = arith.constant 14 : i32
      %swap3A_1363 = arith.index_cast %swap3A_1362 : i32 to index
      %swap3A_1364 = arith.index_cast %mul3A_1361 : i32 to index
      %swap3A_1365 = tpu.vector_load %arg13[%swap3A_1363, %swap3A_1364] {strides = array<i32>} : memref<16x384xi32, #tpu.memory_space<vmem>>, vector<16xi32>,
      tpu.vector_store %arg13[%swap3A_1363, %swap3A_1364], %add3A_1359 {strides = array<i32>} : memref<16x384xi32, #tpu.memory_space<vmem>>, vector<16xi32>,
      %add3A_1366 = arith.constant 4800000 : i32
      %add3A_1367 = vector.broadcast %add3A_1366 : i32 to vector<16xi32>
      %add3A_1368 = arith.addi %select_n3A, %add3A_1367 : vector<16xi32>
      %mul3A_1369 = arith.constant 16 : i32
      %mul3A_1370 = arith.muli %scan3A_1095, %mul3A_1369 : i32
      %swap3A_1371 = arith.constant 15 : i32
      %swap3A_1372 = arith.index_cast %swap3A_1371 : i32 to index
      %swap3A_1373 = arith.index_cast %mul3A_1370 : i32 to index
      %swap3A_1374 = tpu.vector_load %arg13[%swap3A_1372, %swap3A_1373] {strides = array<i32>} : memref<16x384xi32, #tpu.memory_space<vmem>>, vector<16xi32>,
      tpu.vector_store %arg13[%swap3A_1372, %swap3A_1373], %add3A_1368 {strides = array<i32>} : memref<16x384xi32, #tpu.memory_space<vmem>>, vector<16xi32>,
      %scan3A_1375 = arith.constant 0 : i32
      scf.yield %scan3A_1375 : i32
    }
    %scan3A_39 = arith.constant 24 : i32
    "tpu.trace_stop"() : () -> ()
    %dma_start3A_40 = tpu.memref_slice %arg5[%add3A_30] : memref<12288xi32, #tpu.memory_space<hbm>> -> memref<384xi32, #tpu.memory_space<hbm>>
    %dma_start3A_41 = tpu.memref_slice %arg5[%add3A_30] : memref<12288xi32, #tpu.memory_space<hbm>> -> memref<384xi32, #tpu.memory_space<hbm>>
    tpu.enqueue_dma source(%arg12 : memref<384xi32, #tpu.memory_space<vmem>>) target(%dma_start3A_41 : memref<384xi32, #tpu.memory_space<hbm>>) target_semaphore(%arg20 : memref<!tpu.dma_semaphore, #tpu.memory_space<semaphore_mem>>)
    "tpu.trace_start"() <{level = 10 : i32, message = "p3_gather"}> : () -> ()
    %dma_start3A_42 = arith.constant 0 : i32
    %dma_start3A_43 = tpu.memref_slice %arg15[%dma_start3A_42] : memref<384xi32, #tpu.memory_space<vmem>> -> memref<128xi32, #tpu.memory_space<vmem>>
    %dma_start3A_44 = arith.constant 0 : i32
    %dma_start3A_45 = tpu.memref_slice %arg14[%dma_start3A_44] : memref<384xi32, #tpu.memory_space<vmem>> -> memref<128xi32, #tpu.memory_space<vmem>>
    %dma_start3A_46 = arith.constant 0 : i32
    %dma_start3A_47 = tpu.memref_slice %arg2[%dma_start3A_46] : memref<640000xi32, #tpu.memory_space<hbm>> -> memref<640000xi32, #tpu.memory_space<hbm>>
    tpu.enqueue_indirect_dma source(%dma_start3A_47 : memref<640000xi32, #tpu.memory_space<hbm>>) target(%dma_start3A_43 : memref<128xi32, #tpu.memory_space<vmem>>) offsets(%dma_start3A_45 : memref<128xi32, #tpu.memory_space<vmem>>) semaphore(%arg19 : memref<!tpu.dma_semaphore, #tpu.memory_space<semaphore_mem>>)
    %dma_start3A_48 = arith.constant 128 : i32
    %dma_start3A_49 = tpu.memref_slice %arg15[%dma_start3A_48] : memref<384xi32, #tpu.memory_space<vmem>> -> memref<128xi32, #tpu.memory_space<vmem>>
    %dma_start3A_50 = arith.constant 128 : i32
    %dma_start3A_51 = tpu.memref_slice %arg14[%dma_start3A_50] : memref<384xi32, #tpu.memory_space<vmem>> -> memref<128xi32, #tpu.memory_space<vmem>>
    %dma_start3A_52 = arith.constant 0 : i32
    %dma_start3A_53 = tpu.memref_slice %arg2[%dma_start3A_52] : memref<640000xi32, #tpu.memory_space<hbm>> -> memref<640000xi32, #tpu.memory_space<hbm>>
    tpu.enqueue_indirect_dma source(%dma_start3A_53 : memref<640000xi32, #tpu.memory_space<hbm>>) target(%dma_start3A_49 : memref<128xi32, #tpu.memory_space<vmem>>) offsets(%dma_start3A_51 : memref<128xi32, #tpu.memory_space<vmem>>) semaphore(%arg19 : memref<!tpu.dma_semaphore, #tpu.memory_space<semaphore_mem>>)
    %dma_start3A_54 = arith.constant 256 : i32
    %dma_start3A_55 = tpu.memref_slice %arg15[%dma_start3A_54] : memref<384xi32, #tpu.memory_space<vmem>> -> memref<128xi32, #tpu.memory_space<vmem>>
    %dma_start3A_56 = arith.constant 256 : i32
    %dma_start3A_57 = tpu.memref_slice %arg14[%dma_start3A_56] : memref<384xi32, #tpu.memory_space<vmem>> -> memref<128xi32, #tpu.memory_space<vmem>>
    %dma_start3A_58 = arith.constant 0 : i32
    %dma_start3A_59 = tpu.memref_slice %arg2[%dma_start3A_58] : memref<640000xi32, #tpu.memory_space<hbm>> -> memref<640000xi32, #tpu.memory_space<hbm>>
    tpu.enqueue_indirect_dma source(%dma_start3A_59 : memref<640000xi32, #tpu.memory_space<hbm>>) target(%dma_start3A_55 : memref<128xi32, #tpu.memory_space<vmem>>) offsets(%dma_start3A_57 : memref<128xi32, #tpu.memory_space<vmem>>) semaphore(%arg19 : memref<!tpu.dma_semaphore, #tpu.memory_space<semaphore_mem>>)
    %dma_start3A_60 = arith.constant 0 : i32
    %dma_start3A_61 = arith.constant 0 : i32
    %dma_start3A_62 = arith.constant 0 : i32
    %dma_start3A_63 = tpu.memref_slice %arg17[%dma_start3A_61, %dma_start3A_62] : memref<16x384xf32, #tpu.memory_space<vmem>> -> memref<1x128xf32, #tpu.memory_space<vmem>>
    %dma_start3A_64 = tpu.memref_squeeze %dma_start3A_63 : memref<1x128xf32, #tpu.memory_space<vmem>> -> memref<128xf32, #tpu.memory_space<vmem>>
    %dma_start3A_65 = arith.constant 0 : i32
    %dma_start3A_66 = tpu.memref_slice %arg13[%dma_start3A_60, %dma_start3A_65] : memref<16x384xi32, #tpu.memory_space<vmem>> -> memref<1x128xi32, #tpu.memory_space<vmem>>
    %dma_start3A_67 = tpu.memref_squeeze %dma_start3A_66 : memref<1x128xi32, #tpu.memory_space<vmem>> -> memref<128xi32, #tpu.memory_space<vmem>>
    %dma_start3A_68 = arith.constant 0 : i32
    %dma_start3A_69 = tpu.memref_slice %arg3[%dma_start3A_68] : memref<5120000xf32, #tpu.memory_space<hbm>> -> memref<5120000xf32, #tpu.memory_space<hbm>>
    tpu.enqueue_indirect_dma source(%dma_start3A_69 : memref<5120000xf32, #tpu.memory_space<hbm>>) target(%dma_start3A_64 : memref<128xf32, #tpu.memory_space<vmem>>) offsets(%dma_start3A_67 : memref<128xi32, #tpu.memory_space<vmem>>) semaphore(%arg19 : memref<!tpu.dma_semaphore, #tpu.memory_space<semaphore_mem>>)
    %dma_start3A_70 = arith.constant 0 : i32
    %dma_start3A_71 = arith.constant 0 : i32
    %dma_start3A_72 = arith.constant 128 : i32
    %dma_start3A_73 = tpu.memref_slice %arg17[%dma_start3A_71, %dma_start3A_72] : memref<16x384xf32, #tpu.memory_space<vmem>> -> memref<1x128xf32, #tpu.memory_space<vmem>>
    %dma_start3A_74 = tpu.memref_squeeze %dma_start3A_73 : memref<1x128xf32, #tpu.memory_space<vmem>> -> memref<128xf32, #tpu.memory_space<vmem>>
    %dma_start3A_75 = arith.constant 128 : i32
    %dma_start3A_76 = tpu.memref_slice %arg13[%dma_start3A_70, %dma_start3A_75] : memref<16x384xi32, #tpu.memory_space<vmem>> -> memref<1x128xi32, #tpu.memory_space<vmem>>
    %dma_start3A_77 = tpu.memref_squeeze %dma_start3A_76 : memref<1x128xi32, #tpu.memory_space<vmem>> -> memref<128xi32, #tpu.memory_space<vmem>>
    %dma_start3A_78 = arith.constant 0 : i32
    %dma_start3A_79 = tpu.memref_slice %arg3[%dma_start3A_78] : memref<5120000xf32, #tpu.memory_space<hbm>> -> memref<5120000xf32, #tpu.memory_space<hbm>>
    tpu.enqueue_indirect_dma source(%dma_start3A_79 : memref<5120000xf32, #tpu.memory_space<hbm>>) target(%dma_start3A_74 : memref<128xf32, #tpu.memory_space<vmem>>) offsets(%dma_start3A_77 : memref<128xi32, #tpu.memory_space<vmem>>) semaphore(%arg19 : memref<!tpu.dma_semaphore, #tpu.memory_space<semaphore_mem>>)
    %dma_start3A_80 = arith.constant 0 : i32
    %dma_start3A_81 = arith.constant 0 : i32
    %dma_start3A_82 = arith.constant 256 : i32
    %dma_start3A_83 = tpu.memref_slice %arg17[%dma_start3A_81, %dma_start3A_82] : memref<16x384xf32, #tpu.memory_space<vmem>> -> memref<1x128xf32, #tpu.memory_space<vmem>>
    %dma_start3A_84 = tpu.memref_squeeze %dma_start3A_83 : memref<1x128xf32, #tpu.memory_space<vmem>> -> memref<128xf32, #tpu.memory_space<vmem>>
    %dma_start3A_85 = arith.constant 256 : i32
    %dma_start3A_86 = tpu.memref_slice %arg13[%dma_start3A_80, %dma_start3A_85] : memref<16x384xi32, #tpu.memory_space<vmem>> -> memref<1x128xi32, #tpu.memory_space<vmem>>
    %dma_start3A_87 = tpu.memref_squeeze %dma_start3A_86 : memref<1x128xi32, #tpu.memory_space<vmem>> -> memref<128xi32, #tpu.memory_space<vmem>>
    %dma_start3A_88 = arith.constant 0 : i32
    %dma_start3A_89 = tpu.memref_slice %arg3[%dma_start3A_88] : memref<5120000xf32, #tpu.memory_space<hbm>> -> memref<5120000xf32, #tpu.memory_space<hbm>>
    tpu.enqueue_indirect_dma source(%dma_start3A_89 : memref<5120000xf32, #tpu.memory_space<hbm>>) target(%dma_start3A_84 : memref<128xf32, #tpu.memory_space<vmem>>) offsets(%dma_start3A_87 : memref<128xi32, #tpu.memory_space<vmem>>) semaphore(%arg19 : memref<!tpu.dma_semaphore, #tpu.memory_space<semaphore_mem>>)
    %dma_start3A_90 = arith.constant 1 : i32
    %dma_start3A_91 = arith.constant 1 : i32
    %dma_start3A_92 = arith.constant 0 : i32
    %dma_start3A_93 = tpu.memref_slice %arg17[%dma_start3A_91, %dma_start3A_92] : memref<16x384xf32, #tpu.memory_space<vmem>> -> memref<1x128xf32, #tpu.memory_space<vmem>>
    %dma_start3A_94 = tpu.memref_squeeze %dma_start3A_93 : memref<1x128xf32, #tpu.memory_space<vmem>> -> memref<128xf32, #tpu.memory_space<vmem>>
    %dma_start3A_95 = arith.constant 0 : i32
    %dma_start3A_96 = tpu.memref_slice %arg13[%dma_start3A_90, %dma_start3A_95] : memref<16x384xi32, #tpu.memory_space<vmem>> -> memref<1x128xi32, #tpu.memory_space<vmem>>
    %dma_start3A_97 = tpu.memref_squeeze %dma_start3A_96 : memref<1x128xi32, #tpu.memory_space<vmem>> -> memref<128xi32, #tpu.memory_space<vmem>>
    %dma_start3A_98 = arith.constant 0 : i32
    %dma_start3A_99 = tpu.memref_slice %arg3[%dma_start3A_98] : memref<5120000xf32, #tpu.memory_space<hbm>> -> memref<5120000xf32, #tpu.memory_space<hbm>>
    tpu.enqueue_indirect_dma source(%dma_start3A_99 : memref<5120000xf32, #tpu.memory_space<hbm>>) target(%dma_start3A_94 : memref<128xf32, #tpu.memory_space<vmem>>) offsets(%dma_start3A_97 : memref<128xi32, #tpu.memory_space<vmem>>) semaphore(%arg19 : memref<!tpu.dma_semaphore, #tpu.memory_space<semaphore_mem>>)
    %dma_start3A_100 = arith.constant 1 : i32
    %dma_start3A_101 = arith.constant 1 : i32
    %dma_start3A_102 = arith.constant 128 : i32
    %dma_start3A_103 = tpu.memref_slice %arg17[%dma_start3A_101, %dma_start3A_102] : memref<16x384xf32, #tpu.memory_space<vmem>> -> memref<1x128xf32, #tpu.memory_space<vmem>>
    %dma_start3A_104 = tpu.memref_squeeze %dma_start3A_103 : memref<1x128xf32, #tpu.memory_space<vmem>> -> memref<128xf32, #tpu.memory_space<vmem>>
    %dma_start3A_105 = arith.constant 128 : i32
    %dma_start3A_106 = tpu.memref_slice %arg13[%dma_start3A_100, %dma_start3A_105] : memref<16x384xi32, #tpu.memory_space<vmem>> -> memref<1x128xi32, #tpu.memory_space<vmem>>
    %dma_start3A_107 = tpu.memref_squeeze %dma_start3A_106 : memref<1x128xi32, #tpu.memory_space<vmem>> -> memref<128xi32, #tpu.memory_space<vmem>>
    %dma_start3A_108 = arith.constant 0 : i32
    %dma_start3A_109 = tpu.memref_slice %arg3[%dma_start3A_108] : memref<5120000xf32, #tpu.memory_space<hbm>> -> memref<5120000xf32, #tpu.memory_space<hbm>>
    tpu.enqueue_indirect_dma source(%dma_start3A_109 : memref<5120000xf32, #tpu.memory_space<hbm>>) target(%dma_start3A_104 : memref<128xf32, #tpu.memory_space<vmem>>) offsets(%dma_start3A_107 : memref<128xi32, #tpu.memory_space<vmem>>) semaphore(%arg19 : memref<!tpu.dma_semaphore, #tpu.memory_space<semaphore_mem>>)
    %dma_start3A_110 = arith.constant 1 : i32
    %dma_start3A_111 = arith.constant 1 : i32
    %dma_start3A_112 = arith.constant 256 : i32
    %dma_start3A_113 = tpu.memref_slice %arg17[%dma_start3A_111, %dma_start3A_112] : memref<16x384xf32, #tpu.memory_space<vmem>> -> memref<1x128xf32, #tpu.memory_space<vmem>>
    %dma_start3A_114 = tpu.memref_squeeze %dma_start3A_113 : memref<1x128xf32, #tpu.memory_space<vmem>> -> memref<128xf32, #tpu.memory_space<vmem>>
    %dma_start3A_115 = arith.constant 256 : i32
    %dma_start3A_116 = tpu.memref_slice %arg13[%dma_start3A_110, %dma_start3A_115] : memref<16x384xi32, #tpu.memory_space<vmem>> -> memref<1x128xi32, #tpu.memory_space<vmem>>
    %dma_start3A_117 = tpu.memref_squeeze %dma_start3A_116 : memref<1x128xi32, #tpu.memory_space<vmem>> -> memref<128xi32, #tpu.memory_space<vmem>>
    %dma_start3A_118 = arith.constant 0 : i32
    %dma_start3A_119 = tpu.memref_slice %arg3[%dma_start3A_118] : memref<5120000xf32, #tpu.memory_space<hbm>> -> memref<5120000xf32, #tpu.memory_space<hbm>>
    tpu.enqueue_indirect_dma source(%dma_start3A_119 : memref<5120000xf32, #tpu.memory_space<hbm>>) target(%dma_start3A_114 : memref<128xf32, #tpu.memory_space<vmem>>) offsets(%dma_start3A_117 : memref<128xi32, #tpu.memory_space<vmem>>) semaphore(%arg19 : memref<!tpu.dma_semaphore, #tpu.memory_space<semaphore_mem>>)
    %dma_start3A_120 = arith.constant 2 : i32
    %dma_start3A_121 = arith.constant 2 : i32
    %dma_start3A_122 = arith.constant 0 : i32
    %dma_start3A_123 = tpu.memref_slice %arg17[%dma_start3A_121, %dma_start3A_122] : memref<16x384xf32, #tpu.memory_space<vmem>> -> memref<1x128xf32, #tpu.memory_space<vmem>>
    %dma_start3A_124 = tpu.memref_squeeze %dma_start3A_123 : memref<1x128xf32, #tpu.memory_space<vmem>> -> memref<128xf32, #tpu.memory_space<vmem>>
    %dma_start3A_125 = arith.constant 0 : i32
    %dma_start3A_126 = tpu.memref_slice %arg13[%dma_start3A_120, %dma_start3A_125] : memref<16x384xi32, #tpu.memory_space<vmem>> -> memref<1x128xi32, #tpu.memory_space<vmem>>
    %dma_start3A_127 = tpu.memref_squeeze %dma_start3A_126 : memref<1x128xi32, #tpu.memory_space<vmem>> -> memref<128xi32, #tpu.memory_space<vmem>>
    %dma_start3A_128 = arith.constant 0 : i32
    %dma_start3A_129 = tpu.memref_slice %arg3[%dma_start3A_128] : memref<5120000xf32, #tpu.memory_space<hbm>> -> memref<5120000xf32, #tpu.memory_space<hbm>>
    tpu.enqueue_indirect_dma source(%dma_start3A_129 : memref<5120000xf32, #tpu.memory_space<hbm>>) target(%dma_start3A_124 : memref<128xf32, #tpu.memory_space<vmem>>) offsets(%dma_start3A_127 : memref<128xi32, #tpu.memory_space<vmem>>) semaphore(%arg19 : memref<!tpu.dma_semaphore, #tpu.memory_space<semaphore_mem>>)
    %dma_start3A_130 = arith.constant 2 : i32
    %dma_start3A_131 = arith.constant 2 : i32
    %dma_start3A_132 = arith.constant 128 : i32
    %dma_start3A_133 = tpu.memref_slice %arg17[%dma_start3A_131, %dma_start3A_132] : memref<16x384xf32, #tpu.memory_space<vmem>> -> memref<1x128xf32, #tpu.memory_space<vmem>>
    %dma_start3A_134 = tpu.memref_squeeze %dma_start3A_133 : memref<1x128xf32, #tpu.memory_space<vmem>> -> memref<128xf32, #tpu.memory_space<vmem>>
    %dma_start3A_135 = arith.constant 128 : i32
    %dma_start3A_136 = tpu.memref_slice %arg13[%dma_start3A_130, %dma_start3A_135] : memref<16x384xi32, #tpu.memory_space<vmem>> -> memref<1x128xi32, #tpu.memory_space<vmem>>
    %dma_start3A_137 = tpu.memref_squeeze %dma_start3A_136 : memref<1x128xi32, #tpu.memory_space<vmem>> -> memref<128xi32, #tpu.memory_space<vmem>>
    %dma_start3A_138 = arith.constant 0 : i32
    %dma_start3A_139 = tpu.memref_slice %arg3[%dma_start3A_138] : memref<5120000xf32, #tpu.memory_space<hbm>> -> memref<5120000xf32, #tpu.memory_space<hbm>>
    tpu.enqueue_indirect_dma source(%dma_start3A_139 : memref<5120000xf32, #tpu.memory_space<hbm>>) target(%dma_start3A_134 : memref<128xf32, #tpu.memory_space<vmem>>) offsets(%dma_start3A_137 : memref<128xi32, #tpu.memory_space<vmem>>) semaphore(%arg19 : memref<!tpu.dma_semaphore, #tpu.memory_space<semaphore_mem>>)
    %dma_start3A_140 = arith.constant 2 : i32
    %dma_start3A_141 = arith.constant 2 : i32
    %dma_start3A_142 = arith.constant 256 : i32
    %dma_start3A_143 = tpu.memref_slice %arg17[%dma_start3A_141, %dma_start3A_142] : memref<16x384xf32, #tpu.memory_space<vmem>> -> memref<1x128xf32, #tpu.memory_space<vmem>>
    %dma_start3A_144 = tpu.memref_squeeze %dma_start3A_143 : memref<1x128xf32, #tpu.memory_space<vmem>> -> memref<128xf32, #tpu.memory_space<vmem>>
    %dma_start3A_145 = arith.constant 256 : i32
    %dma_start3A_146 = tpu.memref_slice %arg13[%dma_start3A_140, %dma_start3A_145] : memref<16x384xi32, #tpu.memory_space<vmem>> -> memref<1x128xi32, #tpu.memory_space<vmem>>
    %dma_start3A_147 = tpu.memref_squeeze %dma_start3A_146 : memref<1x128xi32, #tpu.memory_space<vmem>> -> memref<128xi32, #tpu.memory_space<vmem>>
    %dma_start3A_148 = arith.constant 0 : i32
    %dma_start3A_149 = tpu.memref_slice %arg3[%dma_start3A_148] : memref<5120000xf32, #tpu.memory_space<hbm>> -> memref<5120000xf32, #tpu.memory_space<hbm>>
    tpu.enqueue_indirect_dma source(%dma_start3A_149 : memref<5120000xf32, #tpu.memory_space<hbm>>) target(%dma_start3A_144 : memref<128xf32, #tpu.memory_space<vmem>>) offsets(%dma_start3A_147 : memref<128xi32, #tpu.memory_space<vmem>>) semaphore(%arg19 : memref<!tpu.dma_semaphore, #tpu.memory_space<semaphore_mem>>)
    %dma_start3A_150 = arith.constant 3 : i32
    %dma_start3A_151 = arith.constant 3 : i32
    %dma_start3A_152 = arith.constant 0 : i32
    %dma_start3A_153 = tpu.memref_slice %arg17[%dma_start3A_151, %dma_start3A_152] : memref<16x384xf32, #tpu.memory_space<vmem>> -> memref<1x128xf32, #tpu.memory_space<vmem>>
    %dma_start3A_154 = tpu.memref_squeeze %dma_start3A_153 : memref<1x128xf32, #tpu.memory_space<vmem>> -> memref<128xf32, #tpu.memory_space<vmem>>
    %dma_start3A_155 = arith.constant 0 : i32
    %dma_start3A_156 = tpu.memref_slice %arg13[%dma_start3A_150, %dma_start3A_155] : memref<16x384xi32, #tpu.memory_space<vmem>> -> memref<1x128xi32, #tpu.memory_space<vmem>>
    %dma_start3A_157 = tpu.memref_squeeze %dma_start3A_156 : memref<1x128xi32, #tpu.memory_space<vmem>> -> memref<128xi32, #tpu.memory_space<vmem>>
    %dma_start3A_158 = arith.constant 0 : i32
    %dma_start3A_159 = tpu.memref_slice %arg3[%dma_start3A_158] : memref<5120000xf32, #tpu.memory_space<hbm>> -> memref<5120000xf32, #tpu.memory_space<hbm>>
    tpu.enqueue_indirect_dma source(%dma_start3A_159 : memref<5120000xf32, #tpu.memory_space<hbm>>) target(%dma_start3A_154 : memref<128xf32, #tpu.memory_space<vmem>>) offsets(%dma_start3A_157 : memref<128xi32, #tpu.memory_space<vmem>>) semaphore(%arg19 : memref<!tpu.dma_semaphore, #tpu.memory_space<semaphore_mem>>)
    %dma_start3A_160 = arith.constant 3 : i32
    %dma_start3A_161 = arith.constant 3 : i32
    %dma_start3A_162 = arith.constant 128 : i32
    %dma_start3A_163 = tpu.memref_slice %arg17[%dma_start3A_161, %dma_start3A_162] : memref<16x384xf32, #tpu.memory_space<vmem>> -> memref<1x128xf32, #tpu.memory_space<vmem>>
    %dma_start3A_164 = tpu.memref_squeeze %dma_start3A_163 : memref<1x128xf32, #tpu.memory_space<vmem>> -> memref<128xf32, #tpu.memory_space<vmem>>
    %dma_start3A_165 = arith.constant 128 : i32
    %dma_start3A_166 = tpu.memref_slice %arg13[%dma_start3A_160, %dma_start3A_165] : memref<16x384xi32, #tpu.memory_space<vmem>> -> memref<1x128xi32, #tpu.memory_space<vmem>>
    %dma_start3A_167 = tpu.memref_squeeze %dma_start3A_166 : memref<1x128xi32, #tpu.memory_space<vmem>> -> memref<128xi32, #tpu.memory_space<vmem>>
    %dma_start3A_168 = arith.constant 0 : i32
    %dma_start3A_169 = tpu.memref_slice %arg3[%dma_start3A_168] : memref<5120000xf32, #tpu.memory_space<hbm>> -> memref<5120000xf32, #tpu.memory_space<hbm>>
    tpu.enqueue_indirect_dma source(%dma_start3A_169 : memref<5120000xf32, #tpu.memory_space<hbm>>) target(%dma_start3A_164 : memref<128xf32, #tpu.memory_space<vmem>>) offsets(%dma_start3A_167 : memref<128xi32, #tpu.memory_space<vmem>>) semaphore(%arg19 : memref<!tpu.dma_semaphore, #tpu.memory_space<semaphore_mem>>)
    %dma_start3A_170 = arith.constant 3 : i32
    %dma_start3A_171 = arith.constant 3 : i32
    %dma_start3A_172 = arith.constant 256 : i32
    %dma_start3A_173 = tpu.memref_slice %arg17[%dma_start3A_171, %dma_start3A_172] : memref<16x384xf32, #tpu.memory_space<vmem>> -> memref<1x128xf32, #tpu.memory_space<vmem>>
    %dma_start3A_174 = tpu.memref_squeeze %dma_start3A_173 : memref<1x128xf32, #tpu.memory_space<vmem>> -> memref<128xf32, #tpu.memory_space<vmem>>
    %dma_start3A_175 = arith.constant 256 : i32
    %dma_start3A_176 = tpu.memref_slice %arg13[%dma_start3A_170, %dma_start3A_175] : memref<16x384xi32, #tpu.memory_space<vmem>> -> memref<1x128xi32, #tpu.memory_space<vmem>>
    %dma_start3A_177 = tpu.memref_squeeze %dma_start3A_176 : memref<1x128xi32, #tpu.memory_space<vmem>> -> memref<128xi32, #tpu.memory_space<vmem>>
    %dma_start3A_178 = arith.constant 0 : i32
    %dma_start3A_179 = tpu.memref_slice %arg3[%dma_start3A_178] : memref<5120000xf32, #tpu.memory_space<hbm>> -> memref<5120000xf32, #tpu.memory_space<hbm>>
    tpu.enqueue_indirect_dma source(%dma_start3A_179 : memref<5120000xf32, #tpu.memory_space<hbm>>) target(%dma_start3A_174 : memref<128xf32, #tpu.memory_space<vmem>>) offsets(%dma_start3A_177 : memref<128xi32, #tpu.memory_space<vmem>>) semaphore(%arg19 : memref<!tpu.dma_semaphore, #tpu.memory_space<semaphore_mem>>)
    %dma_start3A_180 = arith.constant 4 : i32
    %dma_start3A_181 = arith.constant 4 : i32
    %dma_start3A_182 = arith.constant 0 : i32
    %dma_start3A_183 = tpu.memref_slice %arg17[%dma_start3A_181, %dma_start3A_182] : memref<16x384xf32, #tpu.memory_space<vmem>> -> memref<1x128xf32, #tpu.memory_space<vmem>>
    %dma_start3A_184 = tpu.memref_squeeze %dma_start3A_183 : memref<1x128xf32, #tpu.memory_space<vmem>> -> memref<128xf32, #tpu.memory_space<vmem>>
    %dma_start3A_185 = arith.constant 0 : i32
    %dma_start3A_186 = tpu.memref_slice %arg13[%dma_start3A_180, %dma_start3A_185] : memref<16x384xi32, #tpu.memory_space<vmem>> -> memref<1x128xi32, #tpu.memory_space<vmem>>
    %dma_start3A_187 = tpu.memref_squeeze %dma_start3A_186 : memref<1x128xi32, #tpu.memory_space<vmem>> -> memref<128xi32, #tpu.memory_space<vmem>>
    %dma_start3A_188 = arith.constant 0 : i32
    %dma_start3A_189 = tpu.memref_slice %arg3[%dma_start3A_188] : memref<5120000xf32, #tpu.memory_space<hbm>> -> memref<5120000xf32, #tpu.memory_space<hbm>>
    tpu.enqueue_indirect_dma source(%dma_start3A_189 : memref<5120000xf32, #tpu.memory_space<hbm>>) target(%dma_start3A_184 : memref<128xf32, #tpu.memory_space<vmem>>) offsets(%dma_start3A_187 : memref<128xi32, #tpu.memory_space<vmem>>) semaphore(%arg19 : memref<!tpu.dma_semaphore, #tpu.memory_space<semaphore_mem>>)
    %dma_start3A_190 = arith.constant 4 : i32
    %dma_start3A_191 = arith.constant 4 : i32
    %dma_start3A_192 = arith.constant 128 : i32
    %dma_start3A_193 = tpu.memref_slice %arg17[%dma_start3A_191, %dma_start3A_192] : memref<16x384xf32, #tpu.memory_space<vmem>> -> memref<1x128xf32, #tpu.memory_space<vmem>>
    %dma_start3A_194 = tpu.memref_squeeze %dma_start3A_193 : memref<1x128xf32, #tpu.memory_space<vmem>> -> memref<128xf32, #tpu.memory_space<vmem>>
    %dma_start3A_195 = arith.constant 128 : i32
    %dma_start3A_196 = tpu.memref_slice %arg13[%dma_start3A_190, %dma_start3A_195] : memref<16x384xi32, #tpu.memory_space<vmem>> -> memref<1x128xi32, #tpu.memory_space<vmem>>
    %dma_start3A_197 = tpu.memref_squeeze %dma_start3A_196 : memref<1x128xi32, #tpu.memory_space<vmem>> -> memref<128xi32, #tpu.memory_space<vmem>>
    %dma_start3A_198 = arith.constant 0 : i32
    %dma_start3A_199 = tpu.memref_slice %arg3[%dma_start3A_198] : memref<5120000xf32, #tpu.memory_space<hbm>> -> memref<5120000xf32, #tpu.memory_space<hbm>>
    tpu.enqueue_indirect_dma source(%dma_start3A_199 : memref<5120000xf32, #tpu.memory_space<hbm>>) target(%dma_start3A_194 : memref<128xf32, #tpu.memory_space<vmem>>) offsets(%dma_start3A_197 : memref<128xi32, #tpu.memory_space<vmem>>) semaphore(%arg19 : memref<!tpu.dma_semaphore, #tpu.memory_space<semaphore_mem>>)
    %dma_start3A_200 = arith.constant 4 : i32
    %dma_start3A_201 = arith.constant 4 : i32
    %dma_start3A_202 = arith.constant 256 : i32
    %dma_start3A_203 = tpu.memref_slice %arg17[%dma_start3A_201, %dma_start3A_202] : memref<16x384xf32, #tpu.memory_space<vmem>> -> memref<1x128xf32, #tpu.memory_space<vmem>>
    %dma_start3A_204 = tpu.memref_squeeze %dma_start3A_203 : memref<1x128xf32, #tpu.memory_space<vmem>> -> memref<128xf32, #tpu.memory_space<vmem>>
    %dma_start3A_205 = arith.constant 256 : i32
    %dma_start3A_206 = tpu.memref_slice %arg13[%dma_start3A_200, %dma_start3A_205] : memref<16x384xi32, #tpu.memory_space<vmem>> -> memref<1x128xi32, #tpu.memory_space<vmem>>
    %dma_start3A_207 = tpu.memref_squeeze %dma_start3A_206 : memref<1x128xi32, #tpu.memory_space<vmem>> -> memref<128xi32, #tpu.memory_space<vmem>>
    %dma_start3A_208 = arith.constant 0 : i32
    %dma_start3A_209 = tpu.memref_slice %arg3[%dma_start3A_208] : memref<5120000xf32, #tpu.memory_space<hbm>> -> memref<5120000xf32, #tpu.memory_space<hbm>>
    tpu.enqueue_indirect_dma source(%dma_start3A_209 : memref<5120000xf32, #tpu.memory_space<hbm>>) target(%dma_start3A_204 : memref<128xf32, #tpu.memory_space<vmem>>) offsets(%dma_start3A_207 : memref<128xi32, #tpu.memory_space<vmem>>) semaphore(%arg19 : memref<!tpu.dma_semaphore, #tpu.memory_space<semaphore_mem>>)
    %dma_start3A_210 = arith.constant 5 : i32
    %dma_start3A_211 = arith.constant 5 : i32
    %dma_start3A_212 = arith.constant 0 : i32
    %dma_start3A_213 = tpu.memref_slice %arg17[%dma_start3A_211, %dma_start3A_212] : memref<16x384xf32, #tpu.memory_space<vmem>> -> memref<1x128xf32, #tpu.memory_space<vmem>>
    %dma_start3A_214 = tpu.memref_squeeze %dma_start3A_213 : memref<1x128xf32, #tpu.memory_space<vmem>> -> memref<128xf32, #tpu.memory_space<vmem>>
    %dma_start3A_215 = arith.constant 0 : i32
    %dma_start3A_216 = tpu.memref_slice %arg13[%dma_start3A_210, %dma_start3A_215] : memref<16x384xi32, #tpu.memory_space<vmem>> -> memref<1x128xi32, #tpu.memory_space<vmem>>
    %dma_start3A_217 = tpu.memref_squeeze %dma_start3A_216 : memref<1x128xi32, #tpu.memory_space<vmem>> -> memref<128xi32, #tpu.memory_space<vmem>>
    %dma_start3A_218 = arith.constant 0 : i32
    %dma_start3A_219 = tpu.memref_slice %arg3[%dma_start3A_218] : memref<5120000xf32, #tpu.memory_space<hbm>> -> memref<5120000xf32, #tpu.memory_space<hbm>>
    tpu.enqueue_indirect_dma source(%dma_start3A_219 : memref<5120000xf32, #tpu.memory_space<hbm>>) target(%dma_start3A_214 : memref<128xf32, #tpu.memory_space<vmem>>) offsets(%dma_start3A_217 : memref<128xi32, #tpu.memory_space<vmem>>) semaphore(%arg19 : memref<!tpu.dma_semaphore, #tpu.memory_space<semaphore_mem>>)
    %dma_start3A_220 = arith.constant 5 : i32
    %dma_start3A_221 = arith.constant 5 : i32
    %dma_start3A_222 = arith.constant 128 : i32
    %dma_start3A_223 = tpu.memref_slice %arg17[%dma_start3A_221, %dma_start3A_222] : memref<16x384xf32, #tpu.memory_space<vmem>> -> memref<1x128xf32, #tpu.memory_space<vmem>>
    %dma_start3A_224 = tpu.memref_squeeze %dma_start3A_223 : memref<1x128xf32, #tpu.memory_space<vmem>> -> memref<128xf32, #tpu.memory_space<vmem>>
    %dma_start3A_225 = arith.constant 128 : i32
    %dma_start3A_226 = tpu.memref_slice %arg13[%dma_start3A_220, %dma_start3A_225] : memref<16x384xi32, #tpu.memory_space<vmem>> -> memref<1x128xi32, #tpu.memory_space<vmem>>
    %dma_start3A_227 = tpu.memref_squeeze %dma_start3A_226 : memref<1x128xi32, #tpu.memory_space<vmem>> -> memref<128xi32, #tpu.memory_space<vmem>>
    %dma_start3A_228 = arith.constant 0 : i32
    %dma_start3A_229 = tpu.memref_slice %arg3[%dma_start3A_228] : memref<5120000xf32, #tpu.memory_space<hbm>> -> memref<5120000xf32, #tpu.memory_space<hbm>>
    tpu.enqueue_indirect_dma source(%dma_start3A_229 : memref<5120000xf32, #tpu.memory_space<hbm>>) target(%dma_start3A_224 : memref<128xf32, #tpu.memory_space<vmem>>) offsets(%dma_start3A_227 : memref<128xi32, #tpu.memory_space<vmem>>) semaphore(%arg19 : memref<!tpu.dma_semaphore, #tpu.memory_space<semaphore_mem>>)
    %dma_start3A_230 = arith.constant 5 : i32
    %dma_start3A_231 = arith.constant 5 : i32
    %dma_start3A_232 = arith.constant 256 : i32
    %dma_start3A_233 = tpu.memref_slice %arg17[%dma_start3A_231, %dma_start3A_232] : memref<16x384xf32, #tpu.memory_space<vmem>> -> memref<1x128xf32, #tpu.memory_space<vmem>>
    %dma_start3A_234 = tpu.memref_squeeze %dma_start3A_233 : memref<1x128xf32, #tpu.memory_space<vmem>> -> memref<128xf32, #tpu.memory_space<vmem>>
    %dma_start3A_235 = arith.constant 256 : i32
    %dma_start3A_236 = tpu.memref_slice %arg13[%dma_start3A_230, %dma_start3A_235] : memref<16x384xi32, #tpu.memory_space<vmem>> -> memref<1x128xi32, #tpu.memory_space<vmem>>
    %dma_start3A_237 = tpu.memref_squeeze %dma_start3A_236 : memref<1x128xi32, #tpu.memory_space<vmem>> -> memref<128xi32, #tpu.memory_space<vmem>>
    %dma_start3A_238 = arith.constant 0 : i32
    %dma_start3A_239 = tpu.memref_slice %arg3[%dma_start3A_238] : memref<5120000xf32, #tpu.memory_space<hbm>> -> memref<5120000xf32, #tpu.memory_space<hbm>>
    tpu.enqueue_indirect_dma source(%dma_start3A_239 : memref<5120000xf32, #tpu.memory_space<hbm>>) target(%dma_start3A_234 : memref<128xf32, #tpu.memory_space<vmem>>) offsets(%dma_start3A_237 : memref<128xi32, #tpu.memory_space<vmem>>) semaphore(%arg19 : memref<!tpu.dma_semaphore, #tpu.memory_space<semaphore_mem>>)
    %dma_start3A_240 = arith.constant 6 : i32
    %dma_start3A_241 = arith.constant 6 : i32
    %dma_start3A_242 = arith.constant 0 : i32
    %dma_start3A_243 = tpu.memref_slice %arg17[%dma_start3A_241, %dma_start3A_242] : memref<16x384xf32, #tpu.memory_space<vmem>> -> memref<1x128xf32, #tpu.memory_space<vmem>>
    %dma_start3A_244 = tpu.memref_squeeze %dma_start3A_243 : memref<1x128xf32, #tpu.memory_space<vmem>> -> memref<128xf32, #tpu.memory_space<vmem>>
    %dma_start3A_245 = arith.constant 0 : i32
    %dma_start3A_246 = tpu.memref_slice %arg13[%dma_start3A_240, %dma_start3A_245] : memref<16x384xi32, #tpu.memory_space<vmem>> -> memref<1x128xi32, #tpu.memory_space<vmem>>
    %dma_start3A_247 = tpu.memref_squeeze %dma_start3A_246 : memref<1x128xi32, #tpu.memory_space<vmem>> -> memref<128xi32, #tpu.memory_space<vmem>>
    %dma_start3A_248 = arith.constant 0 : i32
    %dma_start3A_249 = tpu.memref_slice %arg3[%dma_start3A_248] : memref<5120000xf32, #tpu.memory_space<hbm>> -> memref<5120000xf32, #tpu.memory_space<hbm>>
    tpu.enqueue_indirect_dma source(%dma_start3A_249 : memref<5120000xf32, #tpu.memory_space<hbm>>) target(%dma_start3A_244 : memref<128xf32, #tpu.memory_space<vmem>>) offsets(%dma_start3A_247 : memref<128xi32, #tpu.memory_space<vmem>>) semaphore(%arg19 : memref<!tpu.dma_semaphore, #tpu.memory_space<semaphore_mem>>)
    %dma_start3A_250 = arith.constant 6 : i32
    %dma_start3A_251 = arith.constant 6 : i32
    %dma_start3A_252 = arith.constant 128 : i32
    %dma_start3A_253 = tpu.memref_slice %arg17[%dma_start3A_251, %dma_start3A_252] : memref<16x384xf32, #tpu.memory_space<vmem>> -> memref<1x128xf32, #tpu.memory_space<vmem>>
    %dma_start3A_254 = tpu.memref_squeeze %dma_start3A_253 : memref<1x128xf32, #tpu.memory_space<vmem>> -> memref<128xf32, #tpu.memory_space<vmem>>
    %dma_start3A_255 = arith.constant 128 : i32
    %dma_start3A_256 = tpu.memref_slice %arg13[%dma_start3A_250, %dma_start3A_255] : memref<16x384xi32, #tpu.memory_space<vmem>> -> memref<1x128xi32, #tpu.memory_space<vmem>>
    %dma_start3A_257 = tpu.memref_squeeze %dma_start3A_256 : memref<1x128xi32, #tpu.memory_space<vmem>> -> memref<128xi32, #tpu.memory_space<vmem>>
    %dma_start3A_258 = arith.constant 0 : i32
    %dma_start3A_259 = tpu.memref_slice %arg3[%dma_start3A_258] : memref<5120000xf32, #tpu.memory_space<hbm>> -> memref<5120000xf32, #tpu.memory_space<hbm>>
    tpu.enqueue_indirect_dma source(%dma_start3A_259 : memref<5120000xf32, #tpu.memory_space<hbm>>) target(%dma_start3A_254 : memref<128xf32, #tpu.memory_space<vmem>>) offsets(%dma_start3A_257 : memref<128xi32, #tpu.memory_space<vmem>>) semaphore(%arg19 : memref<!tpu.dma_semaphore, #tpu.memory_space<semaphore_mem>>)
    %dma_start3A_260 = arith.constant 6 : i32
    %dma_start3A_261 = arith.constant 6 : i32
    %dma_start3A_262 = arith.constant 256 : i32
    %dma_start3A_263 = tpu.memref_slice %arg17[%dma_start3A_261, %dma_start3A_262] : memref<16x384xf32, #tpu.memory_space<vmem>> -> memref<1x128xf32, #tpu.memory_space<vmem>>
    %dma_start3A_264 = tpu.memref_squeeze %dma_start3A_263 : memref<1x128xf32, #tpu.memory_space<vmem>> -> memref<128xf32, #tpu.memory_space<vmem>>
    %dma_start3A_265 = arith.constant 256 : i32
    %dma_start3A_266 = tpu.memref_slice %arg13[%dma_start3A_260, %dma_start3A_265] : memref<16x384xi32, #tpu.memory_space<vmem>> -> memref<1x128xi32, #tpu.memory_space<vmem>>
    %dma_start3A_267 = tpu.memref_squeeze %dma_start3A_266 : memref<1x128xi32, #tpu.memory_space<vmem>> -> memref<128xi32, #tpu.memory_space<vmem>>
    %dma_start3A_268 = arith.constant 0 : i32
    %dma_start3A_269 = tpu.memref_slice %arg3[%dma_start3A_268] : memref<5120000xf32, #tpu.memory_space<hbm>> -> memref<5120000xf32, #tpu.memory_space<hbm>>
    tpu.enqueue_indirect_dma source(%dma_start3A_269 : memref<5120000xf32, #tpu.memory_space<hbm>>) target(%dma_start3A_264 : memref<128xf32, #tpu.memory_space<vmem>>) offsets(%dma_start3A_267 : memref<128xi32, #tpu.memory_space<vmem>>) semaphore(%arg19 : memref<!tpu.dma_semaphore, #tpu.memory_space<semaphore_mem>>)
    %dma_start3A_270 = arith.constant 7 : i32
    %dma_start3A_271 = arith.constant 7 : i32
    %dma_start3A_272 = arith.constant 0 : i32
    %dma_start3A_273 = tpu.memref_slice %arg17[%dma_start3A_271, %dma_start3A_272] : memref<16x384xf32, #tpu.memory_space<vmem>> -> memref<1x128xf32, #tpu.memory_space<vmem>>
    %dma_start3A_274 = tpu.memref_squeeze %dma_start3A_273 : memref<1x128xf32, #tpu.memory_space<vmem>> -> memref<128xf32, #tpu.memory_space<vmem>>
    %dma_start3A_275 = arith.constant 0 : i32
    %dma_start3A_276 = tpu.memref_slice %arg13[%dma_start3A_270, %dma_start3A_275] : memref<16x384xi32, #tpu.memory_space<vmem>> -> memref<1x128xi32, #tpu.memory_space<vmem>>
    %dma_start3A_277 = tpu.memref_squeeze %dma_start3A_276 : memref<1x128xi32, #tpu.memory_space<vmem>> -> memref<128xi32, #tpu.memory_space<vmem>>
    %dma_start3A_278 = arith.constant 0 : i32
    %dma_start3A_279 = tpu.memref_slice %arg3[%dma_start3A_278] : memref<5120000xf32, #tpu.memory_space<hbm>> -> memref<5120000xf32, #tpu.memory_space<hbm>>
    tpu.enqueue_indirect_dma source(%dma_start3A_279 : memref<5120000xf32, #tpu.memory_space<hbm>>) target(%dma_start3A_274 : memref<128xf32, #tpu.memory_space<vmem>>) offsets(%dma_start3A_277 : memref<128xi32, #tpu.memory_space<vmem>>) semaphore(%arg19 : memref<!tpu.dma_semaphore, #tpu.memory_space<semaphore_mem>>)
    %dma_start3A_280 = arith.constant 7 : i32
    %dma_start3A_281 = arith.constant 7 : i32
    %dma_start3A_282 = arith.constant 128 : i32
    %dma_start3A_283 = tpu.memref_slice %arg17[%dma_start3A_281, %dma_start3A_282] : memref<16x384xf32, #tpu.memory_space<vmem>> -> memref<1x128xf32, #tpu.memory_space<vmem>>
    %dma_start3A_284 = tpu.memref_squeeze %dma_start3A_283 : memref<1x128xf32, #tpu.memory_space<vmem>> -> memref<128xf32, #tpu.memory_space<vmem>>
    %dma_start3A_285 = arith.constant 128 : i32
    %dma_start3A_286 = tpu.memref_slice %arg13[%dma_start3A_280, %dma_start3A_285] : memref<16x384xi32, #tpu.memory_space<vmem>> -> memref<1x128xi32, #tpu.memory_space<vmem>>
    %dma_start3A_287 = tpu.memref_squeeze %dma_start3A_286 : memref<1x128xi32, #tpu.memory_space<vmem>> -> memref<128xi32, #tpu.memory_space<vmem>>
    %dma_start3A_288 = arith.constant 0 : i32
    %dma_start3A_289 = tpu.memref_slice %arg3[%dma_start3A_288] : memref<5120000xf32, #tpu.memory_space<hbm>> -> memref<5120000xf32, #tpu.memory_space<hbm>>
    tpu.enqueue_indirect_dma source(%dma_start3A_289 : memref<5120000xf32, #tpu.memory_space<hbm>>) target(%dma_start3A_284 : memref<128xf32, #tpu.memory_space<vmem>>) offsets(%dma_start3A_287 : memref<128xi32, #tpu.memory_space<vmem>>) semaphore(%arg19 : memref<!tpu.dma_semaphore, #tpu.memory_space<semaphore_mem>>)
    %dma_start3A_290 = arith.constant 7 : i32
    %dma_start3A_291 = arith.constant 7 : i32
    %dma_start3A_292 = arith.constant 256 : i32
    %dma_start3A_293 = tpu.memref_slice %arg17[%dma_start3A_291, %dma_start3A_292] : memref<16x384xf32, #tpu.memory_space<vmem>> -> memref<1x128xf32, #tpu.memory_space<vmem>>
    %dma_start3A_294 = tpu.memref_squeeze %dma_start3A_293 : memref<1x128xf32, #tpu.memory_space<vmem>> -> memref<128xf32, #tpu.memory_space<vmem>>
    %dma_start3A_295 = arith.constant 256 : i32
    %dma_start3A_296 = tpu.memref_slice %arg13[%dma_start3A_290, %dma_start3A_295] : memref<16x384xi32, #tpu.memory_space<vmem>> -> memref<1x128xi32, #tpu.memory_space<vmem>>
    %dma_start3A_297 = tpu.memref_squeeze %dma_start3A_296 : memref<1x128xi32, #tpu.memory_space<vmem>> -> memref<128xi32, #tpu.memory_space<vmem>>
    %dma_start3A_298 = arith.constant 0 : i32
    %dma_start3A_299 = tpu.memref_slice %arg3[%dma_start3A_298] : memref<5120000xf32, #tpu.memory_space<hbm>> -> memref<5120000xf32, #tpu.memory_space<hbm>>
    tpu.enqueue_indirect_dma source(%dma_start3A_299 : memref<5120000xf32, #tpu.memory_space<hbm>>) target(%dma_start3A_294 : memref<128xf32, #tpu.memory_space<vmem>>) offsets(%dma_start3A_297 : memref<128xi32, #tpu.memory_space<vmem>>) semaphore(%arg19 : memref<!tpu.dma_semaphore, #tpu.memory_space<semaphore_mem>>)
    %dma_start3A_300 = arith.constant 8 : i32
    %dma_start3A_301 = arith.constant 8 : i32
    %dma_start3A_302 = arith.constant 0 : i32
    %dma_start3A_303 = tpu.memref_slice %arg17[%dma_start3A_301, %dma_start3A_302] : memref<16x384xf32, #tpu.memory_space<vmem>> -> memref<1x128xf32, #tpu.memory_space<vmem>>
    %dma_start3A_304 = tpu.memref_squeeze %dma_start3A_303 : memref<1x128xf32, #tpu.memory_space<vmem>> -> memref<128xf32, #tpu.memory_space<vmem>>
    %dma_start3A_305 = arith.constant 0 : i32
    %dma_start3A_306 = tpu.memref_slice %arg13[%dma_start3A_300, %dma_start3A_305] : memref<16x384xi32, #tpu.memory_space<vmem>> -> memref<1x128xi32, #tpu.memory_space<vmem>>
    %dma_start3A_307 = tpu.memref_squeeze %dma_start3A_306 : memref<1x128xi32, #tpu.memory_space<vmem>> -> memref<128xi32, #tpu.memory_space<vmem>>
    %dma_start3A_308 = arith.constant 0 : i32
    %dma_start3A_309 = tpu.memref_slice %arg3[%dma_start3A_308] : memref<5120000xf32, #tpu.memory_space<hbm>> -> memref<5120000xf32, #tpu.memory_space<hbm>>
    tpu.enqueue_indirect_dma source(%dma_start3A_309 : memref<5120000xf32, #tpu.memory_space<hbm>>) target(%dma_start3A_304 : memref<128xf32, #tpu.memory_space<vmem>>) offsets(%dma_start3A_307 : memref<128xi32, #tpu.memory_space<vmem>>) semaphore(%arg19 : memref<!tpu.dma_semaphore, #tpu.memory_space<semaphore_mem>>)
    %dma_start3A_310 = arith.constant 8 : i32
    %dma_start3A_311 = arith.constant 8 : i32
    %dma_start3A_312 = arith.constant 128 : i32
    %dma_start3A_313 = tpu.memref_slice %arg17[%dma_start3A_311, %dma_start3A_312] : memref<16x384xf32, #tpu.memory_space<vmem>> -> memref<1x128xf32, #tpu.memory_space<vmem>>
    %dma_start3A_314 = tpu.memref_squeeze %dma_start3A_313 : memref<1x128xf32, #tpu.memory_space<vmem>> -> memref<128xf32, #tpu.memory_space<vmem>>
    %dma_start3A_315 = arith.constant 128 : i32
    %dma_start3A_316 = tpu.memref_slice %arg13[%dma_start3A_310, %dma_start3A_315] : memref<16x384xi32, #tpu.memory_space<vmem>> -> memref<1x128xi32, #tpu.memory_space<vmem>>
    %dma_start3A_317 = tpu.memref_squeeze %dma_start3A_316 : memref<1x128xi32, #tpu.memory_space<vmem>> -> memref<128xi32, #tpu.memory_space<vmem>>
    %dma_start3A_318 = arith.constant 0 : i32
    %dma_start3A_319 = tpu.memref_slice %arg3[%dma_start3A_318] : memref<5120000xf32, #tpu.memory_space<hbm>> -> memref<5120000xf32, #tpu.memory_space<hbm>>
    tpu.enqueue_indirect_dma source(%dma_start3A_319 : memref<5120000xf32, #tpu.memory_space<hbm>>) target(%dma_start3A_314 : memref<128xf32, #tpu.memory_space<vmem>>) offsets(%dma_start3A_317 : memref<128xi32, #tpu.memory_space<vmem>>) semaphore(%arg19 : memref<!tpu.dma_semaphore, #tpu.memory_space<semaphore_mem>>)
    %dma_start3A_320 = arith.constant 8 : i32
    %dma_start3A_321 = arith.constant 8 : i32
    %dma_start3A_322 = arith.constant 256 : i32
    %dma_start3A_323 = tpu.memref_slice %arg17[%dma_start3A_321, %dma_start3A_322] : memref<16x384xf32, #tpu.memory_space<vmem>> -> memref<1x128xf32, #tpu.memory_space<vmem>>
    %dma_start3A_324 = tpu.memref_squeeze %dma_start3A_323 : memref<1x128xf32, #tpu.memory_space<vmem>> -> memref<128xf32, #tpu.memory_space<vmem>>
    %dma_start3A_325 = arith.constant 256 : i32
    %dma_start3A_326 = tpu.memref_slice %arg13[%dma_start3A_320, %dma_start3A_325] : memref<16x384xi32, #tpu.memory_space<vmem>> -> memref<1x128xi32, #tpu.memory_space<vmem>>
    %dma_start3A_327 = tpu.memref_squeeze %dma_start3A_326 : memref<1x128xi32, #tpu.memory_space<vmem>> -> memref<128xi32, #tpu.memory_space<vmem>>
    %dma_start3A_328 = arith.constant 0 : i32
    %dma_start3A_329 = tpu.memref_slice %arg3[%dma_start3A_328] : memref<5120000xf32, #tpu.memory_space<hbm>> -> memref<5120000xf32, #tpu.memory_space<hbm>>
    tpu.enqueue_indirect_dma source(%dma_start3A_329 : memref<5120000xf32, #tpu.memory_space<hbm>>) target(%dma_start3A_324 : memref<128xf32, #tpu.memory_space<vmem>>) offsets(%dma_start3A_327 : memref<128xi32, #tpu.memory_space<vmem>>) semaphore(%arg19 : memref<!tpu.dma_semaphore, #tpu.memory_space<semaphore_mem>>)
    %dma_start3A_330 = arith.constant 9 : i32
    %dma_start3A_331 = arith.constant 9 : i32
    %dma_start3A_332 = arith.constant 0 : i32
    %dma_start3A_333 = tpu.memref_slice %arg17[%dma_start3A_331, %dma_start3A_332] : memref<16x384xf32, #tpu.memory_space<vmem>> -> memref<1x128xf32, #tpu.memory_space<vmem>>
    %dma_start3A_334 = tpu.memref_squeeze %dma_start3A_333 : memref<1x128xf32, #tpu.memory_space<vmem>> -> memref<128xf32, #tpu.memory_space<vmem>>
    %dma_start3A_335 = arith.constant 0 : i32
    %dma_start3A_336 = tpu.memref_slice %arg13[%dma_start3A_330, %dma_start3A_335] : memref<16x384xi32, #tpu.memory_space<vmem>> -> memref<1x128xi32, #tpu.memory_space<vmem>>
    %dma_start3A_337 = tpu.memref_squeeze %dma_start3A_336 : memref<1x128xi32, #tpu.memory_space<vmem>> -> memref<128xi32, #tpu.memory_space<vmem>>
    %dma_start3A_338 = arith.constant 0 : i32
    %dma_start3A_339 = tpu.memref_slice %arg3[%dma_start3A_338] : memref<5120000xf32, #tpu.memory_space<hbm>> -> memref<5120000xf32, #tpu.memory_space<hbm>>
    tpu.enqueue_indirect_dma source(%dma_start3A_339 : memref<5120000xf32, #tpu.memory_space<hbm>>) target(%dma_start3A_334 : memref<128xf32, #tpu.memory_space<vmem>>) offsets(%dma_start3A_337 : memref<128xi32, #tpu.memory_space<vmem>>) semaphore(%arg19 : memref<!tpu.dma_semaphore, #tpu.memory_space<semaphore_mem>>)
    %dma_start3A_340 = arith.constant 9 : i32
    %dma_start3A_341 = arith.constant 9 : i32
    %dma_start3A_342 = arith.constant 128 : i32
    %dma_start3A_343 = tpu.memref_slice %arg17[%dma_start3A_341, %dma_start3A_342] : memref<16x384xf32, #tpu.memory_space<vmem>> -> memref<1x128xf32, #tpu.memory_space<vmem>>
    %dma_start3A_344 = tpu.memref_squeeze %dma_start3A_343 : memref<1x128xf32, #tpu.memory_space<vmem>> -> memref<128xf32, #tpu.memory_space<vmem>>
    %dma_start3A_345 = arith.constant 128 : i32
    %dma_start3A_346 = tpu.memref_slice %arg13[%dma_start3A_340, %dma_start3A_345] : memref<16x384xi32, #tpu.memory_space<vmem>> -> memref<1x128xi32, #tpu.memory_space<vmem>>
    %dma_start3A_347 = tpu.memref_squeeze %dma_start3A_346 : memref<1x128xi32, #tpu.memory_space<vmem>> -> memref<128xi32, #tpu.memory_space<vmem>>
    %dma_start3A_348 = arith.constant 0 : i32
    %dma_start3A_349 = tpu.memref_slice %arg3[%dma_start3A_348] : memref<5120000xf32, #tpu.memory_space<hbm>> -> memref<5120000xf32, #tpu.memory_space<hbm>>
    tpu.enqueue_indirect_dma source(%dma_start3A_349 : memref<5120000xf32, #tpu.memory_space<hbm>>) target(%dma_start3A_344 : memref<128xf32, #tpu.memory_space<vmem>>) offsets(%dma_start3A_347 : memref<128xi32, #tpu.memory_space<vmem>>) semaphore(%arg19 : memref<!tpu.dma_semaphore, #tpu.memory_space<semaphore_mem>>)
    %dma_start3A_350 = arith.constant 9 : i32
    %dma_start3A_351 = arith.constant 9 : i32
    %dma_start3A_352 = arith.constant 256 : i32
    %dma_start3A_353 = tpu.memref_slice %arg17[%dma_start3A_351, %dma_start3A_352] : memref<16x384xf32, #tpu.memory_space<vmem>> -> memref<1x128xf32, #tpu.memory_space<vmem>>
    %dma_start3A_354 = tpu.memref_squeeze %dma_start3A_353 : memref<1x128xf32, #tpu.memory_space<vmem>> -> memref<128xf32, #tpu.memory_space<vmem>>
    %dma_start3A_355 = arith.constant 256 : i32
    %dma_start3A_356 = tpu.memref_slice %arg13[%dma_start3A_350, %dma_start3A_355] : memref<16x384xi32, #tpu.memory_space<vmem>> -> memref<1x128xi32, #tpu.memory_space<vmem>>
    %dma_start3A_357 = tpu.memref_squeeze %dma_start3A_356 : memref<1x128xi32, #tpu.memory_space<vmem>> -> memref<128xi32, #tpu.memory_space<vmem>>
    %dma_start3A_358 = arith.constant 0 : i32
    %dma_start3A_359 = tpu.memref_slice %arg3[%dma_start3A_358] : memref<5120000xf32, #tpu.memory_space<hbm>> -> memref<5120000xf32, #tpu.memory_space<hbm>>
    tpu.enqueue_indirect_dma source(%dma_start3A_359 : memref<5120000xf32, #tpu.memory_space<hbm>>) target(%dma_start3A_354 : memref<128xf32, #tpu.memory_space<vmem>>) offsets(%dma_start3A_357 : memref<128xi32, #tpu.memory_space<vmem>>) semaphore(%arg19 : memref<!tpu.dma_semaphore, #tpu.memory_space<semaphore_mem>>)
    %dma_start3A_360 = arith.constant 10 : i32
    %dma_start3A_361 = arith.constant 10 : i32
    %dma_start3A_362 = arith.constant 0 : i32
    %dma_start3A_363 = tpu.memref_slice %arg17[%dma_start3A_361, %dma_start3A_362] : memref<16x384xf32, #tpu.memory_space<vmem>> -> memref<1x128xf32, #tpu.memory_space<vmem>>
    %dma_start3A_364 = tpu.memref_squeeze %dma_start3A_363 : memref<1x128xf32, #tpu.memory_space<vmem>> -> memref<128xf32, #tpu.memory_space<vmem>>
    %dma_start3A_365 = arith.constant 0 : i32
    %dma_start3A_366 = tpu.memref_slice %arg13[%dma_start3A_360, %dma_start3A_365] : memref<16x384xi32, #tpu.memory_space<vmem>> -> memref<1x128xi32, #tpu.memory_space<vmem>>
    %dma_start3A_367 = tpu.memref_squeeze %dma_start3A_366 : memref<1x128xi32, #tpu.memory_space<vmem>> -> memref<128xi32, #tpu.memory_space<vmem>>
    %dma_start3A_368 = arith.constant 0 : i32
    %dma_start3A_369 = tpu.memref_slice %arg3[%dma_start3A_368] : memref<5120000xf32, #tpu.memory_space<hbm>> -> memref<5120000xf32, #tpu.memory_space<hbm>>
    tpu.enqueue_indirect_dma source(%dma_start3A_369 : memref<5120000xf32, #tpu.memory_space<hbm>>) target(%dma_start3A_364 : memref<128xf32, #tpu.memory_space<vmem>>) offsets(%dma_start3A_367 : memref<128xi32, #tpu.memory_space<vmem>>) semaphore(%arg19 : memref<!tpu.dma_semaphore, #tpu.memory_space<semaphore_mem>>)
    %dma_start3A_370 = arith.constant 10 : i32
    %dma_start3A_371 = arith.constant 10 : i32
    %dma_start3A_372 = arith.constant 128 : i32
    %dma_start3A_373 = tpu.memref_slice %arg17[%dma_start3A_371, %dma_start3A_372] : memref<16x384xf32, #tpu.memory_space<vmem>> -> memref<1x128xf32, #tpu.memory_space<vmem>>
    %dma_start3A_374 = tpu.memref_squeeze %dma_start3A_373 : memref<1x128xf32, #tpu.memory_space<vmem>> -> memref<128xf32, #tpu.memory_space<vmem>>
    %dma_start3A_375 = arith.constant 128 : i32
    %dma_start3A_376 = tpu.memref_slice %arg13[%dma_start3A_370, %dma_start3A_375] : memref<16x384xi32, #tpu.memory_space<vmem>> -> memref<1x128xi32, #tpu.memory_space<vmem>>
    %dma_start3A_377 = tpu.memref_squeeze %dma_start3A_376 : memref<1x128xi32, #tpu.memory_space<vmem>> -> memref<128xi32, #tpu.memory_space<vmem>>
    %dma_start3A_378 = arith.constant 0 : i32
    %dma_start3A_379 = tpu.memref_slice %arg3[%dma_start3A_378] : memref<5120000xf32, #tpu.memory_space<hbm>> -> memref<5120000xf32, #tpu.memory_space<hbm>>
    tpu.enqueue_indirect_dma source(%dma_start3A_379 : memref<5120000xf32, #tpu.memory_space<hbm>>) target(%dma_start3A_374 : memref<128xf32, #tpu.memory_space<vmem>>) offsets(%dma_start3A_377 : memref<128xi32, #tpu.memory_space<vmem>>) semaphore(%arg19 : memref<!tpu.dma_semaphore, #tpu.memory_space<semaphore_mem>>)
    %dma_start3A_380 = arith.constant 10 : i32
    %dma_start3A_381 = arith.constant 10 : i32
    %dma_start3A_382 = arith.constant 256 : i32
    %dma_start3A_383 = tpu.memref_slice %arg17[%dma_start3A_381, %dma_start3A_382] : memref<16x384xf32, #tpu.memory_space<vmem>> -> memref<1x128xf32, #tpu.memory_space<vmem>>
    %dma_start3A_384 = tpu.memref_squeeze %dma_start3A_383 : memref<1x128xf32, #tpu.memory_space<vmem>> -> memref<128xf32, #tpu.memory_space<vmem>>
    %dma_start3A_385 = arith.constant 256 : i32
    %dma_start3A_386 = tpu.memref_slice %arg13[%dma_start3A_380, %dma_start3A_385] : memref<16x384xi32, #tpu.memory_space<vmem>> -> memref<1x128xi32, #tpu.memory_space<vmem>>
    %dma_start3A_387 = tpu.memref_squeeze %dma_start3A_386 : memref<1x128xi32, #tpu.memory_space<vmem>> -> memref<128xi32, #tpu.memory_space<vmem>>
    %dma_start3A_388 = arith.constant 0 : i32
    %dma_start3A_389 = tpu.memref_slice %arg3[%dma_start3A_388] : memref<5120000xf32, #tpu.memory_space<hbm>> -> memref<5120000xf32, #tpu.memory_space<hbm>>
    tpu.enqueue_indirect_dma source(%dma_start3A_389 : memref<5120000xf32, #tpu.memory_space<hbm>>) target(%dma_start3A_384 : memref<128xf32, #tpu.memory_space<vmem>>) offsets(%dma_start3A_387 : memref<128xi32, #tpu.memory_space<vmem>>) semaphore(%arg19 : memref<!tpu.dma_semaphore, #tpu.memory_space<semaphore_mem>>)
    %dma_start3A_390 = arith.constant 11 : i32
    %dma_start3A_391 = arith.constant 11 : i32
    %dma_start3A_392 = arith.constant 0 : i32
    %dma_start3A_393 = tpu.memref_slice %arg17[%dma_start3A_391, %dma_start3A_392] : memref<16x384xf32, #tpu.memory_space<vmem>> -> memref<1x128xf32, #tpu.memory_space<vmem>>
    %dma_start3A_394 = tpu.memref_squeeze %dma_start3A_393 : memref<1x128xf32, #tpu.memory_space<vmem>> -> memref<128xf32, #tpu.memory_space<vmem>>
    %dma_start3A_395 = arith.constant 0 : i32
    %dma_start3A_396 = tpu.memref_slice %arg13[%dma_start3A_390, %dma_start3A_395] : memref<16x384xi32, #tpu.memory_space<vmem>> -> memref<1x128xi32, #tpu.memory_space<vmem>>
    %dma_start3A_397 = tpu.memref_squeeze %dma_start3A_396 : memref<1x128xi32, #tpu.memory_space<vmem>> -> memref<128xi32, #tpu.memory_space<vmem>>
    %dma_start3A_398 = arith.constant 0 : i32
    %dma_start3A_399 = tpu.memref_slice %arg3[%dma_start3A_398] : memref<5120000xf32, #tpu.memory_space<hbm>> -> memref<5120000xf32, #tpu.memory_space<hbm>>
    tpu.enqueue_indirect_dma source(%dma_start3A_399 : memref<5120000xf32, #tpu.memory_space<hbm>>) target(%dma_start3A_394 : memref<128xf32, #tpu.memory_space<vmem>>) offsets(%dma_start3A_397 : memref<128xi32, #tpu.memory_space<vmem>>) semaphore(%arg19 : memref<!tpu.dma_semaphore, #tpu.memory_space<semaphore_mem>>)
    %dma_start3A_400 = arith.constant 11 : i32
    %dma_start3A_401 = arith.constant 11 : i32
    %dma_start3A_402 = arith.constant 128 : i32
    %dma_start3A_403 = tpu.memref_slice %arg17[%dma_start3A_401, %dma_start3A_402] : memref<16x384xf32, #tpu.memory_space<vmem>> -> memref<1x128xf32, #tpu.memory_space<vmem>>
    %dma_start3A_404 = tpu.memref_squeeze %dma_start3A_403 : memref<1x128xf32, #tpu.memory_space<vmem>> -> memref<128xf32, #tpu.memory_space<vmem>>
    %dma_start3A_405 = arith.constant 128 : i32
    %dma_start3A_406 = tpu.memref_slice %arg13[%dma_start3A_400, %dma_start3A_405] : memref<16x384xi32, #tpu.memory_space<vmem>> -> memref<1x128xi32, #tpu.memory_space<vmem>>
    %dma_start3A_407 = tpu.memref_squeeze %dma_start3A_406 : memref<1x128xi32, #tpu.memory_space<vmem>> -> memref<128xi32, #tpu.memory_space<vmem>>
    %dma_start3A_408 = arith.constant 0 : i32
    %dma_start3A_409 = tpu.memref_slice %arg3[%dma_start3A_408] : memref<5120000xf32, #tpu.memory_space<hbm>> -> memref<5120000xf32, #tpu.memory_space<hbm>>
    tpu.enqueue_indirect_dma source(%dma_start3A_409 : memref<5120000xf32, #tpu.memory_space<hbm>>) target(%dma_start3A_404 : memref<128xf32, #tpu.memory_space<vmem>>) offsets(%dma_start3A_407 : memref<128xi32, #tpu.memory_space<vmem>>) semaphore(%arg19 : memref<!tpu.dma_semaphore, #tpu.memory_space<semaphore_mem>>)
    %dma_start3A_410 = arith.constant 11 : i32
    %dma_start3A_411 = arith.constant 11 : i32
    %dma_start3A_412 = arith.constant 256 : i32
    %dma_start3A_413 = tpu.memref_slice %arg17[%dma_start3A_411, %dma_start3A_412] : memref<16x384xf32, #tpu.memory_space<vmem>> -> memref<1x128xf32, #tpu.memory_space<vmem>>
    %dma_start3A_414 = tpu.memref_squeeze %dma_start3A_413 : memref<1x128xf32, #tpu.memory_space<vmem>> -> memref<128xf32, #tpu.memory_space<vmem>>
    %dma_start3A_415 = arith.constant 256 : i32
    %dma_start3A_416 = tpu.memref_slice %arg13[%dma_start3A_410, %dma_start3A_415] : memref<16x384xi32, #tpu.memory_space<vmem>> -> memref<1x128xi32, #tpu.memory_space<vmem>>
    %dma_start3A_417 = tpu.memref_squeeze %dma_start3A_416 : memref<1x128xi32, #tpu.memory_space<vmem>> -> memref<128xi32, #tpu.memory_space<vmem>>
    %dma_start3A_418 = arith.constant 0 : i32
    %dma_start3A_419 = tpu.memref_slice %arg3[%dma_start3A_418] : memref<5120000xf32, #tpu.memory_space<hbm>> -> memref<5120000xf32, #tpu.memory_space<hbm>>
    tpu.enqueue_indirect_dma source(%dma_start3A_419 : memref<5120000xf32, #tpu.memory_space<hbm>>) target(%dma_start3A_414 : memref<128xf32, #tpu.memory_space<vmem>>) offsets(%dma_start3A_417 : memref<128xi32, #tpu.memory_space<vmem>>) semaphore(%arg19 : memref<!tpu.dma_semaphore, #tpu.memory_space<semaphore_mem>>)
    %dma_start3A_420 = arith.constant 12 : i32
    %dma_start3A_421 = arith.constant 12 : i32
    %dma_start3A_422 = arith.constant 0 : i32
    %dma_start3A_423 = tpu.memref_slice %arg17[%dma_start3A_421, %dma_start3A_422] : memref<16x384xf32, #tpu.memory_space<vmem>> -> memref<1x128xf32, #tpu.memory_space<vmem>>
    %dma_start3A_424 = tpu.memref_squeeze %dma_start3A_423 : memref<1x128xf32, #tpu.memory_space<vmem>> -> memref<128xf32, #tpu.memory_space<vmem>>
    %dma_start3A_425 = arith.constant 0 : i32
    %dma_start3A_426 = tpu.memref_slice %arg13[%dma_start3A_420, %dma_start3A_425] : memref<16x384xi32, #tpu.memory_space<vmem>> -> memref<1x128xi32, #tpu.memory_space<vmem>>
    %dma_start3A_427 = tpu.memref_squeeze %dma_start3A_426 : memref<1x128xi32, #tpu.memory_space<vmem>> -> memref<128xi32, #tpu.memory_space<vmem>>
    %dma_start3A_428 = arith.constant 0 : i32
    %dma_start3A_429 = tpu.memref_slice %arg3[%dma_start3A_428] : memref<5120000xf32, #tpu.memory_space<hbm>> -> memref<5120000xf32, #tpu.memory_space<hbm>>
    tpu.enqueue_indirect_dma source(%dma_start3A_429 : memref<5120000xf32, #tpu.memory_space<hbm>>) target(%dma_start3A_424 : memref<128xf32, #tpu.memory_space<vmem>>) offsets(%dma_start3A_427 : memref<128xi32, #tpu.memory_space<vmem>>) semaphore(%arg19 : memref<!tpu.dma_semaphore, #tpu.memory_space<semaphore_mem>>)
    %dma_start3A_430 = arith.constant 12 : i32
    %dma_start3A_431 = arith.constant 12 : i32
    %dma_start3A_432 = arith.constant 128 : i32
    %dma_start3A_433 = tpu.memref_slice %arg17[%dma_start3A_431, %dma_start3A_432] : memref<16x384xf32, #tpu.memory_space<vmem>> -> memref<1x128xf32, #tpu.memory_space<vmem>>
    %dma_start3A_434 = tpu.memref_squeeze %dma_start3A_433 : memref<1x128xf32, #tpu.memory_space<vmem>> -> memref<128xf32, #tpu.memory_space<vmem>>
    %dma_start3A_435 = arith.constant 128 : i32
    %dma_start3A_436 = tpu.memref_slice %arg13[%dma_start3A_430, %dma_start3A_435] : memref<16x384xi32, #tpu.memory_space<vmem>> -> memref<1x128xi32, #tpu.memory_space<vmem>>
    %dma_start3A_437 = tpu.memref_squeeze %dma_start3A_436 : memref<1x128xi32, #tpu.memory_space<vmem>> -> memref<128xi32, #tpu.memory_space<vmem>>
    %dma_start3A_438 = arith.constant 0 : i32
    %dma_start3A_439 = tpu.memref_slice %arg3[%dma_start3A_438] : memref<5120000xf32, #tpu.memory_space<hbm>> -> memref<5120000xf32, #tpu.memory_space<hbm>>
    tpu.enqueue_indirect_dma source(%dma_start3A_439 : memref<5120000xf32, #tpu.memory_space<hbm>>) target(%dma_start3A_434 : memref<128xf32, #tpu.memory_space<vmem>>) offsets(%dma_start3A_437 : memref<128xi32, #tpu.memory_space<vmem>>) semaphore(%arg19 : memref<!tpu.dma_semaphore, #tpu.memory_space<semaphore_mem>>)
    %dma_start3A_440 = arith.constant 12 : i32
    %dma_start3A_441 = arith.constant 12 : i32
    %dma_start3A_442 = arith.constant 256 : i32
    %dma_start3A_443 = tpu.memref_slice %arg17[%dma_start3A_441, %dma_start3A_442] : memref<16x384xf32, #tpu.memory_space<vmem>> -> memref<1x128xf32, #tpu.memory_space<vmem>>
    %dma_start3A_444 = tpu.memref_squeeze %dma_start3A_443 : memref<1x128xf32, #tpu.memory_space<vmem>> -> memref<128xf32, #tpu.memory_space<vmem>>
    %dma_start3A_445 = arith.constant 256 : i32
    %dma_start3A_446 = tpu.memref_slice %arg13[%dma_start3A_440, %dma_start3A_445] : memref<16x384xi32, #tpu.memory_space<vmem>> -> memref<1x128xi32, #tpu.memory_space<vmem>>
    %dma_start3A_447 = tpu.memref_squeeze %dma_start3A_446 : memref<1x128xi32, #tpu.memory_space<vmem>> -> memref<128xi32, #tpu.memory_space<vmem>>
    %dma_start3A_448 = arith.constant 0 : i32
    %dma_start3A_449 = tpu.memref_slice %arg3[%dma_start3A_448] : memref<5120000xf32, #tpu.memory_space<hbm>> -> memref<5120000xf32, #tpu.memory_space<hbm>>
    tpu.enqueue_indirect_dma source(%dma_start3A_449 : memref<5120000xf32, #tpu.memory_space<hbm>>) target(%dma_start3A_444 : memref<128xf32, #tpu.memory_space<vmem>>) offsets(%dma_start3A_447 : memref<128xi32, #tpu.memory_space<vmem>>) semaphore(%arg19 : memref<!tpu.dma_semaphore, #tpu.memory_space<semaphore_mem>>)
    %dma_start3A_450 = arith.constant 13 : i32
    %dma_start3A_451 = arith.constant 13 : i32
    %dma_start3A_452 = arith.constant 0 : i32
    %dma_start3A_453 = tpu.memref_slice %arg17[%dma_start3A_451, %dma_start3A_452] : memref<16x384xf32, #tpu.memory_space<vmem>> -> memref<1x128xf32, #tpu.memory_space<vmem>>
    %dma_start3A_454 = tpu.memref_squeeze %dma_start3A_453 : memref<1x128xf32, #tpu.memory_space<vmem>> -> memref<128xf32, #tpu.memory_space<vmem>>
    %dma_start3A_455 = arith.constant 0 : i32
    %dma_start3A_456 = tpu.memref_slice %arg13[%dma_start3A_450, %dma_start3A_455] : memref<16x384xi32, #tpu.memory_space<vmem>> -> memref<1x128xi32, #tpu.memory_space<vmem>>
    %dma_start3A_457 = tpu.memref_squeeze %dma_start3A_456 : memref<1x128xi32, #tpu.memory_space<vmem>> -> memref<128xi32, #tpu.memory_space<vmem>>
    %dma_start3A_458 = arith.constant 0 : i32
    %dma_start3A_459 = tpu.memref_slice %arg3[%dma_start3A_458] : memref<5120000xf32, #tpu.memory_space<hbm>> -> memref<5120000xf32, #tpu.memory_space<hbm>>
    tpu.enqueue_indirect_dma source(%dma_start3A_459 : memref<5120000xf32, #tpu.memory_space<hbm>>) target(%dma_start3A_454 : memref<128xf32, #tpu.memory_space<vmem>>) offsets(%dma_start3A_457 : memref<128xi32, #tpu.memory_space<vmem>>) semaphore(%arg19 : memref<!tpu.dma_semaphore, #tpu.memory_space<semaphore_mem>>)
    %dma_start3A_460 = arith.constant 13 : i32
    %dma_start3A_461 = arith.constant 13 : i32
    %dma_start3A_462 = arith.constant 128 : i32
    %dma_start3A_463 = tpu.memref_slice %arg17[%dma_start3A_461, %dma_start3A_462] : memref<16x384xf32, #tpu.memory_space<vmem>> -> memref<1x128xf32, #tpu.memory_space<vmem>>
    %dma_start3A_464 = tpu.memref_squeeze %dma_start3A_463 : memref<1x128xf32, #tpu.memory_space<vmem>> -> memref<128xf32, #tpu.memory_space<vmem>>
    %dma_start3A_465 = arith.constant 128 : i32
    %dma_start3A_466 = tpu.memref_slice %arg13[%dma_start3A_460, %dma_start3A_465] : memref<16x384xi32, #tpu.memory_space<vmem>> -> memref<1x128xi32, #tpu.memory_space<vmem>>
    %dma_start3A_467 = tpu.memref_squeeze %dma_start3A_466 : memref<1x128xi32, #tpu.memory_space<vmem>> -> memref<128xi32, #tpu.memory_space<vmem>>
    %dma_start3A_468 = arith.constant 0 : i32
    %dma_start3A_469 = tpu.memref_slice %arg3[%dma_start3A_468] : memref<5120000xf32, #tpu.memory_space<hbm>> -> memref<5120000xf32, #tpu.memory_space<hbm>>
    tpu.enqueue_indirect_dma source(%dma_start3A_469 : memref<5120000xf32, #tpu.memory_space<hbm>>) target(%dma_start3A_464 : memref<128xf32, #tpu.memory_space<vmem>>) offsets(%dma_start3A_467 : memref<128xi32, #tpu.memory_space<vmem>>) semaphore(%arg19 : memref<!tpu.dma_semaphore, #tpu.memory_space<semaphore_mem>>)
    %dma_start3A_470 = arith.constant 13 : i32
    %dma_start3A_471 = arith.constant 13 : i32
    %dma_start3A_472 = arith.constant 256 : i32
    %dma_start3A_473 = tpu.memref_slice %arg17[%dma_start3A_471, %dma_start3A_472] : memref<16x384xf32, #tpu.memory_space<vmem>> -> memref<1x128xf32, #tpu.memory_space<vmem>>
    %dma_start3A_474 = tpu.memref_squeeze %dma_start3A_473 : memref<1x128xf32, #tpu.memory_space<vmem>> -> memref<128xf32, #tpu.memory_space<vmem>>
    %dma_start3A_475 = arith.constant 256 : i32
    %dma_start3A_476 = tpu.memref_slice %arg13[%dma_start3A_470, %dma_start3A_475] : memref<16x384xi32, #tpu.memory_space<vmem>> -> memref<1x128xi32, #tpu.memory_space<vmem>>
    %dma_start3A_477 = tpu.memref_squeeze %dma_start3A_476 : memref<1x128xi32, #tpu.memory_space<vmem>> -> memref<128xi32, #tpu.memory_space<vmem>>
    %dma_start3A_478 = arith.constant 0 : i32
    %dma_start3A_479 = tpu.memref_slice %arg3[%dma_start3A_478] : memref<5120000xf32, #tpu.memory_space<hbm>> -> memref<5120000xf32, #tpu.memory_space<hbm>>
    tpu.enqueue_indirect_dma source(%dma_start3A_479 : memref<5120000xf32, #tpu.memory_space<hbm>>) target(%dma_start3A_474 : memref<128xf32, #tpu.memory_space<vmem>>) offsets(%dma_start3A_477 : memref<128xi32, #tpu.memory_space<vmem>>) semaphore(%arg19 : memref<!tpu.dma_semaphore, #tpu.memory_space<semaphore_mem>>)
    %dma_start3A_480 = arith.constant 14 : i32
    %dma_start3A_481 = arith.constant 14 : i32
    %dma_start3A_482 = arith.constant 0 : i32
    %dma_start3A_483 = tpu.memref_slice %arg17[%dma_start3A_481, %dma_start3A_482] : memref<16x384xf32, #tpu.memory_space<vmem>> -> memref<1x128xf32, #tpu.memory_space<vmem>>
    %dma_start3A_484 = tpu.memref_squeeze %dma_start3A_483 : memref<1x128xf32, #tpu.memory_space<vmem>> -> memref<128xf32, #tpu.memory_space<vmem>>
    %dma_start3A_485 = arith.constant 0 : i32
    %dma_start3A_486 = tpu.memref_slice %arg13[%dma_start3A_480, %dma_start3A_485] : memref<16x384xi32, #tpu.memory_space<vmem>> -> memref<1x128xi32, #tpu.memory_space<vmem>>
    %dma_start3A_487 = tpu.memref_squeeze %dma_start3A_486 : memref<1x128xi32, #tpu.memory_space<vmem>> -> memref<128xi32, #tpu.memory_space<vmem>>
    %dma_start3A_488 = arith.constant 0 : i32
    %dma_start3A_489 = tpu.memref_slice %arg3[%dma_start3A_488] : memref<5120000xf32, #tpu.memory_space<hbm>> -> memref<5120000xf32, #tpu.memory_space<hbm>>
    tpu.enqueue_indirect_dma source(%dma_start3A_489 : memref<5120000xf32, #tpu.memory_space<hbm>>) target(%dma_start3A_484 : memref<128xf32, #tpu.memory_space<vmem>>) offsets(%dma_start3A_487 : memref<128xi32, #tpu.memory_space<vmem>>) semaphore(%arg19 : memref<!tpu.dma_semaphore, #tpu.memory_space<semaphore_mem>>)
    %dma_start3A_490 = arith.constant 14 : i32
    %dma_start3A_491 = arith.constant 14 : i32
    %dma_start3A_492 = arith.constant 128 : i32
    %dma_start3A_493 = tpu.memref_slice %arg17[%dma_start3A_491, %dma_start3A_492] : memref<16x384xf32, #tpu.memory_space<vmem>> -> memref<1x128xf32, #tpu.memory_space<vmem>>
    %dma_start3A_494 = tpu.memref_squeeze %dma_start3A_493 : memref<1x128xf32, #tpu.memory_space<vmem>> -> memref<128xf32, #tpu.memory_space<vmem>>
    %dma_start3A_495 = arith.constant 128 : i32
    %dma_start3A_496 = tpu.memref_slice %arg13[%dma_start3A_490, %dma_start3A_495] : memref<16x384xi32, #tpu.memory_space<vmem>> -> memref<1x128xi32, #tpu.memory_space<vmem>>
    %dma_start3A_497 = tpu.memref_squeeze %dma_start3A_496 : memref<1x128xi32, #tpu.memory_space<vmem>> -> memref<128xi32, #tpu.memory_space<vmem>>
    %dma_start3A_498 = arith.constant 0 : i32
    %dma_start3A_499 = tpu.memref_slice %arg3[%dma_start3A_498] : memref<5120000xf32, #tpu.memory_space<hbm>> -> memref<5120000xf32, #tpu.memory_space<hbm>>
    tpu.enqueue_indirect_dma source(%dma_start3A_499 : memref<5120000xf32, #tpu.memory_space<hbm>>) target(%dma_start3A_494 : memref<128xf32, #tpu.memory_space<vmem>>) offsets(%dma_start3A_497 : memref<128xi32, #tpu.memory_space<vmem>>) semaphore(%arg19 : memref<!tpu.dma_semaphore, #tpu.memory_space<semaphore_mem>>)
    %dma_start3A_500 = arith.constant 14 : i32
    %dma_start3A_501 = arith.constant 14 : i32
    %dma_start3A_502 = arith.constant 256 : i32
    %dma_start3A_503 = tpu.memref_slice %arg17[%dma_start3A_501, %dma_start3A_502] : memref<16x384xf32, #tpu.memory_space<vmem>> -> memref<1x128xf32, #tpu.memory_space<vmem>>
    %dma_start3A_504 = tpu.memref_squeeze %dma_start3A_503 : memref<1x128xf32, #tpu.memory_space<vmem>> -> memref<128xf32, #tpu.memory_space<vmem>>
    %dma_start3A_505 = arith.constant 256 : i32
    %dma_start3A_506 = tpu.memref_slice %arg13[%dma_start3A_500, %dma_start3A_505] : memref<16x384xi32, #tpu.memory_space<vmem>> -> memref<1x128xi32, #tpu.memory_space<vmem>>
    %dma_start3A_507 = tpu.memref_squeeze %dma_start3A_506 : memref<1x128xi32, #tpu.memory_space<vmem>> -> memref<128xi32, #tpu.memory_space<vmem>>
    %dma_start3A_508 = arith.constant 0 : i32
    %dma_start3A_509 = tpu.memref_slice %arg3[%dma_start3A_508] : memref<5120000xf32, #tpu.memory_space<hbm>> -> memref<5120000xf32, #tpu.memory_space<hbm>>
    tpu.enqueue_indirect_dma source(%dma_start3A_509 : memref<5120000xf32, #tpu.memory_space<hbm>>) target(%dma_start3A_504 : memref<128xf32, #tpu.memory_space<vmem>>) offsets(%dma_start3A_507 : memref<128xi32, #tpu.memory_space<vmem>>) semaphore(%arg19 : memref<!tpu.dma_semaphore, #tpu.memory_space<semaphore_mem>>)
    %dma_start3A_510 = arith.constant 15 : i32
    %dma_start3A_511 = arith.constant 15 : i32
    %dma_start3A_512 = arith.constant 0 : i32
    %dma_start3A_513 = tpu.memref_slice %arg17[%dma_start3A_511, %dma_start3A_512] : memref<16x384xf32, #tpu.memory_space<vmem>> -> memref<1x128xf32, #tpu.memory_space<vmem>>
    %dma_start3A_514 = tpu.memref_squeeze %dma_start3A_513 : memref<1x128xf32, #tpu.memory_space<vmem>> -> memref<128xf32, #tpu.memory_space<vmem>>
    %dma_start3A_515 = arith.constant 0 : i32
    %dma_start3A_516 = tpu.memref_slice %arg13[%dma_start3A_510, %dma_start3A_515] : memref<16x384xi32, #tpu.memory_space<vmem>> -> memref<1x128xi32, #tpu.memory_space<vmem>>
    %dma_start3A_517 = tpu.memref_squeeze %dma_start3A_516 : memref<1x128xi32, #tpu.memory_space<vmem>> -> memref<128xi32, #tpu.memory_space<vmem>>
    %dma_start3A_518 = arith.constant 0 : i32
    %dma_start3A_519 = tpu.memref_slice %arg3[%dma_start3A_518] : memref<5120000xf32, #tpu.memory_space<hbm>> -> memref<5120000xf32, #tpu.memory_space<hbm>>
    tpu.enqueue_indirect_dma source(%dma_start3A_519 : memref<5120000xf32, #tpu.memory_space<hbm>>) target(%dma_start3A_514 : memref<128xf32, #tpu.memory_space<vmem>>) offsets(%dma_start3A_517 : memref<128xi32, #tpu.memory_space<vmem>>) semaphore(%arg19 : memref<!tpu.dma_semaphore, #tpu.memory_space<semaphore_mem>>)
    %dma_start3A_520 = arith.constant 15 : i32
    %dma_start3A_521 = arith.constant 15 : i32
    %dma_start3A_522 = arith.constant 128 : i32
    %dma_start3A_523 = tpu.memref_slice %arg17[%dma_start3A_521, %dma_start3A_522] : memref<16x384xf32, #tpu.memory_space<vmem>> -> memref<1x128xf32, #tpu.memory_space<vmem>>
    %dma_start3A_524 = tpu.memref_squeeze %dma_start3A_523 : memref<1x128xf32, #tpu.memory_space<vmem>> -> memref<128xf32, #tpu.memory_space<vmem>>
    %dma_start3A_525 = arith.constant 128 : i32
    %dma_start3A_526 = tpu.memref_slice %arg13[%dma_start3A_520, %dma_start3A_525] : memref<16x384xi32, #tpu.memory_space<vmem>> -> memref<1x128xi32, #tpu.memory_space<vmem>>
    %dma_start3A_527 = tpu.memref_squeeze %dma_start3A_526 : memref<1x128xi32, #tpu.memory_space<vmem>> -> memref<128xi32, #tpu.memory_space<vmem>>
    %dma_start3A_528 = arith.constant 0 : i32
    %dma_start3A_529 = tpu.memref_slice %arg3[%dma_start3A_528] : memref<5120000xf32, #tpu.memory_space<hbm>> -> memref<5120000xf32, #tpu.memory_space<hbm>>
    tpu.enqueue_indirect_dma source(%dma_start3A_529 : memref<5120000xf32, #tpu.memory_space<hbm>>) target(%dma_start3A_524 : memref<128xf32, #tpu.memory_space<vmem>>) offsets(%dma_start3A_527 : memref<128xi32, #tpu.memory_space<vmem>>) semaphore(%arg19 : memref<!tpu.dma_semaphore, #tpu.memory_space<semaphore_mem>>)
    %dma_start3A_530 = arith.constant 15 : i32
    %dma_start3A_531 = arith.constant 15 : i32
    %dma_start3A_532 = arith.constant 256 : i32
    %dma_start3A_533 = tpu.memref_slice %arg17[%dma_start3A_531, %dma_start3A_532] : memref<16x384xf32, #tpu.memory_space<vmem>> -> memref<1x128xf32, #tpu.memory_space<vmem>>
    %dma_start3A_534 = tpu.memref_squeeze %dma_start3A_533 : memref<1x128xf32, #tpu.memory_space<vmem>> -> memref<128xf32, #tpu.memory_space<vmem>>
    %dma_start3A_535 = arith.constant 256 : i32
    %dma_start3A_536 = tpu.memref_slice %arg13[%dma_start3A_530, %dma_start3A_535] : memref<16x384xi32, #tpu.memory_space<vmem>> -> memref<1x128xi32, #tpu.memory_space<vmem>>
    %dma_start3A_537 = tpu.memref_squeeze %dma_start3A_536 : memref<1x128xi32, #tpu.memory_space<vmem>> -> memref<128xi32, #tpu.memory_space<vmem>>
    %dma_start3A_538 = arith.constant 0 : i32
    %dma_start3A_539 = tpu.memref_slice %arg3[%dma_start3A_538] : memref<5120000xf32, #tpu.memory_space<hbm>> -> memref<5120000xf32, #tpu.memory_space<hbm>>
    tpu.enqueue_indirect_dma source(%dma_start3A_539 : memref<5120000xf32, #tpu.memory_space<hbm>>) target(%dma_start3A_534 : memref<128xf32, #tpu.memory_space<vmem>>) offsets(%dma_start3A_537 : memref<128xi32, #tpu.memory_space<vmem>>) semaphore(%arg19 : memref<!tpu.dma_semaphore, #tpu.memory_space<semaphore_mem>>)
    %dma_wait3A_540 = arith.constant 0 : i32
    %dma_wait3A_541 = tpu.memref_slice %arg15[%dma_wait3A_540] : memref<384xi32, #tpu.memory_space<vmem>> -> memref<128xi32, #tpu.memory_space<vmem>>
    %dma_wait3A_542 = arith.constant 0 : i32
    %dma_wait3A_543 = tpu.memref_slice %arg14[%dma_wait3A_542] : memref<384xi32, #tpu.memory_space<vmem>> -> memref<128xi32, #tpu.memory_space<vmem>>
    %dma_wait3A_544 = arith.constant 0 : i32
    %dma_wait3A_545 = tpu.memref_slice %arg2[%dma_wait3A_544] : memref<640000xi32, #tpu.memory_space<hbm>> -> memref<640000xi32, #tpu.memory_space<hbm>>
    tpu.wait_indirect_dma semaphore(%arg19 : memref<!tpu.dma_semaphore, #tpu.memory_space<semaphore_mem>>) src(%dma_wait3A_545 : memref<640000xi32, #tpu.memory_space<hbm>>) dst(%dma_wait3A_541 : memref<128xi32, #tpu.memory_space<vmem>>)
    %dma_wait3A_546 = arith.constant 128 : i32
    %dma_wait3A_547 = tpu.memref_slice %arg15[%dma_wait3A_546] : memref<384xi32, #tpu.memory_space<vmem>> -> memref<128xi32, #tpu.memory_space<vmem>>
    %dma_wait3A_548 = arith.constant 128 : i32
    %dma_wait3A_549 = tpu.memref_slice %arg14[%dma_wait3A_548] : memref<384xi32, #tpu.memory_space<vmem>> -> memref<128xi32, #tpu.memory_space<vmem>>
    %dma_wait3A_550 = arith.constant 0 : i32
    %dma_wait3A_551 = tpu.memref_slice %arg2[%dma_wait3A_550] : memref<640000xi32, #tpu.memory_space<hbm>> -> memref<640000xi32, #tpu.memory_space<hbm>>
    tpu.wait_indirect_dma semaphore(%arg19 : memref<!tpu.dma_semaphore, #tpu.memory_space<semaphore_mem>>) src(%dma_wait3A_551 : memref<640000xi32, #tpu.memory_space<hbm>>) dst(%dma_wait3A_547 : memref<128xi32, #tpu.memory_space<vmem>>)
    %dma_wait3A_552 = arith.constant 256 : i32
    %dma_wait3A_553 = tpu.memref_slice %arg15[%dma_wait3A_552] : memref<384xi32, #tpu.memory_space<vmem>> -> memref<128xi32, #tpu.memory_space<vmem>>
    %dma_wait3A_554 = arith.constant 256 : i32
    %dma_wait3A_555 = tpu.memref_slice %arg14[%dma_wait3A_554] : memref<384xi32, #tpu.memory_space<vmem>> -> memref<128xi32, #tpu.memory_space<vmem>>
    %dma_wait3A_556 = arith.constant 0 : i32
    %dma_wait3A_557 = tpu.memref_slice %arg2[%dma_wait3A_556] : memref<640000xi32, #tpu.memory_space<hbm>> -> memref<640000xi32, #tpu.memory_space<hbm>>
    tpu.wait_indirect_dma semaphore(%arg19 : memref<!tpu.dma_semaphore, #tpu.memory_space<semaphore_mem>>) src(%dma_wait3A_557 : memref<640000xi32, #tpu.memory_space<hbm>>) dst(%dma_wait3A_553 : memref<128xi32, #tpu.memory_space<vmem>>)
    %dma_start3A_558 = arith.constant 0 : i32
    %dma_start3A_559 = arith.constant 0 : i32
    %dma_start3A_560 = tpu.memref_slice %arg16[%dma_start3A_558, %dma_start3A_559] : memref<384x128xf32, #tpu.memory_space<vmem>> -> memref<128x128xf32, #tpu.memory_space<vmem>>
    %dma_start3A_561 = arith.constant 0 : i32
    %dma_start3A_562 = tpu.memref_slice %arg15[%dma_start3A_561] : memref<384xi32, #tpu.memory_space<vmem>> -> memref<128xi32, #tpu.memory_space<vmem>>
    %dma_start3A_563 = arith.constant 0 : i32
    %dma_start3A_564 = arith.constant 0 : i32
    %dma_start3A_565 = tpu.memref_slice %arg4[%dma_start3A_563, %dma_start3A_564] : memref<10000x128xf32, #tpu.memory_space<hbm>> -> memref<10000x128xf32, #tpu.memory_space<hbm>>
    tpu.enqueue_indirect_dma source(%dma_start3A_565 : memref<10000x128xf32, #tpu.memory_space<hbm>>) target(%dma_start3A_560 : memref<128x128xf32, #tpu.memory_space<vmem>>) offsets(%dma_start3A_562 : memref<128xi32, #tpu.memory_space<vmem>>) semaphore(%arg19 : memref<!tpu.dma_semaphore, #tpu.memory_space<semaphore_mem>>)
    %dma_start3A_566 = arith.constant 128 : i32
    %dma_start3A_567 = arith.constant 0 : i32
    %dma_start3A_568 = tpu.memref_slice %arg16[%dma_start3A_566, %dma_start3A_567] : memref<384x128xf32, #tpu.memory_space<vmem>> -> memref<128x128xf32, #tpu.memory_space<vmem>>
    %dma_start3A_569 = arith.constant 128 : i32
    %dma_start3A_570 = tpu.memref_slice %arg15[%dma_start3A_569] : memref<384xi32, #tpu.memory_space<vmem>> -> memref<128xi32, #tpu.memory_space<vmem>>
    %dma_start3A_571 = arith.constant 0 : i32
    %dma_start3A_572 = arith.constant 0 : i32
    %dma_start3A_573 = tpu.memref_slice %arg4[%dma_start3A_571, %dma_start3A_572] : memref<10000x128xf32, #tpu.memory_space<hbm>> -> memref<10000x128xf32, #tpu.memory_space<hbm>>
    tpu.enqueue_indirect_dma source(%dma_start3A_573 : memref<10000x128xf32, #tpu.memory_space<hbm>>) target(%dma_start3A_568 : memref<128x128xf32, #tpu.memory_space<vmem>>) offsets(%dma_start3A_570 : memref<128xi32, #tpu.memory_space<vmem>>) semaphore(%arg19 : memref<!tpu.dma_semaphore, #tpu.memory_space<semaphore_mem>>)
    %dma_start3A_574 = arith.constant 256 : i32
    %dma_start3A_575 = arith.constant 0 : i32
    %dma_start3A_576 = tpu.memref_slice %arg16[%dma_start3A_574, %dma_start3A_575] : memref<384x128xf32, #tpu.memory_space<vmem>> -> memref<128x128xf32, #tpu.memory_space<vmem>>
    %dma_start3A_577 = arith.constant 256 : i32
    %dma_start3A_578 = tpu.memref_slice %arg15[%dma_start3A_577] : memref<384xi32, #tpu.memory_space<vmem>> -> memref<128xi32, #tpu.memory_space<vmem>>
    %dma_start3A_579 = arith.constant 0 : i32
    %dma_start3A_580 = arith.constant 0 : i32
    %dma_start3A_581 = tpu.memref_slice %arg4[%dma_start3A_579, %dma_start3A_580] : memref<10000x128xf32, #tpu.memory_space<hbm>> -> memref<10000x128xf32, #tpu.memory_space<hbm>>
    tpu.enqueue_indirect_dma source(%dma_start3A_581 : memref<10000x128xf32, #tpu.memory_space<hbm>>) target(%dma_start3A_576 : memref<128x128xf32, #tpu.memory_space<vmem>>) offsets(%dma_start3A_578 : memref<128xi32, #tpu.memory_space<vmem>>) semaphore(%arg19 : memref<!tpu.dma_semaphore, #tpu.memory_space<semaphore_mem>>)
    %dma_wait3A_582 = arith.constant 0 : i32
    %dma_wait3A_583 = arith.constant 0 : i32
    %dma_wait3A_584 = arith.constant 0 : i32
    %dma_wait3A_585 = tpu.memref_slice %arg17[%dma_wait3A_583, %dma_wait3A_584] : memref<16x384xf32, #tpu.memory_space<vmem>> -> memref<1x128xf32, #tpu.memory_space<vmem>>
    %dma_wait3A_586 = tpu.memref_squeeze %dma_wait3A_585 : memref<1x128xf32, #tpu.memory_space<vmem>> -> memref<128xf32, #tpu.memory_space<vmem>>
    %dma_wait3A_587 = arith.constant 0 : i32
    %dma_wait3A_588 = tpu.memref_slice %arg13[%dma_wait3A_582, %dma_wait3A_587] : memref<16x384xi32, #tpu.memory_space<vmem>> -> memref<1x128xi32, #tpu.memory_space<vmem>>
    %dma_wait3A_589 = tpu.memref_squeeze %dma_wait3A_588 : memref<1x128xi32, #tpu.memory_space<vmem>> -> memref<128xi32, #tpu.memory_space<vmem>>
    %dma_wait3A_590 = arith.constant 0 : i32
    %dma_wait3A_591 = tpu.memref_slice %arg3[%dma_wait3A_590] : memref<5120000xf32, #tpu.memory_space<hbm>> -> memref<5120000xf32, #tpu.memory_space<hbm>>
    tpu.wait_indirect_dma semaphore(%arg19 : memref<!tpu.dma_semaphore, #tpu.memory_space<semaphore_mem>>) src(%dma_wait3A_591 : memref<5120000xf32, #tpu.memory_space<hbm>>) dst(%dma_wait3A_586 : memref<128xf32, #tpu.memory_space<vmem>>)
    %dma_wait3A_592 = arith.constant 0 : i32
    %dma_wait3A_593 = arith.constant 0 : i32
    %dma_wait3A_594 = arith.constant 128 : i32
    %dma_wait3A_595 = tpu.memref_slice %arg17[%dma_wait3A_593, %dma_wait3A_594] : memref<16x384xf32, #tpu.memory_space<vmem>> -> memref<1x128xf32, #tpu.memory_space<vmem>>
    %dma_wait3A_596 = tpu.memref_squeeze %dma_wait3A_595 : memref<1x128xf32, #tpu.memory_space<vmem>> -> memref<128xf32, #tpu.memory_space<vmem>>
    %dma_wait3A_597 = arith.constant 128 : i32
    %dma_wait3A_598 = tpu.memref_slice %arg13[%dma_wait3A_592, %dma_wait3A_597] : memref<16x384xi32, #tpu.memory_space<vmem>> -> memref<1x128xi32, #tpu.memory_space<vmem>>
    %dma_wait3A_599 = tpu.memref_squeeze %dma_wait3A_598 : memref<1x128xi32, #tpu.memory_space<vmem>> -> memref<128xi32, #tpu.memory_space<vmem>>
    %dma_wait3A_600 = arith.constant 0 : i32
    %dma_wait3A_601 = tpu.memref_slice %arg3[%dma_wait3A_600] : memref<5120000xf32, #tpu.memory_space<hbm>> -> memref<5120000xf32, #tpu.memory_space<hbm>>
    tpu.wait_indirect_dma semaphore(%arg19 : memref<!tpu.dma_semaphore, #tpu.memory_space<semaphore_mem>>) src(%dma_wait3A_601 : memref<5120000xf32, #tpu.memory_space<hbm>>) dst(%dma_wait3A_596 : memref<128xf32, #tpu.memory_space<vmem>>)
    %dma_wait3A_602 = arith.constant 0 : i32
    %dma_wait3A_603 = arith.constant 0 : i32
    %dma_wait3A_604 = arith.constant 256 : i32
    %dma_wait3A_605 = tpu.memref_slice %arg17[%dma_wait3A_603, %dma_wait3A_604] : memref<16x384xf32, #tpu.memory_space<vmem>> -> memref<1x128xf32, #tpu.memory_space<vmem>>
    %dma_wait3A_606 = tpu.memref_squeeze %dma_wait3A_605 : memref<1x128xf32, #tpu.memory_space<vmem>> -> memref<128xf32, #tpu.memory_space<vmem>>
    %dma_wait3A_607 = arith.constant 256 : i32
    %dma_wait3A_608 = tpu.memref_slice %arg13[%dma_wait3A_602, %dma_wait3A_607] : memref<16x384xi32, #tpu.memory_space<vmem>> -> memref<1x128xi32, #tpu.memory_space<vmem>>
    %dma_wait3A_609 = tpu.memref_squeeze %dma_wait3A_608 : memref<1x128xi32, #tpu.memory_space<vmem>> -> memref<128xi32, #tpu.memory_space<vmem>>
    %dma_wait3A_610 = arith.constant 0 : i32
    %dma_wait3A_611 = tpu.memref_slice %arg3[%dma_wait3A_610] : memref<5120000xf32, #tpu.memory_space<hbm>> -> memref<5120000xf32, #tpu.memory_space<hbm>>
    tpu.wait_indirect_dma semaphore(%arg19 : memref<!tpu.dma_semaphore, #tpu.memory_space<semaphore_mem>>) src(%dma_wait3A_611 : memref<5120000xf32, #tpu.memory_space<hbm>>) dst(%dma_wait3A_606 : memref<128xf32, #tpu.memory_space<vmem>>)
    %dma_wait3A_612 = arith.constant 1 : i32
    %dma_wait3A_613 = arith.constant 1 : i32
    %dma_wait3A_614 = arith.constant 0 : i32
    %dma_wait3A_615 = tpu.memref_slice %arg17[%dma_wait3A_613, %dma_wait3A_614] : memref<16x384xf32, #tpu.memory_space<vmem>> -> memref<1x128xf32, #tpu.memory_space<vmem>>
    %dma_wait3A_616 = tpu.memref_squeeze %dma_wait3A_615 : memref<1x128xf32, #tpu.memory_space<vmem>> -> memref<128xf32, #tpu.memory_space<vmem>>
    %dma_wait3A_617 = arith.constant 0 : i32
    %dma_wait3A_618 = tpu.memref_slice %arg13[%dma_wait3A_612, %dma_wait3A_617] : memref<16x384xi32, #tpu.memory_space<vmem>> -> memref<1x128xi32, #tpu.memory_space<vmem>>
    %dma_wait3A_619 = tpu.memref_squeeze %dma_wait3A_618 : memref<1x128xi32, #tpu.memory_space<vmem>> -> memref<128xi32, #tpu.memory_space<vmem>>
    %dma_wait3A_620 = arith.constant 0 : i32
    %dma_wait3A_621 = tpu.memref_slice %arg3[%dma_wait3A_620] : memref<5120000xf32, #tpu.memory_space<hbm>> -> memref<5120000xf32, #tpu.memory_space<hbm>>
    tpu.wait_indirect_dma semaphore(%arg19 : memref<!tpu.dma_semaphore, #tpu.memory_space<semaphore_mem>>) src(%dma_wait3A_621 : memref<5120000xf32, #tpu.memory_space<hbm>>) dst(%dma_wait3A_616 : memref<128xf32, #tpu.memory_space<vmem>>)
    %dma_wait3A_622 = arith.constant 1 : i32
    %dma_wait3A_623 = arith.constant 1 : i32
    %dma_wait3A_624 = arith.constant 128 : i32
    %dma_wait3A_625 = tpu.memref_slice %arg17[%dma_wait3A_623, %dma_wait3A_624] : memref<16x384xf32, #tpu.memory_space<vmem>> -> memref<1x128xf32, #tpu.memory_space<vmem>>
    %dma_wait3A_626 = tpu.memref_squeeze %dma_wait3A_625 : memref<1x128xf32, #tpu.memory_space<vmem>> -> memref<128xf32, #tpu.memory_space<vmem>>
    %dma_wait3A_627 = arith.constant 128 : i32
    %dma_wait3A_628 = tpu.memref_slice %arg13[%dma_wait3A_622, %dma_wait3A_627] : memref<16x384xi32, #tpu.memory_space<vmem>> -> memref<1x128xi32, #tpu.memory_space<vmem>>
    %dma_wait3A_629 = tpu.memref_squeeze %dma_wait3A_628 : memref<1x128xi32, #tpu.memory_space<vmem>> -> memref<128xi32, #tpu.memory_space<vmem>>
    %dma_wait3A_630 = arith.constant 0 : i32
    %dma_wait3A_631 = tpu.memref_slice %arg3[%dma_wait3A_630] : memref<5120000xf32, #tpu.memory_space<hbm>> -> memref<5120000xf32, #tpu.memory_space<hbm>>
    tpu.wait_indirect_dma semaphore(%arg19 : memref<!tpu.dma_semaphore, #tpu.memory_space<semaphore_mem>>) src(%dma_wait3A_631 : memref<5120000xf32, #tpu.memory_space<hbm>>) dst(%dma_wait3A_626 : memref<128xf32, #tpu.memory_space<vmem>>)
    %dma_wait3A_632 = arith.constant 1 : i32
    %dma_wait3A_633 = arith.constant 1 : i32
    %dma_wait3A_634 = arith.constant 256 : i32
    %dma_wait3A_635 = tpu.memref_slice %arg17[%dma_wait3A_633, %dma_wait3A_634] : memref<16x384xf32, #tpu.memory_space<vmem>> -> memref<1x128xf32, #tpu.memory_space<vmem>>
    %dma_wait3A_636 = tpu.memref_squeeze %dma_wait3A_635 : memref<1x128xf32, #tpu.memory_space<vmem>> -> memref<128xf32, #tpu.memory_space<vmem>>
    %dma_wait3A_637 = arith.constant 256 : i32
    %dma_wait3A_638 = tpu.memref_slice %arg13[%dma_wait3A_632, %dma_wait3A_637] : memref<16x384xi32, #tpu.memory_space<vmem>> -> memref<1x128xi32, #tpu.memory_space<vmem>>
    %dma_wait3A_639 = tpu.memref_squeeze %dma_wait3A_638 : memref<1x128xi32, #tpu.memory_space<vmem>> -> memref<128xi32, #tpu.memory_space<vmem>>
    %dma_wait3A_640 = arith.constant 0 : i32
    %dma_wait3A_641 = tpu.memref_slice %arg3[%dma_wait3A_640] : memref<5120000xf32, #tpu.memory_space<hbm>> -> memref<5120000xf32, #tpu.memory_space<hbm>>
    tpu.wait_indirect_dma semaphore(%arg19 : memref<!tpu.dma_semaphore, #tpu.memory_space<semaphore_mem>>) src(%dma_wait3A_641 : memref<5120000xf32, #tpu.memory_space<hbm>>) dst(%dma_wait3A_636 : memref<128xf32, #tpu.memory_space<vmem>>)
    %dma_wait3A_642 = arith.constant 2 : i32
    %dma_wait3A_643 = arith.constant 2 : i32
    %dma_wait3A_644 = arith.constant 0 : i32
    %dma_wait3A_645 = tpu.memref_slice %arg17[%dma_wait3A_643, %dma_wait3A_644] : memref<16x384xf32, #tpu.memory_space<vmem>> -> memref<1x128xf32, #tpu.memory_space<vmem>>
    %dma_wait3A_646 = tpu.memref_squeeze %dma_wait3A_645 : memref<1x128xf32, #tpu.memory_space<vmem>> -> memref<128xf32, #tpu.memory_space<vmem>>
    %dma_wait3A_647 = arith.constant 0 : i32
    %dma_wait3A_648 = tpu.memref_slice %arg13[%dma_wait3A_642, %dma_wait3A_647] : memref<16x384xi32, #tpu.memory_space<vmem>> -> memref<1x128xi32, #tpu.memory_space<vmem>>
    %dma_wait3A_649 = tpu.memref_squeeze %dma_wait3A_648 : memref<1x128xi32, #tpu.memory_space<vmem>> -> memref<128xi32, #tpu.memory_space<vmem>>
    %dma_wait3A_650 = arith.constant 0 : i32
    %dma_wait3A_651 = tpu.memref_slice %arg3[%dma_wait3A_650] : memref<5120000xf32, #tpu.memory_space<hbm>> -> memref<5120000xf32, #tpu.memory_space<hbm>>
    tpu.wait_indirect_dma semaphore(%arg19 : memref<!tpu.dma_semaphore, #tpu.memory_space<semaphore_mem>>) src(%dma_wait3A_651 : memref<5120000xf32, #tpu.memory_space<hbm>>) dst(%dma_wait3A_646 : memref<128xf32, #tpu.memory_space<vmem>>)
    %dma_wait3A_652 = arith.constant 2 : i32
    %dma_wait3A_653 = arith.constant 2 : i32
    %dma_wait3A_654 = arith.constant 128 : i32
    %dma_wait3A_655 = tpu.memref_slice %arg17[%dma_wait3A_653, %dma_wait3A_654] : memref<16x384xf32, #tpu.memory_space<vmem>> -> memref<1x128xf32, #tpu.memory_space<vmem>>
    %dma_wait3A_656 = tpu.memref_squeeze %dma_wait3A_655 : memref<1x128xf32, #tpu.memory_space<vmem>> -> memref<128xf32, #tpu.memory_space<vmem>>
    %dma_wait3A_657 = arith.constant 128 : i32
    %dma_wait3A_658 = tpu.memref_slice %arg13[%dma_wait3A_652, %dma_wait3A_657] : memref<16x384xi32, #tpu.memory_space<vmem>> -> memref<1x128xi32, #tpu.memory_space<vmem>>
    %dma_wait3A_659 = tpu.memref_squeeze %dma_wait3A_658 : memref<1x128xi32, #tpu.memory_space<vmem>> -> memref<128xi32, #tpu.memory_space<vmem>>
    %dma_wait3A_660 = arith.constant 0 : i32
    %dma_wait3A_661 = tpu.memref_slice %arg3[%dma_wait3A_660] : memref<5120000xf32, #tpu.memory_space<hbm>> -> memref<5120000xf32, #tpu.memory_space<hbm>>
    tpu.wait_indirect_dma semaphore(%arg19 : memref<!tpu.dma_semaphore, #tpu.memory_space<semaphore_mem>>) src(%dma_wait3A_661 : memref<5120000xf32, #tpu.memory_space<hbm>>) dst(%dma_wait3A_656 : memref<128xf32, #tpu.memory_space<vmem>>)
    %dma_wait3A_662 = arith.constant 2 : i32
    %dma_wait3A_663 = arith.constant 2 : i32
    %dma_wait3A_664 = arith.constant 256 : i32
    %dma_wait3A_665 = tpu.memref_slice %arg17[%dma_wait3A_663, %dma_wait3A_664] : memref<16x384xf32, #tpu.memory_space<vmem>> -> memref<1x128xf32, #tpu.memory_space<vmem>>
    %dma_wait3A_666 = tpu.memref_squeeze %dma_wait3A_665 : memref<1x128xf32, #tpu.memory_space<vmem>> -> memref<128xf32, #tpu.memory_space<vmem>>
    %dma_wait3A_667 = arith.constant 256 : i32
    %dma_wait3A_668 = tpu.memref_slice %arg13[%dma_wait3A_662, %dma_wait3A_667] : memref<16x384xi32, #tpu.memory_space<vmem>> -> memref<1x128xi32, #tpu.memory_space<vmem>>
    %dma_wait3A_669 = tpu.memref_squeeze %dma_wait3A_668 : memref<1x128xi32, #tpu.memory_space<vmem>> -> memref<128xi32, #tpu.memory_space<vmem>>
    %dma_wait3A_670 = arith.constant 0 : i32
    %dma_wait3A_671 = tpu.memref_slice %arg3[%dma_wait3A_670] : memref<5120000xf32, #tpu.memory_space<hbm>> -> memref<5120000xf32, #tpu.memory_space<hbm>>
    tpu.wait_indirect_dma semaphore(%arg19 : memref<!tpu.dma_semaphore, #tpu.memory_space<semaphore_mem>>) src(%dma_wait3A_671 : memref<5120000xf32, #tpu.memory_space<hbm>>) dst(%dma_wait3A_666 : memref<128xf32, #tpu.memory_space<vmem>>)
    %dma_wait3A_672 = arith.constant 3 : i32
    %dma_wait3A_673 = arith.constant 3 : i32
    %dma_wait3A_674 = arith.constant 0 : i32
    %dma_wait3A_675 = tpu.memref_slice %arg17[%dma_wait3A_673, %dma_wait3A_674] : memref<16x384xf32, #tpu.memory_space<vmem>> -> memref<1x128xf32, #tpu.memory_space<vmem>>
    %dma_wait3A_676 = tpu.memref_squeeze %dma_wait3A_675 : memref<1x128xf32, #tpu.memory_space<vmem>> -> memref<128xf32, #tpu.memory_space<vmem>>
    %dma_wait3A_677 = arith.constant 0 : i32
    %dma_wait3A_678 = tpu.memref_slice %arg13[%dma_wait3A_672, %dma_wait3A_677] : memref<16x384xi32, #tpu.memory_space<vmem>> -> memref<1x128xi32, #tpu.memory_space<vmem>>
    %dma_wait3A_679 = tpu.memref_squeeze %dma_wait3A_678 : memref<1x128xi32, #tpu.memory_space<vmem>> -> memref<128xi32, #tpu.memory_space<vmem>>
    %dma_wait3A_680 = arith.constant 0 : i32
    %dma_wait3A_681 = tpu.memref_slice %arg3[%dma_wait3A_680] : memref<5120000xf32, #tpu.memory_space<hbm>> -> memref<5120000xf32, #tpu.memory_space<hbm>>
    tpu.wait_indirect_dma semaphore(%arg19 : memref<!tpu.dma_semaphore, #tpu.memory_space<semaphore_mem>>) src(%dma_wait3A_681 : memref<5120000xf32, #tpu.memory_space<hbm>>) dst(%dma_wait3A_676 : memref<128xf32, #tpu.memory_space<vmem>>)
    %dma_wait3A_682 = arith.constant 3 : i32
    %dma_wait3A_683 = arith.constant 3 : i32
    %dma_wait3A_684 = arith.constant 128 : i32
    %dma_wait3A_685 = tpu.memref_slice %arg17[%dma_wait3A_683, %dma_wait3A_684] : memref<16x384xf32, #tpu.memory_space<vmem>> -> memref<1x128xf32, #tpu.memory_space<vmem>>
    %dma_wait3A_686 = tpu.memref_squeeze %dma_wait3A_685 : memref<1x128xf32, #tpu.memory_space<vmem>> -> memref<128xf32, #tpu.memory_space<vmem>>
    %dma_wait3A_687 = arith.constant 128 : i32
    %dma_wait3A_688 = tpu.memref_slice %arg13[%dma_wait3A_682, %dma_wait3A_687] : memref<16x384xi32, #tpu.memory_space<vmem>> -> memref<1x128xi32, #tpu.memory_space<vmem>>
    %dma_wait3A_689 = tpu.memref_squeeze %dma_wait3A_688 : memref<1x128xi32, #tpu.memory_space<vmem>> -> memref<128xi32, #tpu.memory_space<vmem>>
    %dma_wait3A_690 = arith.constant 0 : i32
    %dma_wait3A_691 = tpu.memref_slice %arg3[%dma_wait3A_690] : memref<5120000xf32, #tpu.memory_space<hbm>> -> memref<5120000xf32, #tpu.memory_space<hbm>>
    tpu.wait_indirect_dma semaphore(%arg19 : memref<!tpu.dma_semaphore, #tpu.memory_space<semaphore_mem>>) src(%dma_wait3A_691 : memref<5120000xf32, #tpu.memory_space<hbm>>) dst(%dma_wait3A_686 : memref<128xf32, #tpu.memory_space<vmem>>)
    %dma_wait3A_692 = arith.constant 3 : i32
    %dma_wait3A_693 = arith.constant 3 : i32
    %dma_wait3A_694 = arith.constant 256 : i32
    %dma_wait3A_695 = tpu.memref_slice %arg17[%dma_wait3A_693, %dma_wait3A_694] : memref<16x384xf32, #tpu.memory_space<vmem>> -> memref<1x128xf32, #tpu.memory_space<vmem>>
    %dma_wait3A_696 = tpu.memref_squeeze %dma_wait3A_695 : memref<1x128xf32, #tpu.memory_space<vmem>> -> memref<128xf32, #tpu.memory_space<vmem>>
    %dma_wait3A_697 = arith.constant 256 : i32
    %dma_wait3A_698 = tpu.memref_slice %arg13[%dma_wait3A_692, %dma_wait3A_697] : memref<16x384xi32, #tpu.memory_space<vmem>> -> memref<1x128xi32, #tpu.memory_space<vmem>>
    %dma_wait3A_699 = tpu.memref_squeeze %dma_wait3A_698 : memref<1x128xi32, #tpu.memory_space<vmem>> -> memref<128xi32, #tpu.memory_space<vmem>>
    %dma_wait3A_700 = arith.constant 0 : i32
    %dma_wait3A_701 = tpu.memref_slice %arg3[%dma_wait3A_700] : memref<5120000xf32, #tpu.memory_space<hbm>> -> memref<5120000xf32, #tpu.memory_space<hbm>>
    tpu.wait_indirect_dma semaphore(%arg19 : memref<!tpu.dma_semaphore, #tpu.memory_space<semaphore_mem>>) src(%dma_wait3A_701 : memref<5120000xf32, #tpu.memory_space<hbm>>) dst(%dma_wait3A_696 : memref<128xf32, #tpu.memory_space<vmem>>)
    %dma_wait3A_702 = arith.constant 4 : i32
    %dma_wait3A_703 = arith.constant 4 : i32
    %dma_wait3A_704 = arith.constant 0 : i32
    %dma_wait3A_705 = tpu.memref_slice %arg17[%dma_wait3A_703, %dma_wait3A_704] : memref<16x384xf32, #tpu.memory_space<vmem>> -> memref<1x128xf32, #tpu.memory_space<vmem>>
    %dma_wait3A_706 = tpu.memref_squeeze %dma_wait3A_705 : memref<1x128xf32, #tpu.memory_space<vmem>> -> memref<128xf32, #tpu.memory_space<vmem>>
    %dma_wait3A_707 = arith.constant 0 : i32
    %dma_wait3A_708 = tpu.memref_slice %arg13[%dma_wait3A_702, %dma_wait3A_707] : memref<16x384xi32, #tpu.memory_space<vmem>> -> memref<1x128xi32, #tpu.memory_space<vmem>>
    %dma_wait3A_709 = tpu.memref_squeeze %dma_wait3A_708 : memref<1x128xi32, #tpu.memory_space<vmem>> -> memref<128xi32, #tpu.memory_space<vmem>>
    %dma_wait3A_710 = arith.constant 0 : i32
    %dma_wait3A_711 = tpu.memref_slice %arg3[%dma_wait3A_710] : memref<5120000xf32, #tpu.memory_space<hbm>> -> memref<5120000xf32, #tpu.memory_space<hbm>>
    tpu.wait_indirect_dma semaphore(%arg19 : memref<!tpu.dma_semaphore, #tpu.memory_space<semaphore_mem>>) src(%dma_wait3A_711 : memref<5120000xf32, #tpu.memory_space<hbm>>) dst(%dma_wait3A_706 : memref<128xf32, #tpu.memory_space<vmem>>)
    %dma_wait3A_712 = arith.constant 4 : i32
    %dma_wait3A_713 = arith.constant 4 : i32
    %dma_wait3A_714 = arith.constant 128 : i32
    %dma_wait3A_715 = tpu.memref_slice %arg17[%dma_wait3A_713, %dma_wait3A_714] : memref<16x384xf32, #tpu.memory_space<vmem>> -> memref<1x128xf32, #tpu.memory_space<vmem>>
    %dma_wait3A_716 = tpu.memref_squeeze %dma_wait3A_715 : memref<1x128xf32, #tpu.memory_space<vmem>> -> memref<128xf32, #tpu.memory_space<vmem>>
    %dma_wait3A_717 = arith.constant 128 : i32
    %dma_wait3A_718 = tpu.memref_slice %arg13[%dma_wait3A_712, %dma_wait3A_717] : memref<16x384xi32, #tpu.memory_space<vmem>> -> memref<1x128xi32, #tpu.memory_space<vmem>>
    %dma_wait3A_719 = tpu.memref_squeeze %dma_wait3A_718 : memref<1x128xi32, #tpu.memory_space<vmem>> -> memref<128xi32, #tpu.memory_space<vmem>>
    %dma_wait3A_720 = arith.constant 0 : i32
    %dma_wait3A_721 = tpu.memref_slice %arg3[%dma_wait3A_720] : memref<5120000xf32, #tpu.memory_space<hbm>> -> memref<5120000xf32, #tpu.memory_space<hbm>>
    tpu.wait_indirect_dma semaphore(%arg19 : memref<!tpu.dma_semaphore, #tpu.memory_space<semaphore_mem>>) src(%dma_wait3A_721 : memref<5120000xf32, #tpu.memory_space<hbm>>) dst(%dma_wait3A_716 : memref<128xf32, #tpu.memory_space<vmem>>)
    %dma_wait3A_722 = arith.constant 4 : i32
    %dma_wait3A_723 = arith.constant 4 : i32
    %dma_wait3A_724 = arith.constant 256 : i32
    %dma_wait3A_725 = tpu.memref_slice %arg17[%dma_wait3A_723, %dma_wait3A_724] : memref<16x384xf32, #tpu.memory_space<vmem>> -> memref<1x128xf32, #tpu.memory_space<vmem>>
    %dma_wait3A_726 = tpu.memref_squeeze %dma_wait3A_725 : memref<1x128xf32, #tpu.memory_space<vmem>> -> memref<128xf32, #tpu.memory_space<vmem>>
    %dma_wait3A_727 = arith.constant 256 : i32
    %dma_wait3A_728 = tpu.memref_slice %arg13[%dma_wait3A_722, %dma_wait3A_727] : memref<16x384xi32, #tpu.memory_space<vmem>> -> memref<1x128xi32, #tpu.memory_space<vmem>>
    %dma_wait3A_729 = tpu.memref_squeeze %dma_wait3A_728 : memref<1x128xi32, #tpu.memory_space<vmem>> -> memref<128xi32, #tpu.memory_space<vmem>>
    %dma_wait3A_730 = arith.constant 0 : i32
    %dma_wait3A_731 = tpu.memref_slice %arg3[%dma_wait3A_730] : memref<5120000xf32, #tpu.memory_space<hbm>> -> memref<5120000xf32, #tpu.memory_space<hbm>>
    tpu.wait_indirect_dma semaphore(%arg19 : memref<!tpu.dma_semaphore, #tpu.memory_space<semaphore_mem>>) src(%dma_wait3A_731 : memref<5120000xf32, #tpu.memory_space<hbm>>) dst(%dma_wait3A_726 : memref<128xf32, #tpu.memory_space<vmem>>)
    %dma_wait3A_732 = arith.constant 5 : i32
    %dma_wait3A_733 = arith.constant 5 : i32
    %dma_wait3A_734 = arith.constant 0 : i32
    %dma_wait3A_735 = tpu.memref_slice %arg17[%dma_wait3A_733, %dma_wait3A_734] : memref<16x384xf32, #tpu.memory_space<vmem>> -> memref<1x128xf32, #tpu.memory_space<vmem>>
    %dma_wait3A_736 = tpu.memref_squeeze %dma_wait3A_735 : memref<1x128xf32, #tpu.memory_space<vmem>> -> memref<128xf32, #tpu.memory_space<vmem>>
    %dma_wait3A_737 = arith.constant 0 : i32
    %dma_wait3A_738 = tpu.memref_slice %arg13[%dma_wait3A_732, %dma_wait3A_737] : memref<16x384xi32, #tpu.memory_space<vmem>> -> memref<1x128xi32, #tpu.memory_space<vmem>>
    %dma_wait3A_739 = tpu.memref_squeeze %dma_wait3A_738 : memref<1x128xi32, #tpu.memory_space<vmem>> -> memref<128xi32, #tpu.memory_space<vmem>>
    %dma_wait3A_740 = arith.constant 0 : i32
    %dma_wait3A_741 = tpu.memref_slice %arg3[%dma_wait3A_740] : memref<5120000xf32, #tpu.memory_space<hbm>> -> memref<5120000xf32, #tpu.memory_space<hbm>>
    tpu.wait_indirect_dma semaphore(%arg19 : memref<!tpu.dma_semaphore, #tpu.memory_space<semaphore_mem>>) src(%dma_wait3A_741 : memref<5120000xf32, #tpu.memory_space<hbm>>) dst(%dma_wait3A_736 : memref<128xf32, #tpu.memory_space<vmem>>)
    %dma_wait3A_742 = arith.constant 5 : i32
    %dma_wait3A_743 = arith.constant 5 : i32
    %dma_wait3A_744 = arith.constant 128 : i32
    %dma_wait3A_745 = tpu.memref_slice %arg17[%dma_wait3A_743, %dma_wait3A_744] : memref<16x384xf32, #tpu.memory_space<vmem>> -> memref<1x128xf32, #tpu.memory_space<vmem>>
    %dma_wait3A_746 = tpu.memref_squeeze %dma_wait3A_745 : memref<1x128xf32, #tpu.memory_space<vmem>> -> memref<128xf32, #tpu.memory_space<vmem>>
    %dma_wait3A_747 = arith.constant 128 : i32
    %dma_wait3A_748 = tpu.memref_slice %arg13[%dma_wait3A_742, %dma_wait3A_747] : memref<16x384xi32, #tpu.memory_space<vmem>> -> memref<1x128xi32, #tpu.memory_space<vmem>>
    %dma_wait3A_749 = tpu.memref_squeeze %dma_wait3A_748 : memref<1x128xi32, #tpu.memory_space<vmem>> -> memref<128xi32, #tpu.memory_space<vmem>>
    %dma_wait3A_750 = arith.constant 0 : i32
    %dma_wait3A_751 = tpu.memref_slice %arg3[%dma_wait3A_750] : memref<5120000xf32, #tpu.memory_space<hbm>> -> memref<5120000xf32, #tpu.memory_space<hbm>>
    tpu.wait_indirect_dma semaphore(%arg19 : memref<!tpu.dma_semaphore, #tpu.memory_space<semaphore_mem>>) src(%dma_wait3A_751 : memref<5120000xf32, #tpu.memory_space<hbm>>) dst(%dma_wait3A_746 : memref<128xf32, #tpu.memory_space<vmem>>)
    %dma_wait3A_752 = arith.constant 5 : i32
    %dma_wait3A_753 = arith.constant 5 : i32
    %dma_wait3A_754 = arith.constant 256 : i32
    %dma_wait3A_755 = tpu.memref_slice %arg17[%dma_wait3A_753, %dma_wait3A_754] : memref<16x384xf32, #tpu.memory_space<vmem>> -> memref<1x128xf32, #tpu.memory_space<vmem>>
    %dma_wait3A_756 = tpu.memref_squeeze %dma_wait3A_755 : memref<1x128xf32, #tpu.memory_space<vmem>> -> memref<128xf32, #tpu.memory_space<vmem>>
    %dma_wait3A_757 = arith.constant 256 : i32
    %dma_wait3A_758 = tpu.memref_slice %arg13[%dma_wait3A_752, %dma_wait3A_757] : memref<16x384xi32, #tpu.memory_space<vmem>> -> memref<1x128xi32, #tpu.memory_space<vmem>>
    %dma_wait3A_759 = tpu.memref_squeeze %dma_wait3A_758 : memref<1x128xi32, #tpu.memory_space<vmem>> -> memref<128xi32, #tpu.memory_space<vmem>>
    %dma_wait3A_760 = arith.constant 0 : i32
    %dma_wait3A_761 = tpu.memref_slice %arg3[%dma_wait3A_760] : memref<5120000xf32, #tpu.memory_space<hbm>> -> memref<5120000xf32, #tpu.memory_space<hbm>>
    tpu.wait_indirect_dma semaphore(%arg19 : memref<!tpu.dma_semaphore, #tpu.memory_space<semaphore_mem>>) src(%dma_wait3A_761 : memref<5120000xf32, #tpu.memory_space<hbm>>) dst(%dma_wait3A_756 : memref<128xf32, #tpu.memory_space<vmem>>)
    %dma_wait3A_762 = arith.constant 6 : i32
    %dma_wait3A_763 = arith.constant 6 : i32
    %dma_wait3A_764 = arith.constant 0 : i32
    %dma_wait3A_765 = tpu.memref_slice %arg17[%dma_wait3A_763, %dma_wait3A_764] : memref<16x384xf32, #tpu.memory_space<vmem>> -> memref<1x128xf32, #tpu.memory_space<vmem>>
    %dma_wait3A_766 = tpu.memref_squeeze %dma_wait3A_765 : memref<1x128xf32, #tpu.memory_space<vmem>> -> memref<128xf32, #tpu.memory_space<vmem>>
    %dma_wait3A_767 = arith.constant 0 : i32
    %dma_wait3A_768 = tpu.memref_slice %arg13[%dma_wait3A_762, %dma_wait3A_767] : memref<16x384xi32, #tpu.memory_space<vmem>> -> memref<1x128xi32, #tpu.memory_space<vmem>>
    %dma_wait3A_769 = tpu.memref_squeeze %dma_wait3A_768 : memref<1x128xi32, #tpu.memory_space<vmem>> -> memref<128xi32, #tpu.memory_space<vmem>>
    %dma_wait3A_770 = arith.constant 0 : i32
    %dma_wait3A_771 = tpu.memref_slice %arg3[%dma_wait3A_770] : memref<5120000xf32, #tpu.memory_space<hbm>> -> memref<5120000xf32, #tpu.memory_space<hbm>>
    tpu.wait_indirect_dma semaphore(%arg19 : memref<!tpu.dma_semaphore, #tpu.memory_space<semaphore_mem>>) src(%dma_wait3A_771 : memref<5120000xf32, #tpu.memory_space<hbm>>) dst(%dma_wait3A_766 : memref<128xf32, #tpu.memory_space<vmem>>)
    %dma_wait3A_772 = arith.constant 6 : i32
    %dma_wait3A_773 = arith.constant 6 : i32
    %dma_wait3A_774 = arith.constant 128 : i32
    %dma_wait3A_775 = tpu.memref_slice %arg17[%dma_wait3A_773, %dma_wait3A_774] : memref<16x384xf32, #tpu.memory_space<vmem>> -> memref<1x128xf32, #tpu.memory_space<vmem>>
    %dma_wait3A_776 = tpu.memref_squeeze %dma_wait3A_775 : memref<1x128xf32, #tpu.memory_space<vmem>> -> memref<128xf32, #tpu.memory_space<vmem>>
    %dma_wait3A_777 = arith.constant 128 : i32
    %dma_wait3A_778 = tpu.memref_slice %arg13[%dma_wait3A_772, %dma_wait3A_777] : memref<16x384xi32, #tpu.memory_space<vmem>> -> memref<1x128xi32, #tpu.memory_space<vmem>>
    %dma_wait3A_779 = tpu.memref_squeeze %dma_wait3A_778 : memref<1x128xi32, #tpu.memory_space<vmem>> -> memref<128xi32, #tpu.memory_space<vmem>>
    %dma_wait3A_780 = arith.constant 0 : i32
    %dma_wait3A_781 = tpu.memref_slice %arg3[%dma_wait3A_780] : memref<5120000xf32, #tpu.memory_space<hbm>> -> memref<5120000xf32, #tpu.memory_space<hbm>>
    tpu.wait_indirect_dma semaphore(%arg19 : memref<!tpu.dma_semaphore, #tpu.memory_space<semaphore_mem>>) src(%dma_wait3A_781 : memref<5120000xf32, #tpu.memory_space<hbm>>) dst(%dma_wait3A_776 : memref<128xf32, #tpu.memory_space<vmem>>)
    %dma_wait3A_782 = arith.constant 6 : i32
    %dma_wait3A_783 = arith.constant 6 : i32
    %dma_wait3A_784 = arith.constant 256 : i32
    %dma_wait3A_785 = tpu.memref_slice %arg17[%dma_wait3A_783, %dma_wait3A_784] : memref<16x384xf32, #tpu.memory_space<vmem>> -> memref<1x128xf32, #tpu.memory_space<vmem>>
    %dma_wait3A_786 = tpu.memref_squeeze %dma_wait3A_785 : memref<1x128xf32, #tpu.memory_space<vmem>> -> memref<128xf32, #tpu.memory_space<vmem>>
    %dma_wait3A_787 = arith.constant 256 : i32
    %dma_wait3A_788 = tpu.memref_slice %arg13[%dma_wait3A_782, %dma_wait3A_787] : memref<16x384xi32, #tpu.memory_space<vmem>> -> memref<1x128xi32, #tpu.memory_space<vmem>>
    %dma_wait3A_789 = tpu.memref_squeeze %dma_wait3A_788 : memref<1x128xi32, #tpu.memory_space<vmem>> -> memref<128xi32, #tpu.memory_space<vmem>>
    %dma_wait3A_790 = arith.constant 0 : i32
    %dma_wait3A_791 = tpu.memref_slice %arg3[%dma_wait3A_790] : memref<5120000xf32, #tpu.memory_space<hbm>> -> memref<5120000xf32, #tpu.memory_space<hbm>>
    tpu.wait_indirect_dma semaphore(%arg19 : memref<!tpu.dma_semaphore, #tpu.memory_space<semaphore_mem>>) src(%dma_wait3A_791 : memref<5120000xf32, #tpu.memory_space<hbm>>) dst(%dma_wait3A_786 : memref<128xf32, #tpu.memory_space<vmem>>)
    %dma_wait3A_792 = arith.constant 7 : i32
    %dma_wait3A_793 = arith.constant 7 : i32
    %dma_wait3A_794 = arith.constant 0 : i32
    %dma_wait3A_795 = tpu.memref_slice %arg17[%dma_wait3A_793, %dma_wait3A_794] : memref<16x384xf32, #tpu.memory_space<vmem>> -> memref<1x128xf32, #tpu.memory_space<vmem>>
    %dma_wait3A_796 = tpu.memref_squeeze %dma_wait3A_795 : memref<1x128xf32, #tpu.memory_space<vmem>> -> memref<128xf32, #tpu.memory_space<vmem>>
    %dma_wait3A_797 = arith.constant 0 : i32
    %dma_wait3A_798 = tpu.memref_slice %arg13[%dma_wait3A_792, %dma_wait3A_797] : memref<16x384xi32, #tpu.memory_space<vmem>> -> memref<1x128xi32, #tpu.memory_space<vmem>>
    %dma_wait3A_799 = tpu.memref_squeeze %dma_wait3A_798 : memref<1x128xi32, #tpu.memory_space<vmem>> -> memref<128xi32, #tpu.memory_space<vmem>>
    %dma_wait3A_800 = arith.constant 0 : i32
    %dma_wait3A_801 = tpu.memref_slice %arg3[%dma_wait3A_800] : memref<5120000xf32, #tpu.memory_space<hbm>> -> memref<5120000xf32, #tpu.memory_space<hbm>>
    tpu.wait_indirect_dma semaphore(%arg19 : memref<!tpu.dma_semaphore, #tpu.memory_space<semaphore_mem>>) src(%dma_wait3A_801 : memref<5120000xf32, #tpu.memory_space<hbm>>) dst(%dma_wait3A_796 : memref<128xf32, #tpu.memory_space<vmem>>)
    %dma_wait3A_802 = arith.constant 7 : i32
    %dma_wait3A_803 = arith.constant 7 : i32
    %dma_wait3A_804 = arith.constant 128 : i32
    %dma_wait3A_805 = tpu.memref_slice %arg17[%dma_wait3A_803, %dma_wait3A_804] : memref<16x384xf32, #tpu.memory_space<vmem>> -> memref<1x128xf32, #tpu.memory_space<vmem>>
    %dma_wait3A_806 = tpu.memref_squeeze %dma_wait3A_805 : memref<1x128xf32, #tpu.memory_space<vmem>> -> memref<128xf32, #tpu.memory_space<vmem>>
    %dma_wait3A_807 = arith.constant 128 : i32
    %dma_wait3A_808 = tpu.memref_slice %arg13[%dma_wait3A_802, %dma_wait3A_807] : memref<16x384xi32, #tpu.memory_space<vmem>> -> memref<1x128xi32, #tpu.memory_space<vmem>>
    %dma_wait3A_809 = tpu.memref_squeeze %dma_wait3A_808 : memref<1x128xi32, #tpu.memory_space<vmem>> -> memref<128xi32, #tpu.memory_space<vmem>>
    %dma_wait3A_810 = arith.constant 0 : i32
    %dma_wait3A_811 = tpu.memref_slice %arg3[%dma_wait3A_810] : memref<5120000xf32, #tpu.memory_space<hbm>> -> memref<5120000xf32, #tpu.memory_space<hbm>>
    tpu.wait_indirect_dma semaphore(%arg19 : memref<!tpu.dma_semaphore, #tpu.memory_space<semaphore_mem>>) src(%dma_wait3A_811 : memref<5120000xf32, #tpu.memory_space<hbm>>) dst(%dma_wait3A_806 : memref<128xf32, #tpu.memory_space<vmem>>)
    %dma_wait3A_812 = arith.constant 7 : i32
    %dma_wait3A_813 = arith.constant 7 : i32
    %dma_wait3A_814 = arith.constant 256 : i32
    %dma_wait3A_815 = tpu.memref_slice %arg17[%dma_wait3A_813, %dma_wait3A_814] : memref<16x384xf32, #tpu.memory_space<vmem>> -> memref<1x128xf32, #tpu.memory_space<vmem>>
    %dma_wait3A_816 = tpu.memref_squeeze %dma_wait3A_815 : memref<1x128xf32, #tpu.memory_space<vmem>> -> memref<128xf32, #tpu.memory_space<vmem>>
    %dma_wait3A_817 = arith.constant 256 : i32
    %dma_wait3A_818 = tpu.memref_slice %arg13[%dma_wait3A_812, %dma_wait3A_817] : memref<16x384xi32, #tpu.memory_space<vmem>> -> memref<1x128xi32, #tpu.memory_space<vmem>>
    %dma_wait3A_819 = tpu.memref_squeeze %dma_wait3A_818 : memref<1x128xi32, #tpu.memory_space<vmem>> -> memref<128xi32, #tpu.memory_space<vmem>>
    %dma_wait3A_820 = arith.constant 0 : i32
    %dma_wait3A_821 = tpu.memref_slice %arg3[%dma_wait3A_820] : memref<5120000xf32, #tpu.memory_space<hbm>> -> memref<5120000xf32, #tpu.memory_space<hbm>>
    tpu.wait_indirect_dma semaphore(%arg19 : memref<!tpu.dma_semaphore, #tpu.memory_space<semaphore_mem>>) src(%dma_wait3A_821 : memref<5120000xf32, #tpu.memory_space<hbm>>) dst(%dma_wait3A_816 : memref<128xf32, #tpu.memory_space<vmem>>)
    %dma_wait3A_822 = arith.constant 8 : i32
    %dma_wait3A_823 = arith.constant 8 : i32
    %dma_wait3A_824 = arith.constant 0 : i32
    %dma_wait3A_825 = tpu.memref_slice %arg17[%dma_wait3A_823, %dma_wait3A_824] : memref<16x384xf32, #tpu.memory_space<vmem>> -> memref<1x128xf32, #tpu.memory_space<vmem>>
    %dma_wait3A_826 = tpu.memref_squeeze %dma_wait3A_825 : memref<1x128xf32, #tpu.memory_space<vmem>> -> memref<128xf32, #tpu.memory_space<vmem>>
    %dma_wait3A_827 = arith.constant 0 : i32
    %dma_wait3A_828 = tpu.memref_slice %arg13[%dma_wait3A_822, %dma_wait3A_827] : memref<16x384xi32, #tpu.memory_space<vmem>> -> memref<1x128xi32, #tpu.memory_space<vmem>>
    %dma_wait3A_829 = tpu.memref_squeeze %dma_wait3A_828 : memref<1x128xi32, #tpu.memory_space<vmem>> -> memref<128xi32, #tpu.memory_space<vmem>>
    %dma_wait3A_830 = arith.constant 0 : i32
    %dma_wait3A_831 = tpu.memref_slice %arg3[%dma_wait3A_830] : memref<5120000xf32, #tpu.memory_space<hbm>> -> memref<5120000xf32, #tpu.memory_space<hbm>>
    tpu.wait_indirect_dma semaphore(%arg19 : memref<!tpu.dma_semaphore, #tpu.memory_space<semaphore_mem>>) src(%dma_wait3A_831 : memref<5120000xf32, #tpu.memory_space<hbm>>) dst(%dma_wait3A_826 : memref<128xf32, #tpu.memory_space<vmem>>)
    %dma_wait3A_832 = arith.constant 8 : i32
    %dma_wait3A_833 = arith.constant 8 : i32
    %dma_wait3A_834 = arith.constant 128 : i32
    %dma_wait3A_835 = tpu.memref_slice %arg17[%dma_wait3A_833, %dma_wait3A_834] : memref<16x384xf32, #tpu.memory_space<vmem>> -> memref<1x128xf32, #tpu.memory_space<vmem>>
    %dma_wait3A_836 = tpu.memref_squeeze %dma_wait3A_835 : memref<1x128xf32, #tpu.memory_space<vmem>> -> memref<128xf32, #tpu.memory_space<vmem>>
    %dma_wait3A_837 = arith.constant 128 : i32
    %dma_wait3A_838 = tpu.memref_slice %arg13[%dma_wait3A_832, %dma_wait3A_837] : memref<16x384xi32, #tpu.memory_space<vmem>> -> memref<1x128xi32, #tpu.memory_space<vmem>>
    %dma_wait3A_839 = tpu.memref_squeeze %dma_wait3A_838 : memref<1x128xi32, #tpu.memory_space<vmem>> -> memref<128xi32, #tpu.memory_space<vmem>>
    %dma_wait3A_840 = arith.constant 0 : i32
    %dma_wait3A_841 = tpu.memref_slice %arg3[%dma_wait3A_840] : memref<5120000xf32, #tpu.memory_space<hbm>> -> memref<5120000xf32, #tpu.memory_space<hbm>>
    tpu.wait_indirect_dma semaphore(%arg19 : memref<!tpu.dma_semaphore, #tpu.memory_space<semaphore_mem>>) src(%dma_wait3A_841 : memref<5120000xf32, #tpu.memory_space<hbm>>) dst(%dma_wait3A_836 : memref<128xf32, #tpu.memory_space<vmem>>)
    %dma_wait3A_842 = arith.constant 8 : i32
    %dma_wait3A_843 = arith.constant 8 : i32
    %dma_wait3A_844 = arith.constant 256 : i32
    %dma_wait3A_845 = tpu.memref_slice %arg17[%dma_wait3A_843, %dma_wait3A_844] : memref<16x384xf32, #tpu.memory_space<vmem>> -> memref<1x128xf32, #tpu.memory_space<vmem>>
    %dma_wait3A_846 = tpu.memref_squeeze %dma_wait3A_845 : memref<1x128xf32, #tpu.memory_space<vmem>> -> memref<128xf32, #tpu.memory_space<vmem>>
    %dma_wait3A_847 = arith.constant 256 : i32
    %dma_wait3A_848 = tpu.memref_slice %arg13[%dma_wait3A_842, %dma_wait3A_847] : memref<16x384xi32, #tpu.memory_space<vmem>> -> memref<1x128xi32, #tpu.memory_space<vmem>>
    %dma_wait3A_849 = tpu.memref_squeeze %dma_wait3A_848 : memref<1x128xi32, #tpu.memory_space<vmem>> -> memref<128xi32, #tpu.memory_space<vmem>>
    %dma_wait3A_850 = arith.constant 0 : i32
    %dma_wait3A_851 = tpu.memref_slice %arg3[%dma_wait3A_850] : memref<5120000xf32, #tpu.memory_space<hbm>> -> memref<5120000xf32, #tpu.memory_space<hbm>>
    tpu.wait_indirect_dma semaphore(%arg19 : memref<!tpu.dma_semaphore, #tpu.memory_space<semaphore_mem>>) src(%dma_wait3A_851 : memref<5120000xf32, #tpu.memory_space<hbm>>) dst(%dma_wait3A_846 : memref<128xf32, #tpu.memory_space<vmem>>)
    %dma_wait3A_852 = arith.constant 9 : i32
    %dma_wait3A_853 = arith.constant 9 : i32
    %dma_wait3A_854 = arith.constant 0 : i32
    %dma_wait3A_855 = tpu.memref_slice %arg17[%dma_wait3A_853, %dma_wait3A_854] : memref<16x384xf32, #tpu.memory_space<vmem>> -> memref<1x128xf32, #tpu.memory_space<vmem>>
    %dma_wait3A_856 = tpu.memref_squeeze %dma_wait3A_855 : memref<1x128xf32, #tpu.memory_space<vmem>> -> memref<128xf32, #tpu.memory_space<vmem>>
    %dma_wait3A_857 = arith.constant 0 : i32
    %dma_wait3A_858 = tpu.memref_slice %arg13[%dma_wait3A_852, %dma_wait3A_857] : memref<16x384xi32, #tpu.memory_space<vmem>> -> memref<1x128xi32, #tpu.memory_space<vmem>>
    %dma_wait3A_859 = tpu.memref_squeeze %dma_wait3A_858 : memref<1x128xi32, #tpu.memory_space<vmem>> -> memref<128xi32, #tpu.memory_space<vmem>>
    %dma_wait3A_860 = arith.constant 0 : i32
    %dma_wait3A_861 = tpu.memref_slice %arg3[%dma_wait3A_860] : memref<5120000xf32, #tpu.memory_space<hbm>> -> memref<5120000xf32, #tpu.memory_space<hbm>>
    tpu.wait_indirect_dma semaphore(%arg19 : memref<!tpu.dma_semaphore, #tpu.memory_space<semaphore_mem>>) src(%dma_wait3A_861 : memref<5120000xf32, #tpu.memory_space<hbm>>) dst(%dma_wait3A_856 : memref<128xf32, #tpu.memory_space<vmem>>)
    %dma_wait3A_862 = arith.constant 9 : i32
    %dma_wait3A_863 = arith.constant 9 : i32
    %dma_wait3A_864 = arith.constant 128 : i32
    %dma_wait3A_865 = tpu.memref_slice %arg17[%dma_wait3A_863, %dma_wait3A_864] : memref<16x384xf32, #tpu.memory_space<vmem>> -> memref<1x128xf32, #tpu.memory_space<vmem>>
    %dma_wait3A_866 = tpu.memref_squeeze %dma_wait3A_865 : memref<1x128xf32, #tpu.memory_space<vmem>> -> memref<128xf32, #tpu.memory_space<vmem>>
    %dma_wait3A_867 = arith.constant 128 : i32
    %dma_wait3A_868 = tpu.memref_slice %arg13[%dma_wait3A_862, %dma_wait3A_867] : memref<16x384xi32, #tpu.memory_space<vmem>> -> memref<1x128xi32, #tpu.memory_space<vmem>>
    %dma_wait3A_869 = tpu.memref_squeeze %dma_wait3A_868 : memref<1x128xi32, #tpu.memory_space<vmem>> -> memref<128xi32, #tpu.memory_space<vmem>>
    %dma_wait3A_870 = arith.constant 0 : i32
    %dma_wait3A_871 = tpu.memref_slice %arg3[%dma_wait3A_870] : memref<5120000xf32, #tpu.memory_space<hbm>> -> memref<5120000xf32, #tpu.memory_space<hbm>>
    tpu.wait_indirect_dma semaphore(%arg19 : memref<!tpu.dma_semaphore, #tpu.memory_space<semaphore_mem>>) src(%dma_wait3A_871 : memref<5120000xf32, #tpu.memory_space<hbm>>) dst(%dma_wait3A_866 : memref<128xf32, #tpu.memory_space<vmem>>)
    %dma_wait3A_872 = arith.constant 9 : i32
    %dma_wait3A_873 = arith.constant 9 : i32
    %dma_wait3A_874 = arith.constant 256 : i32
    %dma_wait3A_875 = tpu.memref_slice %arg17[%dma_wait3A_873, %dma_wait3A_874] : memref<16x384xf32, #tpu.memory_space<vmem>> -> memref<1x128xf32, #tpu.memory_space<vmem>>
    %dma_wait3A_876 = tpu.memref_squeeze %dma_wait3A_875 : memref<1x128xf32, #tpu.memory_space<vmem>> -> memref<128xf32, #tpu.memory_space<vmem>>
    %dma_wait3A_877 = arith.constant 256 : i32
    %dma_wait3A_878 = tpu.memref_slice %arg13[%dma_wait3A_872, %dma_wait3A_877] : memref<16x384xi32, #tpu.memory_space<vmem>> -> memref<1x128xi32, #tpu.memory_space<vmem>>
    %dma_wait3A_879 = tpu.memref_squeeze %dma_wait3A_878 : memref<1x128xi32, #tpu.memory_space<vmem>> -> memref<128xi32, #tpu.memory_space<vmem>>
    %dma_wait3A_880 = arith.constant 0 : i32
    %dma_wait3A_881 = tpu.memref_slice %arg3[%dma_wait3A_880] : memref<5120000xf32, #tpu.memory_space<hbm>> -> memref<5120000xf32, #tpu.memory_space<hbm>>
    tpu.wait_indirect_dma semaphore(%arg19 : memref<!tpu.dma_semaphore, #tpu.memory_space<semaphore_mem>>) src(%dma_wait3A_881 : memref<5120000xf32, #tpu.memory_space<hbm>>) dst(%dma_wait3A_876 : memref<128xf32, #tpu.memory_space<vmem>>)
    %dma_wait3A_882 = arith.constant 10 : i32
    %dma_wait3A_883 = arith.constant 10 : i32
    %dma_wait3A_884 = arith.constant 0 : i32
    %dma_wait3A_885 = tpu.memref_slice %arg17[%dma_wait3A_883, %dma_wait3A_884] : memref<16x384xf32, #tpu.memory_space<vmem>> -> memref<1x128xf32, #tpu.memory_space<vmem>>
    %dma_wait3A_886 = tpu.memref_squeeze %dma_wait3A_885 : memref<1x128xf32, #tpu.memory_space<vmem>> -> memref<128xf32, #tpu.memory_space<vmem>>
    %dma_wait3A_887 = arith.constant 0 : i32
    %dma_wait3A_888 = tpu.memref_slice %arg13[%dma_wait3A_882, %dma_wait3A_887] : memref<16x384xi32, #tpu.memory_space<vmem>> -> memref<1x128xi32, #tpu.memory_space<vmem>>
    %dma_wait3A_889 = tpu.memref_squeeze %dma_wait3A_888 : memref<1x128xi32, #tpu.memory_space<vmem>> -> memref<128xi32, #tpu.memory_space<vmem>>
    %dma_wait3A_890 = arith.constant 0 : i32
    %dma_wait3A_891 = tpu.memref_slice %arg3[%dma_wait3A_890] : memref<5120000xf32, #tpu.memory_space<hbm>> -> memref<5120000xf32, #tpu.memory_space<hbm>>
    tpu.wait_indirect_dma semaphore(%arg19 : memref<!tpu.dma_semaphore, #tpu.memory_space<semaphore_mem>>) src(%dma_wait3A_891 : memref<5120000xf32, #tpu.memory_space<hbm>>) dst(%dma_wait3A_886 : memref<128xf32, #tpu.memory_space<vmem>>)
    %dma_wait3A_892 = arith.constant 10 : i32
    %dma_wait3A_893 = arith.constant 10 : i32
    %dma_wait3A_894 = arith.constant 128 : i32
    %dma_wait3A_895 = tpu.memref_slice %arg17[%dma_wait3A_893, %dma_wait3A_894] : memref<16x384xf32, #tpu.memory_space<vmem>> -> memref<1x128xf32, #tpu.memory_space<vmem>>
    %dma_wait3A_896 = tpu.memref_squeeze %dma_wait3A_895 : memref<1x128xf32, #tpu.memory_space<vmem>> -> memref<128xf32, #tpu.memory_space<vmem>>
    %dma_wait3A_897 = arith.constant 128 : i32
    %dma_wait3A_898 = tpu.memref_slice %arg13[%dma_wait3A_892, %dma_wait3A_897] : memref<16x384xi32, #tpu.memory_space<vmem>> -> memref<1x128xi32, #tpu.memory_space<vmem>>
    %dma_wait3A_899 = tpu.memref_squeeze %dma_wait3A_898 : memref<1x128xi32, #tpu.memory_space<vmem>> -> memref<128xi32, #tpu.memory_space<vmem>>
    %dma_wait3A_900 = arith.constant 0 : i32
    %dma_wait3A_901 = tpu.memref_slice %arg3[%dma_wait3A_900] : memref<5120000xf32, #tpu.memory_space<hbm>> -> memref<5120000xf32, #tpu.memory_space<hbm>>
    tpu.wait_indirect_dma semaphore(%arg19 : memref<!tpu.dma_semaphore, #tpu.memory_space<semaphore_mem>>) src(%dma_wait3A_901 : memref<5120000xf32, #tpu.memory_space<hbm>>) dst(%dma_wait3A_896 : memref<128xf32, #tpu.memory_space<vmem>>)
    %dma_wait3A_902 = arith.constant 10 : i32
    %dma_wait3A_903 = arith.constant 10 : i32
    %dma_wait3A_904 = arith.constant 256 : i32
    %dma_wait3A_905 = tpu.memref_slice %arg17[%dma_wait3A_903, %dma_wait3A_904] : memref<16x384xf32, #tpu.memory_space<vmem>> -> memref<1x128xf32, #tpu.memory_space<vmem>>
    %dma_wait3A_906 = tpu.memref_squeeze %dma_wait3A_905 : memref<1x128xf32, #tpu.memory_space<vmem>> -> memref<128xf32, #tpu.memory_space<vmem>>
    %dma_wait3A_907 = arith.constant 256 : i32
    %dma_wait3A_908 = tpu.memref_slice %arg13[%dma_wait3A_902, %dma_wait3A_907] : memref<16x384xi32, #tpu.memory_space<vmem>> -> memref<1x128xi32, #tpu.memory_space<vmem>>
    %dma_wait3A_909 = tpu.memref_squeeze %dma_wait3A_908 : memref<1x128xi32, #tpu.memory_space<vmem>> -> memref<128xi32, #tpu.memory_space<vmem>>
    %dma_wait3A_910 = arith.constant 0 : i32
    %dma_wait3A_911 = tpu.memref_slice %arg3[%dma_wait3A_910] : memref<5120000xf32, #tpu.memory_space<hbm>> -> memref<5120000xf32, #tpu.memory_space<hbm>>
    tpu.wait_indirect_dma semaphore(%arg19 : memref<!tpu.dma_semaphore, #tpu.memory_space<semaphore_mem>>) src(%dma_wait3A_911 : memref<5120000xf32, #tpu.memory_space<hbm>>) dst(%dma_wait3A_906 : memref<128xf32, #tpu.memory_space<vmem>>)
    %dma_wait3A_912 = arith.constant 11 : i32
    %dma_wait3A_913 = arith.constant 11 : i32
    %dma_wait3A_914 = arith.constant 0 : i32
    %dma_wait3A_915 = tpu.memref_slice %arg17[%dma_wait3A_913, %dma_wait3A_914] : memref<16x384xf32, #tpu.memory_space<vmem>> -> memref<1x128xf32, #tpu.memory_space<vmem>>
    %dma_wait3A_916 = tpu.memref_squeeze %dma_wait3A_915 : memref<1x128xf32, #tpu.memory_space<vmem>> -> memref<128xf32, #tpu.memory_space<vmem>>
    %dma_wait3A_917 = arith.constant 0 : i32
    %dma_wait3A_918 = tpu.memref_slice %arg13[%dma_wait3A_912, %dma_wait3A_917] : memref<16x384xi32, #tpu.memory_space<vmem>> -> memref<1x128xi32, #tpu.memory_space<vmem>>
    %dma_wait3A_919 = tpu.memref_squeeze %dma_wait3A_918 : memref<1x128xi32, #tpu.memory_space<vmem>> -> memref<128xi32, #tpu.memory_space<vmem>>
    %dma_wait3A_920 = arith.constant 0 : i32
    %dma_wait3A_921 = tpu.memref_slice %arg3[%dma_wait3A_920] : memref<5120000xf32, #tpu.memory_space<hbm>> -> memref<5120000xf32, #tpu.memory_space<hbm>>
    tpu.wait_indirect_dma semaphore(%arg19 : memref<!tpu.dma_semaphore, #tpu.memory_space<semaphore_mem>>) src(%dma_wait3A_921 : memref<5120000xf32, #tpu.memory_space<hbm>>) dst(%dma_wait3A_916 : memref<128xf32, #tpu.memory_space<vmem>>)
    %dma_wait3A_922 = arith.constant 11 : i32
    %dma_wait3A_923 = arith.constant 11 : i32
    %dma_wait3A_924 = arith.constant 128 : i32
    %dma_wait3A_925 = tpu.memref_slice %arg17[%dma_wait3A_923, %dma_wait3A_924] : memref<16x384xf32, #tpu.memory_space<vmem>> -> memref<1x128xf32, #tpu.memory_space<vmem>>
    %dma_wait3A_926 = tpu.memref_squeeze %dma_wait3A_925 : memref<1x128xf32, #tpu.memory_space<vmem>> -> memref<128xf32, #tpu.memory_space<vmem>>
    %dma_wait3A_927 = arith.constant 128 : i32
    %dma_wait3A_928 = tpu.memref_slice %arg13[%dma_wait3A_922, %dma_wait3A_927] : memref<16x384xi32, #tpu.memory_space<vmem>> -> memref<1x128xi32, #tpu.memory_space<vmem>>
    %dma_wait3A_929 = tpu.memref_squeeze %dma_wait3A_928 : memref<1x128xi32, #tpu.memory_space<vmem>> -> memref<128xi32, #tpu.memory_space<vmem>>
    %dma_wait3A_930 = arith.constant 0 : i32
    %dma_wait3A_931 = tpu.memref_slice %arg3[%dma_wait3A_930] : memref<5120000xf32, #tpu.memory_space<hbm>> -> memref<5120000xf32, #tpu.memory_space<hbm>>
    tpu.wait_indirect_dma semaphore(%arg19 : memref<!tpu.dma_semaphore, #tpu.memory_space<semaphore_mem>>) src(%dma_wait3A_931 : memref<5120000xf32, #tpu.memory_space<hbm>>) dst(%dma_wait3A_926 : memref<128xf32, #tpu.memory_space<vmem>>)
    %dma_wait3A_932 = arith.constant 11 : i32
    %dma_wait3A_933 = arith.constant 11 : i32
    %dma_wait3A_934 = arith.constant 256 : i32
    %dma_wait3A_935 = tpu.memref_slice %arg17[%dma_wait3A_933, %dma_wait3A_934] : memref<16x384xf32, #tpu.memory_space<vmem>> -> memref<1x128xf32, #tpu.memory_space<vmem>>
    %dma_wait3A_936 = tpu.memref_squeeze %dma_wait3A_935 : memref<1x128xf32, #tpu.memory_space<vmem>> -> memref<128xf32, #tpu.memory_space<vmem>>
    %dma_wait3A_937 = arith.constant 256 : i32
    %dma_wait3A_938 = tpu.memref_slice %arg13[%dma_wait3A_932, %dma_wait3A_937] : memref<16x384xi32, #tpu.memory_space<vmem>> -> memref<1x128xi32, #tpu.memory_space<vmem>>
    %dma_wait3A_939 = tpu.memref_squeeze %dma_wait3A_938 : memref<1x128xi32, #tpu.memory_space<vmem>> -> memref<128xi32, #tpu.memory_space<vmem>>
    %dma_wait3A_940 = arith.constant 0 : i32
    %dma_wait3A_941 = tpu.memref_slice %arg3[%dma_wait3A_940] : memref<5120000xf32, #tpu.memory_space<hbm>> -> memref<5120000xf32, #tpu.memory_space<hbm>>
    tpu.wait_indirect_dma semaphore(%arg19 : memref<!tpu.dma_semaphore, #tpu.memory_space<semaphore_mem>>) src(%dma_wait3A_941 : memref<5120000xf32, #tpu.memory_space<hbm>>) dst(%dma_wait3A_936 : memref<128xf32, #tpu.memory_space<vmem>>)
    %dma_wait3A_942 = arith.constant 12 : i32
    %dma_wait3A_943 = arith.constant 12 : i32
    %dma_wait3A_944 = arith.constant 0 : i32
    %dma_wait3A_945 = tpu.memref_slice %arg17[%dma_wait3A_943, %dma_wait3A_944] : memref<16x384xf32, #tpu.memory_space<vmem>> -> memref<1x128xf32, #tpu.memory_space<vmem>>
    %dma_wait3A_946 = tpu.memref_squeeze %dma_wait3A_945 : memref<1x128xf32, #tpu.memory_space<vmem>> -> memref<128xf32, #tpu.memory_space<vmem>>
    %dma_wait3A_947 = arith.constant 0 : i32
    %dma_wait3A_948 = tpu.memref_slice %arg13[%dma_wait3A_942, %dma_wait3A_947] : memref<16x384xi32, #tpu.memory_space<vmem>> -> memref<1x128xi32, #tpu.memory_space<vmem>>
    %dma_wait3A_949 = tpu.memref_squeeze %dma_wait3A_948 : memref<1x128xi32, #tpu.memory_space<vmem>> -> memref<128xi32, #tpu.memory_space<vmem>>
    %dma_wait3A_950 = arith.constant 0 : i32
    %dma_wait3A_951 = tpu.memref_slice %arg3[%dma_wait3A_950] : memref<5120000xf32, #tpu.memory_space<hbm>> -> memref<5120000xf32, #tpu.memory_space<hbm>>
    tpu.wait_indirect_dma semaphore(%arg19 : memref<!tpu.dma_semaphore, #tpu.memory_space<semaphore_mem>>) src(%dma_wait3A_951 : memref<5120000xf32, #tpu.memory_space<hbm>>) dst(%dma_wait3A_946 : memref<128xf32, #tpu.memory_space<vmem>>)
    %dma_wait3A_952 = arith.constant 12 : i32
    %dma_wait3A_953 = arith.constant 12 : i32
    %dma_wait3A_954 = arith.constant 128 : i32
    %dma_wait3A_955 = tpu.memref_slice %arg17[%dma_wait3A_953, %dma_wait3A_954] : memref<16x384xf32, #tpu.memory_space<vmem>> -> memref<1x128xf32, #tpu.memory_space<vmem>>
    %dma_wait3A_956 = tpu.memref_squeeze %dma_wait3A_955 : memref<1x128xf32, #tpu.memory_space<vmem>> -> memref<128xf32, #tpu.memory_space<vmem>>
    %dma_wait3A_957 = arith.constant 128 : i32
    %dma_wait3A_958 = tpu.memref_slice %arg13[%dma_wait3A_952, %dma_wait3A_957] : memref<16x384xi32, #tpu.memory_space<vmem>> -> memref<1x128xi32, #tpu.memory_space<vmem>>
    %dma_wait3A_959 = tpu.memref_squeeze %dma_wait3A_958 : memref<1x128xi32, #tpu.memory_space<vmem>> -> memref<128xi32, #tpu.memory_space<vmem>>
    %dma_wait3A_960 = arith.constant 0 : i32
    %dma_wait3A_961 = tpu.memref_slice %arg3[%dma_wait3A_960] : memref<5120000xf32, #tpu.memory_space<hbm>> -> memref<5120000xf32, #tpu.memory_space<hbm>>
    tpu.wait_indirect_dma semaphore(%arg19 : memref<!tpu.dma_semaphore, #tpu.memory_space<semaphore_mem>>) src(%dma_wait3A_961 : memref<5120000xf32, #tpu.memory_space<hbm>>) dst(%dma_wait3A_956 : memref<128xf32, #tpu.memory_space<vmem>>)
    %dma_wait3A_962 = arith.constant 12 : i32
    %dma_wait3A_963 = arith.constant 12 : i32
    %dma_wait3A_964 = arith.constant 256 : i32
    %dma_wait3A_965 = tpu.memref_slice %arg17[%dma_wait3A_963, %dma_wait3A_964] : memref<16x384xf32, #tpu.memory_space<vmem>> -> memref<1x128xf32, #tpu.memory_space<vmem>>
    %dma_wait3A_966 = tpu.memref_squeeze %dma_wait3A_965 : memref<1x128xf32, #tpu.memory_space<vmem>> -> memref<128xf32, #tpu.memory_space<vmem>>
    %dma_wait3A_967 = arith.constant 256 : i32
    %dma_wait3A_968 = tpu.memref_slice %arg13[%dma_wait3A_962, %dma_wait3A_967] : memref<16x384xi32, #tpu.memory_space<vmem>> -> memref<1x128xi32, #tpu.memory_space<vmem>>
    %dma_wait3A_969 = tpu.memref_squeeze %dma_wait3A_968 : memref<1x128xi32, #tpu.memory_space<vmem>> -> memref<128xi32, #tpu.memory_space<vmem>>
    %dma_wait3A_970 = arith.constant 0 : i32
    %dma_wait3A_971 = tpu.memref_slice %arg3[%dma_wait3A_970] : memref<5120000xf32, #tpu.memory_space<hbm>> -> memref<5120000xf32, #tpu.memory_space<hbm>>
    tpu.wait_indirect_dma semaphore(%arg19 : memref<!tpu.dma_semaphore, #tpu.memory_space<semaphore_mem>>) src(%dma_wait3A_971 : memref<5120000xf32, #tpu.memory_space<hbm>>) dst(%dma_wait3A_966 : memref<128xf32, #tpu.memory_space<vmem>>)
    %dma_wait3A_972 = arith.constant 13 : i32
    %dma_wait3A_973 = arith.constant 13 : i32
    %dma_wait3A_974 = arith.constant 0 : i32
    %dma_wait3A_975 = tpu.memref_slice %arg17[%dma_wait3A_973, %dma_wait3A_974] : memref<16x384xf32, #tpu.memory_space<vmem>> -> memref<1x128xf32, #tpu.memory_space<vmem>>
    %dma_wait3A_976 = tpu.memref_squeeze %dma_wait3A_975 : memref<1x128xf32, #tpu.memory_space<vmem>> -> memref<128xf32, #tpu.memory_space<vmem>>
    %dma_wait3A_977 = arith.constant 0 : i32
    %dma_wait3A_978 = tpu.memref_slice %arg13[%dma_wait3A_972, %dma_wait3A_977] : memref<16x384xi32, #tpu.memory_space<vmem>> -> memref<1x128xi32, #tpu.memory_space<vmem>>
    %dma_wait3A_979 = tpu.memref_squeeze %dma_wait3A_978 : memref<1x128xi32, #tpu.memory_space<vmem>> -> memref<128xi32, #tpu.memory_space<vmem>>
    %dma_wait3A_980 = arith.constant 0 : i32
    %dma_wait3A_981 = tpu.memref_slice %arg3[%dma_wait3A_980] : memref<5120000xf32, #tpu.memory_space<hbm>> -> memref<5120000xf32, #tpu.memory_space<hbm>>
    tpu.wait_indirect_dma semaphore(%arg19 : memref<!tpu.dma_semaphore, #tpu.memory_space<semaphore_mem>>) src(%dma_wait3A_981 : memref<5120000xf32, #tpu.memory_space<hbm>>) dst(%dma_wait3A_976 : memref<128xf32, #tpu.memory_space<vmem>>)
    %dma_wait3A_982 = arith.constant 13 : i32
    %dma_wait3A_983 = arith.constant 13 : i32
    %dma_wait3A_984 = arith.constant 128 : i32
    %dma_wait3A_985 = tpu.memref_slice %arg17[%dma_wait3A_983, %dma_wait3A_984] : memref<16x384xf32, #tpu.memory_space<vmem>> -> memref<1x128xf32, #tpu.memory_space<vmem>>
    %dma_wait3A_986 = tpu.memref_squeeze %dma_wait3A_985 : memref<1x128xf32, #tpu.memory_space<vmem>> -> memref<128xf32, #tpu.memory_space<vmem>>
    %dma_wait3A_987 = arith.constant 128 : i32
    %dma_wait3A_988 = tpu.memref_slice %arg13[%dma_wait3A_982, %dma_wait3A_987] : memref<16x384xi32, #tpu.memory_space<vmem>> -> memref<1x128xi32, #tpu.memory_space<vmem>>
    %dma_wait3A_989 = tpu.memref_squeeze %dma_wait3A_988 : memref<1x128xi32, #tpu.memory_space<vmem>> -> memref<128xi32, #tpu.memory_space<vmem>>
    %dma_wait3A_990 = arith.constant 0 : i32
    %dma_wait3A_991 = tpu.memref_slice %arg3[%dma_wait3A_990] : memref<5120000xf32, #tpu.memory_space<hbm>> -> memref<5120000xf32, #tpu.memory_space<hbm>>
    tpu.wait_indirect_dma semaphore(%arg19 : memref<!tpu.dma_semaphore, #tpu.memory_space<semaphore_mem>>) src(%dma_wait3A_991 : memref<5120000xf32, #tpu.memory_space<hbm>>) dst(%dma_wait3A_986 : memref<128xf32, #tpu.memory_space<vmem>>)
    %dma_wait3A_992 = arith.constant 13 : i32
    %dma_wait3A_993 = arith.constant 13 : i32
    %dma_wait3A_994 = arith.constant 256 : i32
    %dma_wait3A_995 = tpu.memref_slice %arg17[%dma_wait3A_993, %dma_wait3A_994] : memref<16x384xf32, #tpu.memory_space<vmem>> -> memref<1x128xf32, #tpu.memory_space<vmem>>
    %dma_wait3A_996 = tpu.memref_squeeze %dma_wait3A_995 : memref<1x128xf32, #tpu.memory_space<vmem>> -> memref<128xf32, #tpu.memory_space<vmem>>
    %dma_wait3A_997 = arith.constant 256 : i32
    %dma_wait3A_998 = tpu.memref_slice %arg13[%dma_wait3A_992, %dma_wait3A_997] : memref<16x384xi32, #tpu.memory_space<vmem>> -> memref<1x128xi32, #tpu.memory_space<vmem>>
    %dma_wait3A_999 = tpu.memref_squeeze %dma_wait3A_998 : memref<1x128xi32, #tpu.memory_space<vmem>> -> memref<128xi32, #tpu.memory_space<vmem>>
    %dma_wait3A_1000 = arith.constant 0 : i32
    %dma_wait3A_1001 = tpu.memref_slice %arg3[%dma_wait3A_1000] : memref<5120000xf32, #tpu.memory_space<hbm>> -> memref<5120000xf32, #tpu.memory_space<hbm>>
    tpu.wait_indirect_dma semaphore(%arg19 : memref<!tpu.dma_semaphore, #tpu.memory_space<semaphore_mem>>) src(%dma_wait3A_1001 : memref<5120000xf32, #tpu.memory_space<hbm>>) dst(%dma_wait3A_996 : memref<128xf32, #tpu.memory_space<vmem>>)
    %dma_wait3A_1002 = arith.constant 14 : i32
    %dma_wait3A_1003 = arith.constant 14 : i32
    %dma_wait3A_1004 = arith.constant 0 : i32
    %dma_wait3A_1005 = tpu.memref_slice %arg17[%dma_wait3A_1003, %dma_wait3A_1004] : memref<16x384xf32, #tpu.memory_space<vmem>> -> memref<1x128xf32, #tpu.memory_space<vmem>>
    %dma_wait3A_1006 = tpu.memref_squeeze %dma_wait3A_1005 : memref<1x128xf32, #tpu.memory_space<vmem>> -> memref<128xf32, #tpu.memory_space<vmem>>
    %dma_wait3A_1007 = arith.constant 0 : i32
    %dma_wait3A_1008 = tpu.memref_slice %arg13[%dma_wait3A_1002, %dma_wait3A_1007] : memref<16x384xi32, #tpu.memory_space<vmem>> -> memref<1x128xi32, #tpu.memory_space<vmem>>
    %dma_wait3A_1009 = tpu.memref_squeeze %dma_wait3A_1008 : memref<1x128xi32, #tpu.memory_space<vmem>> -> memref<128xi32, #tpu.memory_space<vmem>>
    %dma_wait3A_1010 = arith.constant 0 : i32
    %dma_wait3A_1011 = tpu.memref_slice %arg3[%dma_wait3A_1010] : memref<5120000xf32, #tpu.memory_space<hbm>> -> memref<5120000xf32, #tpu.memory_space<hbm>>
    tpu.wait_indirect_dma semaphore(%arg19 : memref<!tpu.dma_semaphore, #tpu.memory_space<semaphore_mem>>) src(%dma_wait3A_1011 : memref<5120000xf32, #tpu.memory_space<hbm>>) dst(%dma_wait3A_1006 : memref<128xf32, #tpu.memory_space<vmem>>)
    %dma_wait3A_1012 = arith.constant 14 : i32
    %dma_wait3A_1013 = arith.constant 14 : i32
    %dma_wait3A_1014 = arith.constant 128 : i32
    %dma_wait3A_1015 = tpu.memref_slice %arg17[%dma_wait3A_1013, %dma_wait3A_1014] : memref<16x384xf32, #tpu.memory_space<vmem>> -> memref<1x128xf32, #tpu.memory_space<vmem>>
    %dma_wait3A_1016 = tpu.memref_squeeze %dma_wait3A_1015 : memref<1x128xf32, #tpu.memory_space<vmem>> -> memref<128xf32, #tpu.memory_space<vmem>>
    %dma_wait3A_1017 = arith.constant 128 : i32
    %dma_wait3A_1018 = tpu.memref_slice %arg13[%dma_wait3A_1012, %dma_wait3A_1017] : memref<16x384xi32, #tpu.memory_space<vmem>> -> memref<1x128xi32, #tpu.memory_space<vmem>>
    %dma_wait3A_1019 = tpu.memref_squeeze %dma_wait3A_1018 : memref<1x128xi32, #tpu.memory_space<vmem>> -> memref<128xi32, #tpu.memory_space<vmem>>
    %dma_wait3A_1020 = arith.constant 0 : i32
    %dma_wait3A_1021 = tpu.memref_slice %arg3[%dma_wait3A_1020] : memref<5120000xf32, #tpu.memory_space<hbm>> -> memref<5120000xf32, #tpu.memory_space<hbm>>
    tpu.wait_indirect_dma semaphore(%arg19 : memref<!tpu.dma_semaphore, #tpu.memory_space<semaphore_mem>>) src(%dma_wait3A_1021 : memref<5120000xf32, #tpu.memory_space<hbm>>) dst(%dma_wait3A_1016 : memref<128xf32, #tpu.memory_space<vmem>>)
    %dma_wait3A_1022 = arith.constant 14 : i32
    %dma_wait3A_1023 = arith.constant 14 : i32
    %dma_wait3A_1024 = arith.constant 256 : i32
    %dma_wait3A_1025 = tpu.memref_slice %arg17[%dma_wait3A_1023, %dma_wait3A_1024] : memref<16x384xf32, #tpu.memory_space<vmem>> -> memref<1x128xf32, #tpu.memory_space<vmem>>
    %dma_wait3A_1026 = tpu.memref_squeeze %dma_wait3A_1025 : memref<1x128xf32, #tpu.memory_space<vmem>> -> memref<128xf32, #tpu.memory_space<vmem>>
    %dma_wait3A_1027 = arith.constant 256 : i32
    %dma_wait3A_1028 = tpu.memref_slice %arg13[%dma_wait3A_1022, %dma_wait3A_1027] : memref<16x384xi32, #tpu.memory_space<vmem>> -> memref<1x128xi32, #tpu.memory_space<vmem>>
    %dma_wait3A_1029 = tpu.memref_squeeze %dma_wait3A_1028 : memref<1x128xi32, #tpu.memory_space<vmem>> -> memref<128xi32, #tpu.memory_space<vmem>>
    %dma_wait3A_1030 = arith.constant 0 : i32
    %dma_wait3A_1031 = tpu.memref_slice %arg3[%dma_wait3A_1030] : memref<5120000xf32, #tpu.memory_space<hbm>> -> memref<5120000xf32, #tpu.memory_space<hbm>>
    tpu.wait_indirect_dma semaphore(%arg19 : memref<!tpu.dma_semaphore, #tpu.memory_space<semaphore_mem>>) src(%dma_wait3A_1031 : memref<5120000xf32, #tpu.memory_space<hbm>>) dst(%dma_wait3A_1026 : memref<128xf32, #tpu.memory_space<vmem>>)
    %dma_wait3A_1032 = arith.constant 15 : i32
    %dma_wait3A_1033 = arith.constant 15 : i32
    %dma_wait3A_1034 = arith.constant 0 : i32
    %dma_wait3A_1035 = tpu.memref_slice %arg17[%dma_wait3A_1033, %dma_wait3A_1034] : memref<16x384xf32, #tpu.memory_space<vmem>> -> memref<1x128xf32, #tpu.memory_space<vmem>>
    %dma_wait3A_1036 = tpu.memref_squeeze %dma_wait3A_1035 : memref<1x128xf32, #tpu.memory_space<vmem>> -> memref<128xf32, #tpu.memory_space<vmem>>
    %dma_wait3A_1037 = arith.constant 0 : i32
    %dma_wait3A_1038 = tpu.memref_slice %arg13[%dma_wait3A_1032, %dma_wait3A_1037] : memref<16x384xi32, #tpu.memory_space<vmem>> -> memref<1x128xi32, #tpu.memory_space<vmem>>
    %dma_wait3A_1039 = tpu.memref_squeeze %dma_wait3A_1038 : memref<1x128xi32, #tpu.memory_space<vmem>> -> memref<128xi32, #tpu.memory_space<vmem>>
    %dma_wait3A_1040 = arith.constant 0 : i32
    %dma_wait3A_1041 = tpu.memref_slice %arg3[%dma_wait3A_1040] : memref<5120000xf32, #tpu.memory_space<hbm>> -> memref<5120000xf32, #tpu.memory_space<hbm>>
    tpu.wait_indirect_dma semaphore(%arg19 : memref<!tpu.dma_semaphore, #tpu.memory_space<semaphore_mem>>) src(%dma_wait3A_1041 : memref<5120000xf32, #tpu.memory_space<hbm>>) dst(%dma_wait3A_1036 : memref<128xf32, #tpu.memory_space<vmem>>)
    %dma_wait3A_1042 = arith.constant 15 : i32
    %dma_wait3A_1043 = arith.constant 15 : i32
    %dma_wait3A_1044 = arith.constant 128 : i32
    %dma_wait3A_1045 = tpu.memref_slice %arg17[%dma_wait3A_1043, %dma_wait3A_1044] : memref<16x384xf32, #tpu.memory_space<vmem>> -> memref<1x128xf32, #tpu.memory_space<vmem>>
    %dma_wait3A_1046 = tpu.memref_squeeze %dma_wait3A_1045 : memref<1x128xf32, #tpu.memory_space<vmem>> -> memref<128xf32, #tpu.memory_space<vmem>>
    %dma_wait3A_1047 = arith.constant 128 : i32
    %dma_wait3A_1048 = tpu.memref_slice %arg13[%dma_wait3A_1042, %dma_wait3A_1047] : memref<16x384xi32, #tpu.memory_space<vmem>> -> memref<1x128xi32, #tpu.memory_space<vmem>>
    %dma_wait3A_1049 = tpu.memref_squeeze %dma_wait3A_1048 : memref<1x128xi32, #tpu.memory_space<vmem>> -> memref<128xi32, #tpu.memory_space<vmem>>
    %dma_wait3A_1050 = arith.constant 0 : i32
    %dma_wait3A_1051 = tpu.memref_slice %arg3[%dma_wait3A_1050] : memref<5120000xf32, #tpu.memory_space<hbm>> -> memref<5120000xf32, #tpu.memory_space<hbm>>
    tpu.wait_indirect_dma semaphore(%arg19 : memref<!tpu.dma_semaphore, #tpu.memory_space<semaphore_mem>>) src(%dma_wait3A_1051 : memref<5120000xf32, #tpu.memory_space<hbm>>) dst(%dma_wait3A_1046 : memref<128xf32, #tpu.memory_space<vmem>>)
    %dma_wait3A_1052 = arith.constant 15 : i32
    %dma_wait3A_1053 = arith.constant 15 : i32
    %dma_wait3A_1054 = arith.constant 256 : i32
    %dma_wait3A_1055 = tpu.memref_slice %arg17[%dma_wait3A_1053, %dma_wait3A_1054] : memref<16x384xf32, #tpu.memory_space<vmem>> -> memref<1x128xf32, #tpu.memory_space<vmem>>
    %dma_wait3A_1056 = tpu.memref_squeeze %dma_wait3A_1055 : memref<1x128xf32, #tpu.memory_space<vmem>> -> memref<128xf32, #tpu.memory_space<vmem>>
    %dma_wait3A_1057 = arith.constant 256 : i32
    %dma_wait3A_1058 = tpu.memref_slice %arg13[%dma_wait3A_1052, %dma_wait3A_1057] : memref<16x384xi32, #tpu.memory_space<vmem>> -> memref<1x128xi32, #tpu.memory_space<vmem>>
    %dma_wait3A_1059 = tpu.memref_squeeze %dma_wait3A_1058 : memref<1x128xi32, #tpu.memory_space<vmem>> -> memref<128xi32, #tpu.memory_space<vmem>>
    %dma_wait3A_1060 = arith.constant 0 : i32
    %dma_wait3A_1061 = tpu.memref_slice %arg3[%dma_wait3A_1060] : memref<5120000xf32, #tpu.memory_space<hbm>> -> memref<5120000xf32, #tpu.memory_space<hbm>>
    tpu.wait_indirect_dma semaphore(%arg19 : memref<!tpu.dma_semaphore, #tpu.memory_space<semaphore_mem>>) src(%dma_wait3A_1061 : memref<5120000xf32, #tpu.memory_space<hbm>>) dst(%dma_wait3A_1056 : memref<128xf32, #tpu.memory_space<vmem>>)
    %scan3A_1062 = arith.constant 0 : i32
    %scan3A_1063 = arith.constant 0 : i32
    %scan3A_1064 = arith.constant 24 : i32
    %scan3A_1065 = arith.addi %scan3A_1063, %scan3A_1064 : i32
    %scan3A_1066 = arith.constant 1 : i32
    %scan3A_1067 = scf.for %scan3A_1095 = %scan3A_1063 to %scan3A_1065 step %scan3A_1066 iter_args(%scan3A_1096 = %scan3A_1062) -> (i32)  : i32 {
      %mul3A_1097 = arith.constant 16 : i32
      %mul3A_1098 = arith.muli %scan3A_1095, %mul3A_1097 : i32
      %add3A_1099 = vector.broadcast %mul3A_1098 : i32 to vector<16xi32>
      %add3A_1100 = arith.addi %add3A_1099, %iota3A : vector<16xi32>
      %mul3A_1101 = arith.constant 16 : i32
      %mul3A_1102 = arith.muli %scan3A_1095, %mul3A_1101 : i32
      %get3A = arith.constant 0 : i32
      %get3A_1103 = arith.index_cast %get3A : i32 to index
      %get3A_1104 = arith.index_cast %mul3A_1102 : i32 to index
      %get3A_1105 = tpu.vector_load %arg17[%get3A_1103, %get3A_1104] {strides = array<i32>} : memref<16x384xf32, #tpu.memory_space<vmem>>, vector<16xf32>,
      %broadcast_in_dim3A_1106 = arith.constant 0 : i32
      %broadcast_in_dim3A_1107 = vector.broadcast %broadcast_in_dim3A_1106 : i32 to vector<16xi32>
      tpu.vector_store_idx %arg18[%add3A_1100, %broadcast_in_dim3A_1107], %get3A_1105 : memref<384x16xf32, #tpu.memory_space<vmem>>[vector<16xi32>, vector<16xi32>], vector<16xf32>,
      %mul3A_1108 = arith.constant 16 : i32
      %mul3A_1109 = arith.muli %scan3A_1095, %mul3A_1108 : i32
      %get3A_1110 = arith.constant 1 : i32
      %get3A_1111 = arith.index_cast %get3A_1110 : i32 to index
      %get3A_1112 = arith.index_cast %mul3A_1109 : i32 to index
      %get3A_1113 = tpu.vector_load %arg17[%get3A_1111, %get3A_1112] {strides = array<i32>} : memref<16x384xf32, #tpu.memory_space<vmem>>, vector<16xf32>,
      %broadcast_in_dim3A_1114 = arith.constant 1 : i32
      %broadcast_in_dim3A_1115 = vector.broadcast %broadcast_in_dim3A_1114 : i32 to vector<16xi32>
      tpu.vector_store_idx %arg18[%add3A_1100, %broadcast_in_dim3A_1115], %get3A_1113 : memref<384x16xf32, #tpu.memory_space<vmem>>[vector<16xi32>, vector<16xi32>], vector<16xf32>,
      %mul3A_1116 = arith.constant 16 : i32
      %mul3A_1117 = arith.muli %scan3A_1095, %mul3A_1116 : i32
      %get3A_1118 = arith.constant 2 : i32
      %get3A_1119 = arith.index_cast %get3A_1118 : i32 to index
      %get3A_1120 = arith.index_cast %mul3A_1117 : i32 to index
      %get3A_1121 = tpu.vector_load %arg17[%get3A_1119, %get3A_1120] {strides = array<i32>} : memref<16x384xf32, #tpu.memory_space<vmem>>, vector<16xf32>,
      %broadcast_in_dim3A_1122 = arith.constant 2 : i32
      %broadcast_in_dim3A_1123 = vector.broadcast %broadcast_in_dim3A_1122 : i32 to vector<16xi32>
      tpu.vector_store_idx %arg18[%add3A_1100, %broadcast_in_dim3A_1123], %get3A_1121 : memref<384x16xf32, #tpu.memory_space<vmem>>[vector<16xi32>, vector<16xi32>], vector<16xf32>,
      %mul3A_1124 = arith.constant 16 : i32
      %mul3A_1125 = arith.muli %scan3A_1095, %mul3A_1124 : i32
      %get3A_1126 = arith.constant 3 : i32
      %get3A_1127 = arith.index_cast %get3A_1126 : i32 to index
      %get3A_1128 = arith.index_cast %mul3A_1125 : i32 to index
      %get3A_1129 = tpu.vector_load %arg17[%get3A_1127, %get3A_1128] {strides = array<i32>} : memref<16x384xf32, #tpu.memory_space<vmem>>, vector<16xf32>,
      %broadcast_in_dim3A_1130 = arith.constant 3 : i32
      %broadcast_in_dim3A_1131 = vector.broadcast %broadcast_in_dim3A_1130 : i32 to vector<16xi32>
      tpu.vector_store_idx %arg18[%add3A_1100, %broadcast_in_dim3A_1131], %get3A_1129 : memref<384x16xf32, #tpu.memory_space<vmem>>[vector<16xi32>, vector<16xi32>], vector<16xf32>,
      %mul3A_1132 = arith.constant 16 : i32
      %mul3A_1133 = arith.muli %scan3A_1095, %mul3A_1132 : i32
      %get3A_1134 = arith.constant 4 : i32
      %get3A_1135 = arith.index_cast %get3A_1134 : i32 to index
      %get3A_1136 = arith.index_cast %mul3A_1133 : i32 to index
      %get3A_1137 = tpu.vector_load %arg17[%get3A_1135, %get3A_1136] {strides = array<i32>} : memref<16x384xf32, #tpu.memory_space<vmem>>, vector<16xf32>,
      %broadcast_in_dim3A_1138 = arith.constant 4 : i32
      %broadcast_in_dim3A_1139 = vector.broadcast %broadcast_in_dim3A_1138 : i32 to vector<16xi32>
      tpu.vector_store_idx %arg18[%add3A_1100, %broadcast_in_dim3A_1139], %get3A_1137 : memref<384x16xf32, #tpu.memory_space<vmem>>[vector<16xi32>, vector<16xi32>], vector<16xf32>,
      %mul3A_1140 = arith.constant 16 : i32
      %mul3A_1141 = arith.muli %scan3A_1095, %mul3A_1140 : i32
      %get3A_1142 = arith.constant 5 : i32
      %get3A_1143 = arith.index_cast %get3A_1142 : i32 to index
      %get3A_1144 = arith.index_cast %mul3A_1141 : i32 to index
      %get3A_1145 = tpu.vector_load %arg17[%get3A_1143, %get3A_1144] {strides = array<i32>} : memref<16x384xf32, #tpu.memory_space<vmem>>, vector<16xf32>,
      %broadcast_in_dim3A_1146 = arith.constant 5 : i32
      %broadcast_in_dim3A_1147 = vector.broadcast %broadcast_in_dim3A_1146 : i32 to vector<16xi32>
      tpu.vector_store_idx %arg18[%add3A_1100, %broadcast_in_dim3A_1147], %get3A_1145 : memref<384x16xf32, #tpu.memory_space<vmem>>[vector<16xi32>, vector<16xi32>], vector<16xf32>,
      %mul3A_1148 = arith.constant 16 : i32
      %mul3A_1149 = arith.muli %scan3A_1095, %mul3A_1148 : i32
      %get3A_1150 = arith.constant 6 : i32
      %get3A_1151 = arith.index_cast %get3A_1150 : i32 to index
      %get3A_1152 = arith.index_cast %mul3A_1149 : i32 to index
      %get3A_1153 = tpu.vector_load %arg17[%get3A_1151, %get3A_1152] {strides = array<i32>} : memref<16x384xf32, #tpu.memory_space<vmem>>, vector<16xf32>,
      %broadcast_in_dim3A_1154 = arith.constant 6 : i32
      %broadcast_in_dim3A_1155 = vector.broadcast %broadcast_in_dim3A_1154 : i32 to vector<16xi32>
      tpu.vector_store_idx %arg18[%add3A_1100, %broadcast_in_dim3A_1155], %get3A_1153 : memref<384x16xf32, #tpu.memory_space<vmem>>[vector<16xi32>, vector<16xi32>], vector<16xf32>,
      %mul3A_1156 = arith.constant 16 : i32
      %mul3A_1157 = arith.muli %scan3A_1095, %mul3A_1156 : i32
      %get3A_1158 = arith.constant 7 : i32
      %get3A_1159 = arith.index_cast %get3A_1158 : i32 to index
      %get3A_1160 = arith.index_cast %mul3A_1157 : i32 to index
      %get3A_1161 = tpu.vector_load %arg17[%get3A_1159, %get3A_1160] {strides = array<i32>} : memref<16x384xf32, #tpu.memory_space<vmem>>, vector<16xf32>,
      %broadcast_in_dim3A_1162 = arith.constant 7 : i32
      %broadcast_in_dim3A_1163 = vector.broadcast %broadcast_in_dim3A_1162 : i32 to vector<16xi32>
      tpu.vector_store_idx %arg18[%add3A_1100, %broadcast_in_dim3A_1163], %get3A_1161 : memref<384x16xf32, #tpu.memory_space<vmem>>[vector<16xi32>, vector<16xi32>], vector<16xf32>,
      %mul3A_1164 = arith.constant 16 : i32
      %mul3A_1165 = arith.muli %scan3A_1095, %mul3A_1164 : i32
      %get3A_1166 = arith.constant 8 : i32
      %get3A_1167 = arith.index_cast %get3A_1166 : i32 to index
      %get3A_1168 = arith.index_cast %mul3A_1165 : i32 to index
      %get3A_1169 = tpu.vector_load %arg17[%get3A_1167, %get3A_1168] {strides = array<i32>} : memref<16x384xf32, #tpu.memory_space<vmem>>, vector<16xf32>,
      %broadcast_in_dim3A_1170 = arith.constant 8 : i32
      %broadcast_in_dim3A_1171 = vector.broadcast %broadcast_in_dim3A_1170 : i32 to vector<16xi32>
      tpu.vector_store_idx %arg18[%add3A_1100, %broadcast_in_dim3A_1171], %get3A_1169 : memref<384x16xf32, #tpu.memory_space<vmem>>[vector<16xi32>, vector<16xi32>], vector<16xf32>,
      %mul3A_1172 = arith.constant 16 : i32
      %mul3A_1173 = arith.muli %scan3A_1095, %mul3A_1172 : i32
      %get3A_1174 = arith.constant 9 : i32
      %get3A_1175 = arith.index_cast %get3A_1174 : i32 to index
      %get3A_1176 = arith.index_cast %mul3A_1173 : i32 to index
      %get3A_1177 = tpu.vector_load %arg17[%get3A_1175, %get3A_1176] {strides = array<i32>} : memref<16x384xf32, #tpu.memory_space<vmem>>, vector<16xf32>,
      %broadcast_in_dim3A_1178 = arith.constant 9 : i32
      %broadcast_in_dim3A_1179 = vector.broadcast %broadcast_in_dim3A_1178 : i32 to vector<16xi32>
      tpu.vector_store_idx %arg18[%add3A_1100, %broadcast_in_dim3A_1179], %get3A_1177 : memref<384x16xf32, #tpu.memory_space<vmem>>[vector<16xi32>, vector<16xi32>], vector<16xf32>,
      %mul3A_1180 = arith.constant 16 : i32
      %mul3A_1181 = arith.muli %scan3A_1095, %mul3A_1180 : i32
      %get3A_1182 = arith.constant 10 : i32
      %get3A_1183 = arith.index_cast %get3A_1182 : i32 to index
      %get3A_1184 = arith.index_cast %mul3A_1181 : i32 to index
      %get3A_1185 = tpu.vector_load %arg17[%get3A_1183, %get3A_1184] {strides = array<i32>} : memref<16x384xf32, #tpu.memory_space<vmem>>, vector<16xf32>,
      %broadcast_in_dim3A_1186 = arith.constant 10 : i32
      %broadcast_in_dim3A_1187 = vector.broadcast %broadcast_in_dim3A_1186 : i32 to vector<16xi32>
      tpu.vector_store_idx %arg18[%add3A_1100, %broadcast_in_dim3A_1187], %get3A_1185 : memref<384x16xf32, #tpu.memory_space<vmem>>[vector<16xi32>, vector<16xi32>], vector<16xf32>,
      %mul3A_1188 = arith.constant 16 : i32
      %mul3A_1189 = arith.muli %scan3A_1095, %mul3A_1188 : i32
      %get3A_1190 = arith.constant 11 : i32
      %get3A_1191 = arith.index_cast %get3A_1190 : i32 to index
      %get3A_1192 = arith.index_cast %mul3A_1189 : i32 to index
      %get3A_1193 = tpu.vector_load %arg17[%get3A_1191, %get3A_1192] {strides = array<i32>} : memref<16x384xf32, #tpu.memory_space<vmem>>, vector<16xf32>,
      %broadcast_in_dim3A_1194 = arith.constant 11 : i32
      %broadcast_in_dim3A_1195 = vector.broadcast %broadcast_in_dim3A_1194 : i32 to vector<16xi32>
      tpu.vector_store_idx %arg18[%add3A_1100, %broadcast_in_dim3A_1195], %get3A_1193 : memref<384x16xf32, #tpu.memory_space<vmem>>[vector<16xi32>, vector<16xi32>], vector<16xf32>,
      %mul3A_1196 = arith.constant 16 : i32
      %mul3A_1197 = arith.muli %scan3A_1095, %mul3A_1196 : i32
      %get3A_1198 = arith.constant 12 : i32
      %get3A_1199 = arith.index_cast %get3A_1198 : i32 to index
      %get3A_1200 = arith.index_cast %mul3A_1197 : i32 to index
      %get3A_1201 = tpu.vector_load %arg17[%get3A_1199, %get3A_1200] {strides = array<i32>} : memref<16x384xf32, #tpu.memory_space<vmem>>, vector<16xf32>,
      %broadcast_in_dim3A_1202 = arith.constant 12 : i32
      %broadcast_in_dim3A_1203 = vector.broadcast %broadcast_in_dim3A_1202 : i32 to vector<16xi32>
      tpu.vector_store_idx %arg18[%add3A_1100, %broadcast_in_dim3A_1203], %get3A_1201 : memref<384x16xf32, #tpu.memory_space<vmem>>[vector<16xi32>, vector<16xi32>], vector<16xf32>,
      %mul3A_1204 = arith.constant 16 : i32
      %mul3A_1205 = arith.muli %scan3A_1095, %mul3A_1204 : i32
      %get3A_1206 = arith.constant 13 : i32
      %get3A_1207 = arith.index_cast %get3A_1206 : i32 to index
      %get3A_1208 = arith.index_cast %mul3A_1205 : i32 to index
      %get3A_1209 = tpu.vector_load %arg17[%get3A_1207, %get3A_1208] {strides = array<i32>} : memref<16x384xf32, #tpu.memory_space<vmem>>, vector<16xf32>,
      %broadcast_in_dim3A_1210 = arith.constant 13 : i32
      %broadcast_in_dim3A_1211 = vector.broadcast %broadcast_in_dim3A_1210 : i32 to vector<16xi32>
      tpu.vector_store_idx %arg18[%add3A_1100, %broadcast_in_dim3A_1211], %get3A_1209 : memref<384x16xf32, #tpu.memory_space<vmem>>[vector<16xi32>, vector<16xi32>], vector<16xf32>,
      %mul3A_1212 = arith.constant 16 : i32
      %mul3A_1213 = arith.muli %scan3A_1095, %mul3A_1212 : i32
      %get3A_1214 = arith.constant 14 : i32
      %get3A_1215 = arith.index_cast %get3A_1214 : i32 to index
      %get3A_1216 = arith.index_cast %mul3A_1213 : i32 to index
      %get3A_1217 = tpu.vector_load %arg17[%get3A_1215, %get3A_1216] {strides = array<i32>} : memref<16x384xf32, #tpu.memory_space<vmem>>, vector<16xf32>,
      %broadcast_in_dim3A_1218 = arith.constant 14 : i32
      %broadcast_in_dim3A_1219 = vector.broadcast %broadcast_in_dim3A_1218 : i32 to vector<16xi32>
      tpu.vector_store_idx %arg18[%add3A_1100, %broadcast_in_dim3A_1219], %get3A_1217 : memref<384x16xf32, #tpu.memory_space<vmem>>[vector<16xi32>, vector<16xi32>], vector<16xf32>,
      %mul3A_1220 = arith.constant 16 : i32
      %mul3A_1221 = arith.muli %scan3A_1095, %mul3A_1220 : i32
      %get3A_1222 = arith.constant 15 : i32
      %get3A_1223 = arith.index_cast %get3A_1222 : i32 to index
      %get3A_1224 = arith.index_cast %mul3A_1221 : i32 to index
      %get3A_1225 = tpu.vector_load %arg17[%get3A_1223, %get3A_1224] {strides = array<i32>} : memref<16x384xf32, #tpu.memory_space<vmem>>, vector<16xf32>,
      %broadcast_in_dim3A_1226 = arith.constant 15 : i32
      %broadcast_in_dim3A_1227 = vector.broadcast %broadcast_in_dim3A_1226 : i32 to vector<16xi32>
      tpu.vector_store_idx %arg18[%add3A_1100, %broadcast_in_dim3A_1227], %get3A_1225 : memref<384x16xf32, #tpu.memory_space<vmem>>[vector<16xi32>, vector<16xi32>], vector<16xf32>,
      %scan3A_1228 = arith.constant 0 : i32
      scf.yield %scan3A_1228 : i32
    }
    %scan3A_1068 = arith.constant 24 : i32
    "tpu.region"() ({
      %run_scoped3A = tpu.sem_alloc : memref<!tpu.dma_semaphore, #tpu.memory_space<semaphore_mem>>
      %dma_start3A_1095 = arith.constant 0 : i32
      %dma_start3A_1096 = tpu.memref_slice %arg7[%add3A_30, %dma_start3A_1095] : memref<12288x16xf32, #tpu.memory_space<hbm>> -> memref<384x16xf32, #tpu.memory_space<hbm>>
      %dma_start3A_1097 = arith.constant 0 : i32
      %dma_start3A_1098 = tpu.memref_slice %arg7[%add3A_30, %dma_start3A_1097] : memref<12288x16xf32, #tpu.memory_space<hbm>> -> memref<384x16xf32, #tpu.memory_space<hbm>>
      tpu.enqueue_dma source(%arg18 : memref<384x16xf32, #tpu.memory_space<vmem>>) target(%dma_start3A_1098 : memref<384x16xf32, #tpu.memory_space<hbm>>) target_semaphore(%run_scoped3A : memref<!tpu.dma_semaphore, #tpu.memory_space<semaphore_mem>>)
      %dma_wait3A_1099 = arith.constant 0 : i32
      %dma_wait3A_1100 = tpu.memref_slice %arg7[%add3A_30, %dma_wait3A_1099] : memref<12288x16xf32, #tpu.memory_space<hbm>> -> memref<384x16xf32, #tpu.memory_space<hbm>>
      %dma_wait3A_1101 = arith.constant 0 : i32
      %dma_wait3A_1102 = tpu.memref_slice %arg7[%add3A_30, %dma_wait3A_1101] : memref<12288x16xf32, #tpu.memory_space<hbm>> -> memref<384x16xf32, #tpu.memory_space<hbm>>
      tpu.wait_dma2 semaphore(%run_scoped3A : memref<!tpu.dma_semaphore, #tpu.memory_space<semaphore_mem>>) src(%arg18 : memref<384x16xf32, #tpu.memory_space<vmem>>) dst(%dma_wait3A_1102 : memref<384x16xf32, #tpu.memory_space<hbm>>)
      tpu.yield
    }) : () -> ()
    %dma_wait3A_1069 = arith.constant 0 : i32
    %dma_wait3A_1070 = arith.constant 0 : i32
    %dma_wait3A_1071 = tpu.memref_slice %arg16[%dma_wait3A_1069, %dma_wait3A_1070] : memref<384x128xf32, #tpu.memory_space<vmem>> -> memref<128x128xf32, #tpu.memory_space<vmem>>
    %dma_wait3A_1072 = arith.constant 0 : i32
    %dma_wait3A_1073 = tpu.memref_slice %arg15[%dma_wait3A_1072] : memref<384xi32, #tpu.memory_space<vmem>> -> memref<128xi32, #tpu.memory_space<vmem>>
    %dma_wait3A_1074 = arith.constant 0 : i32
    %dma_wait3A_1075 = arith.constant 0 : i32
    %dma_wait3A_1076 = tpu.memref_slice %arg4[%dma_wait3A_1074, %dma_wait3A_1075] : memref<10000x128xf32, #tpu.memory_space<hbm>> -> memref<10000x128xf32, #tpu.memory_space<hbm>>
    tpu.wait_indirect_dma semaphore(%arg19 : memref<!tpu.dma_semaphore, #tpu.memory_space<semaphore_mem>>) src(%dma_wait3A_1076 : memref<10000x128xf32, #tpu.memory_space<hbm>>) dst(%dma_wait3A_1071 : memref<128x128xf32, #tpu.memory_space<vmem>>)
    %dma_wait3A_1077 = arith.constant 128 : i32
    %dma_wait3A_1078 = arith.constant 0 : i32
    %dma_wait3A_1079 = tpu.memref_slice %arg16[%dma_wait3A_1077, %dma_wait3A_1078] : memref<384x128xf32, #tpu.memory_space<vmem>> -> memref<128x128xf32, #tpu.memory_space<vmem>>
    %dma_wait3A_1080 = arith.constant 128 : i32
    %dma_wait3A_1081 = tpu.memref_slice %arg15[%dma_wait3A_1080] : memref<384xi32, #tpu.memory_space<vmem>> -> memref<128xi32, #tpu.memory_space<vmem>>
    %dma_wait3A_1082 = arith.constant 0 : i32
    %dma_wait3A_1083 = arith.constant 0 : i32
    %dma_wait3A_1084 = tpu.memref_slice %arg4[%dma_wait3A_1082, %dma_wait3A_1083] : memref<10000x128xf32, #tpu.memory_space<hbm>> -> memref<10000x128xf32, #tpu.memory_space<hbm>>
    tpu.wait_indirect_dma semaphore(%arg19 : memref<!tpu.dma_semaphore, #tpu.memory_space<semaphore_mem>>) src(%dma_wait3A_1084 : memref<10000x128xf32, #tpu.memory_space<hbm>>) dst(%dma_wait3A_1079 : memref<128x128xf32, #tpu.memory_space<vmem>>)
    %dma_wait3A_1085 = arith.constant 256 : i32
    %dma_wait3A_1086 = arith.constant 0 : i32
    %dma_wait3A_1087 = tpu.memref_slice %arg16[%dma_wait3A_1085, %dma_wait3A_1086] : memref<384x128xf32, #tpu.memory_space<vmem>> -> memref<128x128xf32, #tpu.memory_space<vmem>>
    %dma_wait3A_1088 = arith.constant 256 : i32
    %dma_wait3A_1089 = tpu.memref_slice %arg15[%dma_wait3A_1088] : memref<384xi32, #tpu.memory_space<vmem>> -> memref<128xi32, #tpu.memory_space<vmem>>
    %dma_wait3A_1090 = arith.constant 0 : i32
    %dma_wait3A_1091 = arith.constant 0 : i32
    %dma_wait3A_1092 = tpu.memref_slice %arg4[%dma_wait3A_1090, %dma_wait3A_1091] : memref<10000x128xf32, #tpu.memory_space<hbm>> -> memref<10000x128xf32, #tpu.memory_space<hbm>>
    tpu.wait_indirect_dma semaphore(%arg19 : memref<!tpu.dma_semaphore, #tpu.memory_space<semaphore_mem>>) src(%dma_wait3A_1092 : memref<10000x128xf32, #tpu.memory_space<hbm>>) dst(%dma_wait3A_1087 : memref<128x128xf32, #tpu.memory_space<vmem>>)
    "tpu.region"() ({
      %run_scoped3A = tpu.sem_alloc : memref<!tpu.dma_semaphore, #tpu.memory_space<semaphore_mem>>
      %dma_start3A_1095 = arith.constant 0 : i32
      %dma_start3A_1096 = tpu.memref_slice %arg6[%add3A_30, %dma_start3A_1095] : memref<12288x128xf32, #tpu.memory_space<hbm>> -> memref<384x128xf32, #tpu.memory_space<hbm>>
      %dma_start3A_1097 = arith.constant 0 : i32
      %dma_start3A_1098 = tpu.memref_slice %arg6[%add3A_30, %dma_start3A_1097] : memref<12288x128xf32, #tpu.memory_space<hbm>> -> memref<384x128xf32, #tpu.memory_space<hbm>>
      tpu.enqueue_dma source(%arg16 : memref<384x128xf32, #tpu.memory_space<vmem>>) target(%dma_start3A_1098 : memref<384x128xf32, #tpu.memory_space<hbm>>) target_semaphore(%run_scoped3A : memref<!tpu.dma_semaphore, #tpu.memory_space<semaphore_mem>>)
      %dma_wait3A_1099 = arith.constant 0 : i32
      %dma_wait3A_1100 = tpu.memref_slice %arg6[%add3A_30, %dma_wait3A_1099] : memref<12288x128xf32, #tpu.memory_space<hbm>> -> memref<384x128xf32, #tpu.memory_space<hbm>>
      %dma_wait3A_1101 = arith.constant 0 : i32
      %dma_wait3A_1102 = tpu.memref_slice %arg6[%add3A_30, %dma_wait3A_1101] : memref<12288x128xf32, #tpu.memory_space<hbm>> -> memref<384x128xf32, #tpu.memory_space<hbm>>
      tpu.wait_dma2 semaphore(%run_scoped3A : memref<!tpu.dma_semaphore, #tpu.memory_space<semaphore_mem>>) src(%arg16 : memref<384x128xf32, #tpu.memory_space<vmem>>) dst(%dma_wait3A_1102 : memref<384x128xf32, #tpu.memory_space<hbm>>)
      tpu.yield
    }) : () -> ()
    "tpu.trace_stop"() : () -> ()
    %dma_wait3A_1093 = tpu.memref_slice %arg5[%add3A_30] : memref<12288xi32, #tpu.memory_space<hbm>> -> memref<384xi32, #tpu.memory_space<hbm>>
    %dma_wait3A_1094 = tpu.memref_slice %arg5[%add3A_30] : memref<12288xi32, #tpu.memory_space<hbm>> -> memref<384xi32, #tpu.memory_space<hbm>>
    tpu.wait_dma2 semaphore(%arg20 : memref<!tpu.dma_semaphore, #tpu.memory_space<semaphore_mem>>) src(%arg12 : memref<384xi32, #tpu.memory_space<vmem>>) dst(%dma_wait3A_1094 : memref<384xi32, #tpu.memory_space<hbm>>)
    return
  }
}

module attributes {stable_mosaic.version = 14 : i64} {
  func.func @_dense_body(%arg0: i32, %arg1: memref<1000x128xf32, #tpu.memory_space<vmem>>, %arg2: memref<1000x128xf32, #tpu.memory_space<vmem>>, %arg3: memref<1000x128xf32, #tpu.memory_space<vmem>>, %arg4: memref<1000x16xf32, #tpu.memory_space<vmem>>, %arg5: memref<1000x1xi32, #tpu.memory_space<vmem>>, %arg6: memref<128x128xf32, #tpu.memory_space<vmem>>, %arg7: memref<128x128xf32, #tpu.memory_space<vmem>>, %arg8: memref<16x128xf32, #tpu.memory_space<vmem>>, %arg9: memref<1x128xf32, #tpu.memory_space<vmem>>, %arg10: memref<128x128xf32, #tpu.memory_space<vmem>>, %arg11: memref<1x128xf32, #tpu.memory_space<vmem>>, %arg12: memref<128x384xf32, #tpu.memory_space<vmem>>, %arg13: memref<1x384xf32, #tpu.memory_space<vmem>>, %arg14: memref<128x384xf32, #tpu.memory_space<vmem>>, %arg15: memref<1x384xf32, #tpu.memory_space<vmem>>, %arg16: memref<128x128xf32, #tpu.memory_space<vmem>>, %arg17: memref<128x128xf32, #tpu.memory_space<vmem>>, %arg18: memref<1x128xf32, #tpu.memory_space<vmem>>, %arg19: memref<1000x128xf32, #tpu.memory_space<vmem>>, %arg20: memref<1000x128xf32, #tpu.memory_space<vmem>>) attributes {dimension_semantics = [#tpu.dimension_semantics<arbitrary>], iteration_bounds = array<i64: 10>, scalar_prefetch = 0 : i64, scratch_operands = 0 : i64, tpu.core_type = #tpu.core_type<tc>, window_params = [{transform_indices = @transform_0, window_bounds = array<i64: 1000, 128>}, {transform_indices = @transform_1, window_bounds = array<i64: 1000, 128>}, {transform_indices = @transform_2, window_bounds = array<i64: 1000, 128>}, {transform_indices = @transform_3, window_bounds = array<i64: 1000, 16>}, {transform_indices = @transform_4, window_bounds = array<i64: 1000, 1>}, {pipeline_mode = #tpu.pipeline_mode<synchronous>, transform_indices = @transform_5, window_bounds = array<i64: 128, 128>}, {pipeline_mode = #tpu.pipeline_mode<synchronous>, transform_indices = @transform_6, window_bounds = array<i64: 128, 128>}, {pipeline_mode = #tpu.pipeline_mode<synchronous>, transform_indices = @transform_7, window_bounds = array<i64: 16, 128>}, {pipeline_mode = #tpu.pipeline_mode<synchronous>, transform_indices = @transform_8, window_bounds = array<i64: 1, 128>}, {pipeline_mode = #tpu.pipeline_mode<synchronous>, transform_indices = @transform_9, window_bounds = array<i64: 128, 128>}, {pipeline_mode = #tpu.pipeline_mode<synchronous>, transform_indices = @transform_10, window_bounds = array<i64: 1, 128>}, {pipeline_mode = #tpu.pipeline_mode<synchronous>, transform_indices = @transform_11, window_bounds = array<i64: 128, 384>}, {pipeline_mode = #tpu.pipeline_mode<synchronous>, transform_indices = @transform_12, window_bounds = array<i64: 1, 384>}, {pipeline_mode = #tpu.pipeline_mode<synchronous>, transform_indices = @transform_13, window_bounds = array<i64: 128, 384>}, {pipeline_mode = #tpu.pipeline_mode<synchronous>, transform_indices = @transform_14, window_bounds = array<i64: 1, 384>}, {pipeline_mode = #tpu.pipeline_mode<synchronous>, transform_indices = @transform_15, window_bounds = array<i64: 128, 128>}, {pipeline_mode = #tpu.pipeline_mode<synchronous>, transform_indices = @transform_16, window_bounds = array<i64: 128, 128>}, {pipeline_mode = #tpu.pipeline_mode<synchronous>, transform_indices = @transform_17, window_bounds = array<i64: 1, 128>}, {transform_indices = @transform_18, window_bounds = array<i64: 1000, 128>}, {transform_indices = @transform_19, window_bounds = array<i64: 1000, 128>}]} {
    %get3A = arith.constant 0 : index
    %get3A_0 = arith.constant 0 : index
    %get3A_1 = vector.load %arg1[%get3A, %get3A_0] : memref<1000x128xf32, #tpu.memory_space<vmem>>, vector<1000x128xf32>
    %get3A_2 = arith.constant 0 : index
    %get3A_3 = arith.constant 0 : index
    %get3A_4 = vector.load %arg6[%get3A_2, %get3A_3] : memref<128x128xf32, #tpu.memory_space<vmem>>, vector<128x128xf32>
    %dot_general3A = arith.constant dense<0.000000e+00> : vector<1000x128xf32>
    %dot_general3A_5 = tpu.matmul %get3A_1, %get3A_4, %dot_general3A {dimension_numbers = #tpu.dot_dimension_numbers<[1], [0], [0], [1], [0, 0, 1, 1], [], []>, transpose_lhs_hint = false} : vector<1000x128xf32>, vector<128x128xf32>, vector<1000x128xf32> -> vector<1000x128xf32>
    %get3A_6 = arith.constant 0 : index
    %get3A_7 = arith.constant 0 : index
    %get3A_8 = vector.load %arg2[%get3A_6, %get3A_7] : memref<1000x128xf32, #tpu.memory_space<vmem>>, vector<1000x128xf32>
    %get3A_9 = arith.constant 0 : index
    %get3A_10 = arith.constant 0 : index
    %get3A_11 = vector.load %arg7[%get3A_9, %get3A_10] : memref<128x128xf32, #tpu.memory_space<vmem>>, vector<128x128xf32>
    %dot_general3A_12 = arith.constant dense<0.000000e+00> : vector<1000x128xf32>
    %dot_general3A_13 = tpu.matmul %get3A_8, %get3A_11, %dot_general3A_12 {dimension_numbers = #tpu.dot_dimension_numbers<[1], [0], [0], [1], [0, 0, 1, 1], [], []>, transpose_lhs_hint = false} : vector<1000x128xf32>, vector<128x128xf32>, vector<1000x128xf32> -> vector<1000x128xf32>
    %add3A = arith.addf %dot_general3A_5, %dot_general3A_13 : vector<1000x128xf32>
    %get3A_14 = arith.constant 0 : index
    %get3A_15 = arith.constant 0 : index
    %get3A_16 = vector.load %arg4[%get3A_14, %get3A_15] : memref<1000x16xf32, #tpu.memory_space<vmem>>, vector<1000x16xf32>
    %get3A_17 = arith.constant 0 : index
    %get3A_18 = arith.constant 0 : index
    %get3A_19 = vector.load %arg8[%get3A_17, %get3A_18] : memref<16x128xf32, #tpu.memory_space<vmem>>, vector<16x128xf32>
    %dot_general3A_20 = arith.constant dense<0.000000e+00> : vector<1000x128xf32>
    %dot_general3A_21 = tpu.matmul %get3A_16, %get3A_19, %dot_general3A_20 {dimension_numbers = #tpu.dot_dimension_numbers<[1], [0], [0], [1], [0, 0, 1, 1], [], []>, transpose_lhs_hint = false} : vector<1000x16xf32>, vector<16x128xf32>, vector<1000x128xf32> -> vector<1000x128xf32>
    %add3A_22 = arith.addf %add3A, %dot_general3A_21 : vector<1000x128xf32>
    %get3A_23 = arith.constant 0 : index
    %get3A_24 = arith.constant 0 : index
    %get3A_25 = vector.load %arg9[%get3A_23, %get3A_24] : memref<1x128xf32, #tpu.memory_space<vmem>>, vector<1x128xf32>
    %add3A_26 = vector.broadcast %get3A_25 : vector<1x128xf32> to vector<1000x128xf32>
    %add3A_27 = arith.addf %add3A_22, %add3A_26 : vector<1000x128xf32>
    %max3A = arith.constant 0.000000e+00 : f32
    %max3A_28 = vector.broadcast %max3A : f32 to vector<1000x128xf32>
    %max3A_29 = arith.maximumf %add3A_27, %max3A_28 : vector<1000x128xf32>
    %get3A_30 = arith.constant 0 : index
    %get3A_31 = arith.constant 0 : index
    %get3A_32 = vector.load %arg10[%get3A_30, %get3A_31] : memref<128x128xf32, #tpu.memory_space<vmem>>, vector<128x128xf32>
    %dot_general3A_33 = arith.constant dense<0.000000e+00> : vector<1000x128xf32>
    %dot_general3A_34 = tpu.matmul %max3A_29, %get3A_32, %dot_general3A_33 {dimension_numbers = #tpu.dot_dimension_numbers<[1], [0], [0], [1], [0, 0, 1, 1], [], []>, transpose_lhs_hint = false} : vector<1000x128xf32>, vector<128x128xf32>, vector<1000x128xf32> -> vector<1000x128xf32>
    %get3A_35 = arith.constant 0 : index
    %get3A_36 = arith.constant 0 : index
    %get3A_37 = vector.load %arg11[%get3A_35, %get3A_36] : memref<1x128xf32, #tpu.memory_space<vmem>>, vector<1x128xf32>
    %add3A_38 = vector.broadcast %get3A_37 : vector<1x128xf32> to vector<1000x128xf32>
    %add3A_39 = arith.addf %dot_general3A_34, %add3A_38 : vector<1000x128xf32>
    %get3A_40 = arith.constant 0 : index
    %get3A_41 = arith.constant 0 : index
    %get3A_42 = vector.load %arg12[%get3A_40, %get3A_41] : memref<128x384xf32, #tpu.memory_space<vmem>>, vector<128x384xf32>
    %dot_general3A_43 = arith.constant dense<0.000000e+00> : vector<1000x384xf32>
    %dot_general3A_44 = tpu.matmul %add3A_39, %get3A_42, %dot_general3A_43 {dimension_numbers = #tpu.dot_dimension_numbers<[1], [0], [0], [1], [0, 0, 1, 1], [], []>, transpose_lhs_hint = false} : vector<1000x128xf32>, vector<128x384xf32>, vector<1000x384xf32> -> vector<1000x384xf32>
    %get3A_45 = arith.constant 0 : index
    %get3A_46 = arith.constant 0 : index
    %get3A_47 = vector.load %arg13[%get3A_45, %get3A_46] : memref<1x384xf32, #tpu.memory_space<vmem>>, vector<1x384xf32>
    %add3A_48 = vector.broadcast %get3A_47 : vector<1x384xf32> to vector<1000x384xf32>
    %add3A_49 = arith.addf %dot_general3A_44, %add3A_48 : vector<1000x384xf32>
    %get3A_50 = arith.constant 0 : index
    %get3A_51 = arith.constant 0 : index
    %get3A_52 = vector.load %arg14[%get3A_50, %get3A_51] : memref<128x384xf32, #tpu.memory_space<vmem>>, vector<128x384xf32>
    %dot_general3A_53 = arith.constant dense<0.000000e+00> : vector<1000x384xf32>
    %dot_general3A_54 = tpu.matmul %get3A_1, %get3A_52, %dot_general3A_53 {dimension_numbers = #tpu.dot_dimension_numbers<[1], [0], [0], [1], [0, 0, 1, 1], [], []>, transpose_lhs_hint = false} : vector<1000x128xf32>, vector<128x384xf32>, vector<1000x384xf32> -> vector<1000x384xf32>
    %get3A_55 = arith.constant 0 : index
    %get3A_56 = arith.constant 0 : index
    %get3A_57 = vector.load %arg15[%get3A_55, %get3A_56] : memref<1x384xf32, #tpu.memory_space<vmem>>, vector<1x384xf32>
    %add3A_58 = vector.broadcast %get3A_57 : vector<1x384xf32> to vector<1000x384xf32>
    %add3A_59 = arith.addf %dot_general3A_54, %add3A_58 : vector<1000x384xf32>
    %slice3A = vector.extract_strided_slice %add3A_49 {offsets = [0, 0], sizes = [1000, 128], strides = [1, 1]} : vector<1000x384xf32> to vector<1000x128xf32>
    %slice3A_60 = vector.extract_strided_slice %add3A_59 {offsets = [0, 0], sizes = [1000, 128], strides = [1, 1]} : vector<1000x384xf32> to vector<1000x128xf32>
    %add3A_61 = arith.addf %slice3A, %slice3A_60 : vector<1000x128xf32>
    %logistic3A = arith.negf %add3A_61 : vector<1000x128xf32>
    %logistic3A_62 = math.exp %logistic3A : vector<1000x128xf32>
    %logistic3A_63 = arith.constant 1.000000e+00 : f32
    %logistic3A_64 = vector.broadcast %logistic3A_63 : f32 to vector<1000x128xf32>
    %logistic3A_65 = arith.addf %logistic3A_64, %logistic3A_62 : vector<1000x128xf32>
    %logistic3A_66 = arith.divf %logistic3A_64, %logistic3A_65 : vector<1000x128xf32>
    %slice3A_67 = vector.extract_strided_slice %add3A_49 {offsets = [0, 128], sizes = [1000, 128], strides = [1, 1]} : vector<1000x384xf32> to vector<1000x128xf32>
    %slice3A_68 = vector.extract_strided_slice %add3A_59 {offsets = [0, 128], sizes = [1000, 128], strides = [1, 1]} : vector<1000x384xf32> to vector<1000x128xf32>
    %add3A_69 = arith.addf %slice3A_67, %slice3A_68 : vector<1000x128xf32>
    %logistic3A_70 = arith.negf %add3A_69 : vector<1000x128xf32>
    %logistic3A_71 = math.exp %logistic3A_70 : vector<1000x128xf32>
    %logistic3A_72 = arith.constant 1.000000e+00 : f32
    %logistic3A_73 = vector.broadcast %logistic3A_72 : f32 to vector<1000x128xf32>
    %logistic3A_74 = arith.addf %logistic3A_73, %logistic3A_71 : vector<1000x128xf32>
    %logistic3A_75 = arith.divf %logistic3A_73, %logistic3A_74 : vector<1000x128xf32>
    %slice3A_76 = vector.extract_strided_slice %add3A_49 {offsets = [0, 256], sizes = [1000, 128], strides = [1, 1]} : vector<1000x384xf32> to vector<1000x128xf32>
    %slice3A_77 = vector.extract_strided_slice %add3A_59 {offsets = [0, 256], sizes = [1000, 128], strides = [1, 1]} : vector<1000x384xf32> to vector<1000x128xf32>
    %mul3A = arith.mulf %logistic3A_66, %slice3A_77 : vector<1000x128xf32>
    %add3A_78 = arith.addf %slice3A_76, %mul3A : vector<1000x128xf32>
    %tanh3A = math.tanh %add3A_78 : vector<1000x128xf32>
    %sub3A = arith.constant 1.000000e+00 : f32
    %sub3A_79 = vector.broadcast %sub3A : f32 to vector<1000x128xf32>
    %sub3A_80 = arith.subf %sub3A_79, %logistic3A_75 : vector<1000x128xf32>
    %mul3A_81 = arith.mulf %sub3A_80, %tanh3A : vector<1000x128xf32>
    %mul3A_82 = arith.mulf %logistic3A_75, %get3A_1 : vector<1000x128xf32>
    %add3A_83 = arith.addf %mul3A_81, %mul3A_82 : vector<1000x128xf32>
    %get3A_84 = arith.constant 0 : index
    %get3A_85 = arith.constant 0 : index
    %get3A_86 = vector.load %arg5[%get3A_84, %get3A_85] : memref<1000x1xi32, #tpu.memory_space<vmem>>, vector<1000x1xi32>
    %ge3A = arith.constant 0 : i32
    %ge3A_87 = vector.broadcast %ge3A : i32 to vector<1000x1xi32>
    %ge3A_88 = arith.cmpi sge, %get3A_86, %ge3A_87 : vector<1000x1xi32>
    %broadcast_in_dim3A = vector.shape_cast %ge3A_88 : vector<1000x1xi1> to vector<1000x1xi1>
    %broadcast_in_dim3A_89 = vector.broadcast %broadcast_in_dim3A : vector<1000x1xi1> to vector<1000x128xi1>
    %select_n3A = arith.select %broadcast_in_dim3A_89, %add3A_83, %get3A_1 : vector<1000x128xi1>, vector<1000x128xf32>
    %get3A_90 = arith.constant 0 : index
    %get3A_91 = arith.constant 0 : index
    %get3A_92 = vector.load %arg16[%get3A_90, %get3A_91] : memref<128x128xf32, #tpu.memory_space<vmem>>, vector<128x128xf32>
    %dot_general3A_93 = arith.constant dense<0.000000e+00> : vector<1000x128xf32>
    %dot_general3A_94 = tpu.matmul %select_n3A, %get3A_92, %dot_general3A_93 {dimension_numbers = #tpu.dot_dimension_numbers<[1], [0], [0], [1], [0, 0, 1, 1], [], []>, transpose_lhs_hint = false} : vector<1000x128xf32>, vector<128x128xf32>, vector<1000x128xf32> -> vector<1000x128xf32>
    %get3A_95 = arith.constant 0 : index
    %get3A_96 = arith.constant 0 : index
    %get3A_97 = vector.load %arg3[%get3A_95, %get3A_96] : memref<1000x128xf32, #tpu.memory_space<vmem>>, vector<1000x128xf32>
    %get3A_98 = arith.constant 0 : index
    %get3A_99 = arith.constant 0 : index
    %get3A_100 = vector.load %arg17[%get3A_98, %get3A_99] : memref<128x128xf32, #tpu.memory_space<vmem>>, vector<128x128xf32>
    %dot_general3A_101 = arith.constant dense<0.000000e+00> : vector<1000x128xf32>
    %dot_general3A_102 = tpu.matmul %get3A_97, %get3A_100, %dot_general3A_101 {dimension_numbers = #tpu.dot_dimension_numbers<[1], [0], [0], [1], [0, 0, 1, 1], [], []>, transpose_lhs_hint = false} : vector<1000x128xf32>, vector<128x128xf32>, vector<1000x128xf32> -> vector<1000x128xf32>
    %add3A_103 = arith.addf %dot_general3A_94, %dot_general3A_102 : vector<1000x128xf32>
    %get3A_104 = arith.constant 0 : index
    %get3A_105 = arith.constant 0 : index
    %get3A_106 = vector.load %arg18[%get3A_104, %get3A_105] : memref<1x128xf32, #tpu.memory_space<vmem>>, vector<1x128xf32>
    %add3A_107 = vector.broadcast %get3A_106 : vector<1x128xf32> to vector<1000x128xf32>
    %add3A_108 = arith.addf %add3A_103, %add3A_107 : vector<1000x128xf32>
    %swap3A = arith.constant 0 : index
    %swap3A_109 = arith.constant 0 : index
    %swap3A_110 = vector.load %arg19[%swap3A, %swap3A_109] : memref<1000x128xf32, #tpu.memory_space<vmem>>, vector<1000x128xf32>
    tpu.vector_store %arg19[%swap3A, %swap3A_109], %add3A_108 {strides = array<i32>} : memref<1000x128xf32, #tpu.memory_space<vmem>>, vector<1000x128xf32>,
    %swap3A_111 = arith.constant 0 : index
    %swap3A_112 = arith.constant 0 : index
    %swap3A_113 = vector.load %arg20[%swap3A_111, %swap3A_112] : memref<1000x128xf32, #tpu.memory_space<vmem>>, vector<1000x128xf32>
    tpu.vector_store %arg20[%swap3A_111, %swap3A_112], %select_n3A {strides = array<i32>} : memref<1000x128xf32, #tpu.memory_space<vmem>>, vector<1000x128xf32>,
    return
  }
  func.func @transform_0(%arg0: i32) -> (i32, i32) {
    %c0_i32 = arith.constant 0 : i32
    %c0_i32_0 = arith.constant 0 : i32
    return %arg0, %c0_i32 : i32, i32
  }
  func.func @transform_1(%arg0: i32) -> (i32, i32) {
    %c0_i32 = arith.constant 0 : i32
    %c0_i32_0 = arith.constant 0 : i32
    return %arg0, %c0_i32 : i32, i32
  }
  func.func @transform_2(%arg0: i32) -> (i32, i32) {
    %c0_i32 = arith.constant 0 : i32
    %c0_i32_0 = arith.constant 0 : i32
    return %arg0, %c0_i32 : i32, i32
  }
  func.func @transform_3(%arg0: i32) -> (i32, i32) {
    %c0_i32 = arith.constant 0 : i32
    %c0_i32_0 = arith.constant 0 : i32
    return %arg0, %c0_i32 : i32, i32
  }
  func.func @transform_4(%arg0: i32) -> (i32, i32) {
    %c0_i32 = arith.constant 0 : i32
    %c0_i32_0 = arith.constant 0 : i32
    return %arg0, %c0_i32 : i32, i32
  }
  func.func @transform_5(%arg0: i32) -> (i32, i32) {
    %c0_i32 = arith.constant 0 : i32
    %c0_i32_0 = arith.constant 0 : i32
    %c0_i32_1 = arith.constant 0 : i32
    return %c0_i32, %c0_i32_0 : i32, i32
  }
  func.func @transform_6(%arg0: i32) -> (i32, i32) {
    %c0_i32 = arith.constant 0 : i32
    %c0_i32_0 = arith.constant 0 : i32
    %c0_i32_1 = arith.constant 0 : i32
    return %c0_i32, %c0_i32_0 : i32, i32
  }
  func.func @transform_7(%arg0: i32) -> (i32, i32) {
    %c0_i32 = arith.constant 0 : i32
    %c0_i32_0 = arith.constant 0 : i32
    %c0_i32_1 = arith.constant 0 : i32
    return %c0_i32, %c0_i32_0 : i32, i32
  }
  func.func @transform_8(%arg0: i32) -> (i32, i32) {
    %c0_i32 = arith.constant 0 : i32
    %c0_i32_0 = arith.constant 0 : i32
    %c0_i32_1 = arith.constant 0 : i32
    return %c0_i32, %c0_i32_0 : i32, i32
  }
  func.func @transform_9(%arg0: i32) -> (i32, i32) {
    %c0_i32 = arith.constant 0 : i32
    %c0_i32_0 = arith.constant 0 : i32
    %c0_i32_1 = arith.constant 0 : i32
    return %c0_i32, %c0_i32_0 : i32, i32
  }
  func.func @transform_10(%arg0: i32) -> (i32, i32) {
    %c0_i32 = arith.constant 0 : i32
    %c0_i32_0 = arith.constant 0 : i32
    %c0_i32_1 = arith.constant 0 : i32
    return %c0_i32, %c0_i32_0 : i32, i32
  }
  func.func @transform_11(%arg0: i32) -> (i32, i32) {
    %c0_i32 = arith.constant 0 : i32
    %c0_i32_0 = arith.constant 0 : i32
    %c0_i32_1 = arith.constant 0 : i32
    return %c0_i32, %c0_i32_0 : i32, i32
  }
  func.func @transform_12(%arg0: i32) -> (i32, i32) {
    %c0_i32 = arith.constant 0 : i32
    %c0_i32_0 = arith.constant 0 : i32
    %c0_i32_1 = arith.constant 0 : i32
    return %c0_i32, %c0_i32_0 : i32, i32
  }
  func.func @transform_13(%arg0: i32) -> (i32, i32) {
    %c0_i32 = arith.constant 0 : i32
    %c0_i32_0 = arith.constant 0 : i32
    %c0_i32_1 = arith.constant 0 : i32
    return %c0_i32, %c0_i32_0 : i32, i32
  }
  func.func @transform_14(%arg0: i32) -> (i32, i32) {
    %c0_i32 = arith.constant 0 : i32
    %c0_i32_0 = arith.constant 0 : i32
    %c0_i32_1 = arith.constant 0 : i32
    return %c0_i32, %c0_i32_0 : i32, i32
  }
  func.func @transform_15(%arg0: i32) -> (i32, i32) {
    %c0_i32 = arith.constant 0 : i32
    %c0_i32_0 = arith.constant 0 : i32
    %c0_i32_1 = arith.constant 0 : i32
    return %c0_i32, %c0_i32_0 : i32, i32
  }
  func.func @transform_16(%arg0: i32) -> (i32, i32) {
    %c0_i32 = arith.constant 0 : i32
    %c0_i32_0 = arith.constant 0 : i32
    %c0_i32_1 = arith.constant 0 : i32
    return %c0_i32, %c0_i32_0 : i32, i32
  }
  func.func @transform_17(%arg0: i32) -> (i32, i32) {
    %c0_i32 = arith.constant 0 : i32
    %c0_i32_0 = arith.constant 0 : i32
    %c0_i32_1 = arith.constant 0 : i32
    return %c0_i32, %c0_i32_0 : i32, i32
  }
  func.func @transform_18(%arg0: i32) -> (i32, i32) {
    %c0_i32 = arith.constant 0 : i32
    %c0_i32_0 = arith.constant 0 : i32
    return %arg0, %c0_i32 : i32, i32
  }
  func.func @transform_19(%arg0: i32) -> (i32, i32) {
    %c0_i32 = arith.constant 0 : i32
    %c0_i32_0 = arith.constant 0 : i32
    return %arg0, %c0_i32 : i32, i32
  }
}

</mosaic_0001>

<sc_bundles>
// kernel: kernel.4.cloned.1.call-start
scs
__scs_entry_jumppad:
0x0: {  	(pc) =	sbr.rel $0x88, $3  }
0x1: {  	(tag) =	ssettag $0x0;
	lr =	simm.s32 $0x1  }
0x2: {  	[smem:$0x3F93] =	sst lr;
	_ =	strace $0xD0000000  }
0x3: {  	_ = 	snop  }
0x4: {  	_ = 	snop  }
0x5: {  	_ = 	snop  }
0x6: {  	_ = 	snop  }
0x7: {  	_ = 	snop  }
__scs_overlays_trampoline_lowered:
0x8: {  	[smem:$0x3FA2] =	sst s0  }
0x9: {  	[smem:$0x3FA3] =	sst s1  }
0xa: {  	[smem:$0x3FA4] =	sst s2  }
0xb: {  	[smem:$0x3FA5] =	sst s3  }
0xc: {  	[smem:$0x3FA6] =	sst s4  }
0xd: {  	[smem:$0x3FA7] =	sst s5  }
0xe: {  	[smem:$0x3FA8] =	sst s6  }
0xf: {  	[smem:$0x3FA9] =	sst s7  }
0x10: {  	[smem:$0x3FAA] =	sst s8  }
0x11: {  	[smem:$0x3FAB] =	sst s9;
	s0 =	simm.s32 @!p0 $0x0  }
0x12: {  	s1 =	sld [smem:$0x3F91];
	s0 =	simm.s32 @p0 $0x1  }
0x13: {  	[smem:$0x3FAC] =	sst s0;
	s0 =	simm.s32 @!p1 $0x0  }
0x14: {  	s2 =	sld [smem:$0x3F90];
	s0 =	simm.s32 @p1 $0x1  }
0x15: {  	[smem:$0x3FAD] =	sst s0;
	s0 =	simm.s32 @!p2 $0x0  }
0x16: {  	s3 =	sld [smem:$0x3FDB];
	s0 =	simm.s32 @p2 $0x1  }
0x17: {  	s4 =	simm.s32 $0x1BF5;
	[smem:$0x3FAF] =	sst s0  }
0x18: {  	s0 =	sld [smem:$0x3F92];
	_ =	swait.ge [sflag:s4], $0x0  }
0x19: {  	s7 =	sld [smem:$0x3F93]  }
0x1a: {  	s8 =	sadd.s32 $0xFFFFE003, lr  }
0x1b: {  	s9 =	sadd.s32 $0xFFFFFEF7, lr;
	s5 =	simm.s32 $0xFFFFFFFF;
	p2 =	slt.u32 s8, $0xFFFFF086  }
0x1c: {  	p1 =	slt.u32 s9, $0xF7A;
	s5 =	simm.s32 @!p2 $0x0  }
0x1d: {  	s5 =	simm.s32 @p1 $0x1;
	p0 =	seq.s32 s7, s2  }
0x1e: {  	s7 =	smul.u32 @!p0 $0xF7A, s2;
	p2 =	seq.s32 @!p0 s5, $0x0  }
0x1f: {  	s9 =	smul.u32 $0xF7A, s1;
	s8 =	simm.s32 @!p0 $0x1BF5;
	p2 =	por !p2, p0  }
0x20: {  	[sflag:s8] =	ssyncset.s32 @!p0 $0xFFFFF086;
	s6 =	sadd.s32 @!p0 s3, s7;
	s7 =	simm.s32 @!p0 $0x108  }
0x21: {  	s3 =	sadd.s32 s3, s9;
	s6 =	sadd.s32 @!p0 $0x88, s6;
	s7 =	simm.s32 @p2 $0x1082  }
0x22: {  	[simem:s7], [sflag:s8] =	dma.local @!p0 [hbm:s6], $0xF7A  }
0x23: {  	s9 =	sor.u32 $0xD0000000, s2;
	s6 =	simm.s32 $0x108;
	_ =	swait.ge @!p0 [sflag:s8], $0x0  }
0x24: {  	s3 =	sadd.s32 $0x88, s3;
	s6 =	simm.s32 @!p1 $0x1082;
	[sflag:s4] =	ssyncset.s32 $0xFFFFF086  }
0x25: {  	[simem:s6], [sflag:s4] =	dma.local [hbm:s3], $0xF7A  }
0x26: {  	[smem:$0x3F93] =	sst s1;
	(tag) =	ssettag s2;
	_ =	strace s9  }
0x27: {  	s1 =	sld [smem:$0x3FA3]  }
0x28: {  	s2 =	sld [smem:$0x3FA4]  }
0x29: {  	s4 =	sld [smem:$0x3FA6]  }
0x2a: {  	p0 =	seq.s32 s5, $0x0;
	s5 =	sld [smem:$0x3FA7]  }
0x2b: {  	s6 =	sld [smem:$0x3FA8]  }
0x2c: {  	s7 =	sld [smem:$0x3FA9]  }
0x2d: {  	s3 =	simm.s32 $0x108;
	s8 =	sld [smem:$0x3FAA]  }
0x2e: {  	s3 =	simm.s32 @!p0 $0x1082;
	s9 =	sld [smem:$0x3FAB]  }
0x2f: {  	lr =	sadd.s32 s0, s3;
	s0 =	sld [smem:$0x3FA2]  }
0x30: {  	s3 =	sld [smem:$0x3FA5]  }
0x31: {  	[smem:$0x3FAE] =	sst s10  }
0x32: {  	s10 =	sld [smem:$0x3FAC];
	_ =	sdelay $0x3  }
0x33: {  	p0 =	seq.s32 s10, $0x1;
	s10 =	sld [smem:$0x3FAE];
	_ =	sdelay $0x3  }
0x34: {  	[smem:$0x3FAE] =	sst s10  }
0x35: {  	s10 =	sld [smem:$0x3FAD];
	_ =	sdelay $0x3  }
0x36: {  	p1 =	seq.s32 s10, $0x1;
	s10 =	sld [smem:$0x3FAE];
	_ =	sdelay $0x3  }
0x37: {  	[smem:$0x3FAE] =	sst s10  }
0x38: {  	s10 =	sld [smem:$0x3FAF]  }
0x39: {  	_ = 	snop;
	(pc) =	sbr.ind lr, $3  }
0x3a: {  	_ = 	snop  }
0x3b: {  	_ = 	snop  }
0x3c: {  	p2 =	seq.s32 s10, $0x1;
	s10 =	sld [smem:$0x3FAE]  }
0x3d: {  	_ =	shalt  }
0x3e: {  	_ =	shalt  }
0x3f: {  	_ =	shalt  }
0x40: {  	_ =	shalt  }
0x41: {  	_ =	shalt  }
0x42: {  	_ =	shalt  }
0x43: {  	_ =	shalt  }
0x44: {  	_ =	shalt  }
0x45: {  	_ =	shalt  }
0x46: {  	_ =	shalt  }
0x47: {  	_ =	shalt  }
0x48: {  	_ =	shalt  }
0x49: {  	_ =	shalt  }
0x4a: {  	_ =	shalt  }
0x4b: {  	_ =	shalt  }
0x4c: {  	_ =	shalt  }
0x4d: {  	_ =	shalt  }
0x4e: {  	_ =	shalt  }
0x4f: {  	_ =	shalt  }
0x50: {  	_ =	shalt  }
0x51: {  	_ =	shalt  }
0x52: {  	_ =	shalt  }
0x53: {  	_ =	shalt  }
0x54: {  	_ =	shalt  }
0x55: {  	_ =	shalt  }
0x56: {  	_ =	shalt  }
0x57: {  	_ =	shalt  }
0x58: {  	_ =	shalt  }
0x59: {  	_ =	shalt  }
0x5a: {  	_ =	shalt  }
0x5b: {  	_ =	shalt  }
0x5c: {  	_ =	shalt  }
0x5d: {  	_ =	shalt  }
0x5e: {  	_ =	shalt  }
0x5f: {  	_ =	shalt  }
0x60: {  	_ =	shalt  }
0x61: {  	_ =	shalt  }
0x62: {  	_ =	shalt  }
0x63: {  	_ =	shalt  }
0x64: {  	_ =	shalt  }
0x65: {  	_ =	shalt  }
0x66: {  	_ =	shalt  }
0x67: {  	_ =	shalt  }
0x68: {  	_ =	shalt  }
0x69: {  	_ =	shalt  }
0x6a: {  	_ =	shalt  }
0x6b: {  	_ =	shalt  }
0x6c: {  	_ =	shalt  }
0x6d: {  	_ =	shalt  }
0x6e: {  	_ =	shalt  }
0x6f: {  	_ =	shalt  }
0x70: {  	_ =	shalt  }
0x71: {  	_ =	shalt  }
0x72: {  	_ =	shalt  }
0x73: {  	_ =	shalt  }
0x74: {  	_ =	shalt  }
0x75: {  	_ =	shalt  }
0x76: {  	_ =	shalt  }
0x77: {  	_ =	shalt  }
0x78: {  	_ =	shalt  }
0x79: {  	_ =	shalt  }
0x7a: {  	_ =	shalt  }
0x7b: {  	_ =	shalt  }
0x7c: {  	_ =	shalt  }
0x7d: {  	_ =	shalt  }
0x7e: {  	_ =	shalt  }
0x7f: {  	_ =	shalt  }
0x80: {  	_ =	shalt  }
0x81: {  	_ =	shalt  }
0x82: {  	_ =	shalt  }
0x83: {  	_ =	shalt  }
0x84: {  	_ =	shalt  }
0x85: {  	_ =	shalt  }
0x86: {  	_ =	shalt  }
0x87: {  	_ =	shalt  }
.Lfunc_end0:
.L_simem_size_0:
called_computation_lowered:
.L_overlay_start_0:
0x88: {  	s2 =	sld [smem:$0x3FD9]  }
0x89: {  	s3 =	sld [smem:$0x3FFE];
	_ =	sdelay $0x1  }
0x8a: {  	s1 =	srdreg.scid  }
0x8b: {  	s0 =	sand.u32 $0x1, s1  }
0x8c: {  	s14 =	sshll.u32 s0, $0xA;
	s2 =	sadd.s32 s3, s2  }
0x8d: {  	s2 =	sadd.s32 s2, s14  }
0x8e: {  	[smem:$0x3FBA] =	sst s2  }
0x8f: {  	_ = 	snop  }
0x90: {  	s2 =	sld [smem:$0x3FD0];
	_ =	sdelay $0x2  }
0x91: {  	s4 =	simm.s32 $0xA;
	s5 =	simm.s32 $0x10;
	s15 =	sld [smem:$0x3FC6]  }
0x92: {  	[smem:s5], [sflag:s4] =	dma.local [hbm:s2], $0x1  }
0x93: {  	_ =	swait.eq [sflag:s4], $0x1  }
0x94: {  	[sflag:s4] =	ssyncset.done $0x0  }
0x95: {  	s16 =	sld [smem:$0x10];
	[sflag:s4] =	ssyncadd.s32 $0xFFFFFFFF  }
0x96: {  	s17 =	sld [smem:$0x11];
	(tm) =	ssettm $0x1  }
0x97: {  	s18 =	sld [smem:$0x3FFB];
	_ =	sdelay $0x3  }
0x98: {  	_ =	strace s18  }
0x99: {  	s5 =	sld [smem:$0x3FFC];
	_ =	sdelay $0x3  }
0x9a: {  	_ =	strace s5  }
0x9b: {  	s5 =	sld [smem:$0x3FFD];
	_ =	sdelay $0x3  }
0x9c: {  	_ =	strace s5  }
0x9d: {  	_ =	strace $0x8FFFFFFF  }
0x9e: {  	s19 =	sld [smem:$0x3FDB];
	_ =	sdelay $0x1  }
0x9f: {  	s6 =	simm.s32 $_scs_section_size  }
0xa0: {  	s7 =	simm.s32 $_size__tile_overlayer_lowered;
	s8 =	simm.s32 $_tile_overlayer_lowered  }
0xa1: {  	s22 =	simm.s32 $0x1BFF;
	s21 =	sshll.u32 s8, $0x1;
	s5 =	sadd.s32 s6, s19  }
0xa2: {  	s9 =	simm.s32 $0x0;
	s20 =	sshll.u32 s7, $0x1;
	s7 =	sadd.s32 s21, s5  }
0xa3: {  	[timem:s9], [sflag:s22] =	dma.local [hbm:s7], s20  }
0xa4: {  	_ =	swait.ge [sflag:s22], s20  }
0xa5: {  	s6 =	ssub.s32 $0x0, s20;
	[sflag:s22] =	ssyncset.done $0x0  }
0xa6: {  	[sflag:s22] =	ssyncadd.s32 s6;
	_ =	sdelay $0x1  }
0xa7: {  	s23 =	simm.s32 $0x1B8B  }
0xa8: {  	_ =	swait.ge [sflag:s23], $0x1  }
0xa9: {  	[sflag:s23] =	ssyncset.done $0x0  }
0xaa: {  	s25 =	simm.s32 $0x1B8E;
	s24 =	sld [smem:$0x3FFE];
	[sflag:s23] =	ssyncadd.s32 $0xFFFFFFFF  }
0xab: {  	s26 =	simm.s32 $execute0_lowered;
	[smem:$0x3FD2] =	sst s25  }
0xac: {  	s7 =	sshll.u32 s26, $0x1;
	_ =	strace $0x80000046;
	[dreg:$0x1] =	wrdreg $0xFFFFFFFF  }
0xad: {  	s28 =	simm.s32 $_size_execute0_lowered;
	s5 =	sadd.s32 s5, s7;
	[dreg:$0x0] =	wrdreg $0x0  }
0xae: {  	s7 =	sshll.u32 s28, $0x1;
	[dreg:$0x2] =	wrdreg s5  }
0xaf: {  	[dreg:$0x3] =	wrdreg s7  }
0xb0: {  	[dreg:$0x4] =	wrdreg $0xC0  }
0xb1: {  	_ =	task [dreg:s9], $0x5FFFF  }
0xb2: {  	[dreg:$0x1] =	wrdreg $0xFFFFFFFF  }
0xb3: {  	[dreg:$0x0] =	wrdreg $0x60  }
0xb4: {  	[dreg:$0x2] =	wrdreg s17  }
0xb5: {  	[dreg:$0x3] =	wrdreg s24  }
0xb6: {  	[dreg:$0x4] =	wrdreg s15  }
0xb7: {  	[dreg:$0x5] =	wrdreg s16  }
0xb8: {  	[dreg:$0x6] =	wrdreg $0xB5100  }
0xb9: {  	[dreg:$0x7] =	wrdreg $0x9  }
0xba: {  	_ =	task.clear_ibuf [dreg:s9], $0x8FFFF;
	_ =	strace $0x90000046  }
0xbb: {  	s29 =	simm.s32 $0x9;
	_ =	strace $0x8000004B  }
0xbc: {  	_ =	swait.ge [sflag:s29], $0x1  }
0xbd: {  	[sflag:s29] =	ssyncadd.s32 $0xFFFFFFFF  }
0xbe: {  	_ =	strace $0x9000004B  }
0xbf: {  	_ =	sfence  }
0xc0: {  	s30 =	sld [smem:$0x0];
	_ =	sdelay $0x2  }
0xc1: {  	s31 =	sshll.u32 s1, $0xD;
	s1 =	sshrl.u32 s1, $0x2  }
0xc2: {  	s3 =	sand.u32 $0x4000, s31;
	s1 =	sadd.s32 s1, s30  }
0xc3: {  	s0 =	sor.u32 s3, s0;
	s1 =	sshll.u32 s1, $0x11  }
0xc4: {  	s0 =	sor.u32 s1, s0  }
0xc5: {  	s0 =	sadd.s32 $0x8F2B, s0  }
0xc6: {  	[sflag:s0] =	ssyncadd.remote.s32 $0x1  }
0xc7: {  	_ =	sfence.sel $0xFFFF  }
0xc8: {  	[dreg:$0x0] =	wrdreg $0xFFFFFFFF;
	(pc) =	sbr.abs _section_cstart, $3  }
0xc9: {  	[dreg:$0x1] =	wrdreg $0xFFFFFFFF  }
0xca: {  	_ =	task.clear_ibuf [dreg:s9], $0x2FFFF;
	_ =	strace $0x9FFFFFFF  }
0xcb: {  	(tm) =	ssettm $0x7FFFFFFF  }
tec
execute0_lowered:
.L_overlay_start_1:
0x0: {  	(tag) =	ssettag $0x1  }
0x1: {  	s0 =	rddreg [dreg:$0x0]  }
0x2: {  	s3 =	rddreg [dreg:$0x1]  }
0x3: {  	s1 =	rddreg [dreg:$0x2]  }
0x4: {  	s5 =	rddreg [dreg:$0x3]  }
0x5: {  	s2 =	srdreg.scid;
	s9 =	rddreg [dreg:$0x4]  }
0x6: {  	s14 =	stileid.u32;
	s4 =	simm.s32 $0x0;
	s23 =	simm.s32 $0x10010  }
0x7: {  	s25 =	simm.s32 $0x10090;
	s28 =	simm.s32 $0x10110;
	s24 =	simm.s32 $0x1D910  }
0x8: {  	s29 =	simm.s32 $0x10190;
	s30 =	simm.s32 $0x14190;
	s10 =	smul.u32 $0x180, s14  }
0x9: {  	s31 =	simm.s32 $0x18190;
	s7 =	sand.u32 $0x1, s2;
	s11 =	smul.u32 $0x9C, s14  }
0xa: {  	[smem:$0x7FF] =	sst s4;
	s6 =	sadd.s32 $0x3600, s3;
	s16 =	smul.u32 $0x6000, s14  }
0xb: {  	s13 =	smin.u32 s14, $0x3;
	s14 =	simm.s32 $0x2;
	s2 =	smul.u32 $0x1800, s7  }
0xc: {  	_ =	strace $0x80000047;
	s7 =	ssub.s32 $0x2, s7;
	s11 =	sor.u32 s13, s11  }
0xd: {  	s18 =	sshrl.u32 s7, $0x1;
	s21 =	sshrl.u32 s16, $0x2;
	s16 =	simm.s32 $0x3  }
0xe: {  	s20 =	sadd.s32 s10, s2;
	s19 =	sshll.u32 s11, $0x5;
	s22 =	sshll.u32 s11, $0x7  }
0xf: {  	v2 =	vmov s2;
	s2 =	simm.s32 $0x1D990;
	s8 =	sshrl.u32 s20, $0x3;
	s15 =	sshll.u32 s20, $0x4  }
0x10: {  	s26 =	sshll.u32 s20, $0x1;
	s12 =	sadd.s32 s8, s3;
	s17 =	sadd.s32 s15, s3  }
0x11: {  	s15 =	ssub.s32 s7, s18;
	s7 =	sadd.s32 s0, s19;
	s8 =	sadd.s32 s21, s9  }
0x12: {  	s9 =	sadd.s32 s10, s9;
	s11 =	sadd.s32 s5, s26;
	s21 =	simm.s32 $0x80  }
0x13: {  	v0 =	vlaneseq.u32;
	v3 =	vimm.s32 $0xFFFFFFFF;
	s26 =	simm.s32 $0x1;
	s3 =	simm.s32 $0x0;
	s10 =	sadd.s32 $0x9FA00, s12  }
0x14: {  	v4 =	vor.u32 $0x1800, v0;
	v5 =	vmul.u32 $0x10, v0;
	v1 =	vor.u32 s22, v0;
	s12 =	sadd.s32 $0xA0000, s17;
	s13 =	smax.u32 s15, $0x1;
	s15 =	simm.s32 $0x9D00  }
.LBB2_1:
0x15: {  	[tilespmem:s4], [sflag:$0x2] =	stream.linear.gather [hbm4b:s7+s4], $0x9D00, $0x38;
	[tilespmem:$0x1F190] =	vst v63  }
0x16: {  	s5 =	simm.s32 $0x40;
	s17 =	simm.s32 $0x0  }
.LBB2_2:
0x17: {  	p0 =	sne.s32 s5, $0x6000;
	[tilespmem:s17+$0x9D00] =	vst v3;
	s17 =	smov.u32 s5;
	s5 =	sadd.s32 $0x40, s5  }
.Ltmp0:
0x18: {  	(pc) =	sbr.rel @p0 .LBB2_2-.Ltmp0, $2  }
0x19: {  	_ =	sdelay $0x2  }
0x1a: {  	s17 =	sshra.s32 s17, $0x2  }
0x1b: {  	[tilespmem:s17+$0x9D00] =	vst v3  }
0x1c: {  	_ =	swait.ge [sflag:s14], $0x9D00  }
0x1d: {  	[sflag:s14] =	ssyncset.done $0x0  }
0x1e: {  	[sflag:s14] =	ssyncadd.s32 $0xFFFF6300  }
0x1f: {  	s5 =	simm.s32 $0x0;
	v6 =	vmov v1;
	_ =	strace $0x80000048  }
.LBB2_4:
0x20: {  	s17 =	sshra.s32 s5, $0x2  }
0x21: {  	v7 =	vld [tilespmem:s17+$0x0];
	_ =	sdelay $0x4  }
0x22: {  	v7 =	vsub.s32 v7, v2  }
0x23: {  	v7 =	vmin.u32 v7, v4;
	_ =	sdelay $0x4  }
0x24: {  	[tilespmem:v7+s15+$0x0] =	vst.idx.msk $0xffff, v6  }
0x25: {  	v7 =	vld [tilespmem:s17+$0x10];
	_ =	sdelay $0x4  }
0x26: {  	v7 =	vsub.s32 v7, v2  }
0x27: {  	v7 =	vmin.u32 v7, v4;
	_ =	sdelay $0x3  }
0x28: {  	v8 =	vadd.s32 $0x10, v6  }
0x29: {  	[tilespmem:v7+s15+$0x0] =	vst.idx.msk $0xffff, v8  }
0x2a: {  	v7 =	vld [tilespmem:s17+$0x20];
	_ =	sdelay $0x4  }
0x2b: {  	v7 =	vsub.s32 v7, v2  }
0x2c: {  	v7 =	vmin.u32 v7, v4;
	_ =	sdelay $0x3  }
0x2d: {  	v8 =	vadd.s32 $0x20, v6  }
0x2e: {  	[tilespmem:v7+s15+$0x0] =	vst.idx.msk $0xffff, v8  }
0x2f: {  	v7 =	vld [tilespmem:s17+$0x30];
	_ =	sdelay $0x4  }
0x30: {  	v7 =	vsub.s32 v7, v2  }
0x31: {  	v7 =	vmin.u32 v7, v4;
	_ =	sdelay $0x3  }
0x32: {  	v8 =	vadd.s32 $0x30, v6  }
0x33: {  	[tilespmem:v7+s15+$0x0] =	vst.idx.msk $0xffff, v8  }
0x34: {  	v7 =	vld [tilespmem:s17+$0x40];
	_ =	sdelay $0x4  }
0x35: {  	v7 =	vsub.s32 v7, v2  }
0x36: {  	v7 =	vmin.u32 v7, v4;
	_ =	sdelay $0x3  }
0x37: {  	v8 =	vadd.s32 $0x40, v6  }
0x38: {  	[tilespmem:v7+s15+$0x0] =	vst.idx.msk $0xffff, v8  }
0x39: {  	v7 =	vld [tilespmem:s17+$0x50];
	_ =	sdelay $0x4  }
0x3a: {  	v7 =	vsub.s32 v7, v2  }
0x3b: {  	v7 =	vmin.u32 v7, v4;
	_ =	sdelay $0x3  }
0x3c: {  	v8 =	vadd.s32 $0x50, v6  }
0x3d: {  	[tilespmem:v7+s15+$0x0] =	vst.idx.msk $0xffff, v8  }
0x3e: {  	v7 =	vld [tilespmem:s17+$0x60];
	_ =	sdelay $0x4  }
0x3f: {  	v7 =	vsub.s32 v7, v2  }
0x40: {  	v7 =	vmin.u32 v7, v4;
	_ =	sdelay $0x3  }
0x41: {  	v8 =	vadd.s32 $0x60, v6  }
0x42: {  	[tilespmem:v7+s15+$0x0] =	vst.idx.msk $0xffff, v8  }
0x43: {  	v7 =	vld [tilespmem:s17+$0x70];
	_ =	sdelay $0x4  }
0x44: {  	v7 =	vsub.s32 v7, v2  }
0x45: {  	p0 =	sne.s32 s5, $0x27000;
	v7 =	vmin.u32 v7, v4  }
.Ltmp1:
0x46: {  	_ = 	snop;
	(pc) =	sbr.rel @p0 .LBB2_4-.Ltmp1, $3  }
0x47: {  	_ =	sdelay $0x1  }
0x48: {  	v8 =	vadd.s32 $0x70, v6  }
0x49: {  	s5 =	sadd.s32 $0x400, s5;
	v6 =	vadd.s32 $0x80, v6;
	[tilespmem:v7+s15+$0x0] =	vst.idx.msk $0xffff, v8  }
0x4a: {  	_ =	strace $0x90000048  }
0x4b: {  	_ =	strace $0x80000049  }
0x4c: {  	[spmem:s8] =	stream.linear.scatter [tilespmem:s15], [sflag:$0x3], $0x1800, $0x200038;
	[tilespmem:$0x1F190] =	vst v63  }
0x4d: {  	_ =	swait.ge [sflag:s16], $0x1800  }
0x4e: {  	[sflag:s16] =	ssyncset.done $0x0  }
0x4f: {  	s5 =	simm.s32 $0x180;
	[sflag:s16] =	ssyncadd.s32 $0xFFFFE800  }
0x50: {  	s17 =	simm.s32 $0x1800;
	s18 =	simm.s32 $0xCD10;
	[bflag:$0x0] =	sbarrier.arrive $0xFFFF  }
0x51: {  	[tilespmem:s18], [sflag:$0x3] =	stream.strided.gather [spmem:s9], $0x1800, s17, s5, $0x200038;
	[tilespmem:$0x1F190] =	vst v63  }
0x52: {  	_ =	swait.ge [sflag:s16], $0x1800  }
0x53: {  	[sflag:s16] =	ssyncset.done $0x0  }
0x54: {  	s19 =	simm.s32 $0x0;
	[sflag:s16] =	ssyncadd.s32 $0xFFFFE800  }
0x55: {  	v6 =	vld [tilespmem:s19+$0xCD10]  }
0x56: {  	v7 =	vld [tilespmem:s19+$0xCE90];
	_ =	sdelay $0x1  }
0x57: {  	v8 =	vld [tilespmem:s19+$0xD010];
	_ =	sdelay $0x1  }
0x58: {  	v9 =	vld [tilespmem:s19+$0xD190]  }
0x59: {  	vm0 =	vgt.s32 v6, v7  }
0x5a: {  	v6 =	vsel vm0, v6, v7;
	v7 =	vld [tilespmem:s19+$0xD310]  }
0x5b: {  	vm0 =	vgt.s32 v6, v8  }
0x5c: {  	v6 =	vsel vm0, v6, v8;
	v8 =	vld [tilespmem:s19+$0xD490]  }
0x5d: {  	vm0 =	vgt.s32 v6, v9  }
0x5e: {  	v6 =	vsel vm0, v6, v9;
	v9 =	vld [tilespmem:s19+$0xD610]  }
0x5f: {  	vm0 =	vgt.s32 v6, v7  }
0x60: {  	v6 =	vsel vm0, v6, v7;
	v7 =	vld [tilespmem:s19+$0xD790]  }
0x61: {  	vm0 =	vgt.s32 v6, v8  }
0x62: {  	v6 =	vsel vm0, v6, v8;
	v8 =	vld [tilespmem:s19+$0xD910]  }
0x63: {  	vm0 =	vgt.s32 v6, v9  }
0x64: {  	v6 =	vsel vm0, v6, v9;
	v9 =	vld [tilespmem:s19+$0xDA90]  }
0x65: {  	s17 =	simm.s32 $0x10;
	v10 =	vld [tilespmem:s19+$0xDC10];
	vm0 =	vgt.s32 v6, v7  }
0x66: {  	v11 =	vld [tilespmem:s17+$0xCD10];
	v6 =	vsel vm0, v6, v7  }
0x67: {  	v7 =	vld [tilespmem:s17+$0xCE90];
	vm0 =	vgt.s32 v6, v8  }
0x68: {  	v6 =	vsel vm0, v6, v8;
	v8 =	vld [tilespmem:s19+$0xDD90]  }
0x69: {  	v12 =	vld [tilespmem:s17+$0xD010];
	vm0 =	vgt.s32 v6, v9  }
0x6a: {  	v6 =	vsel vm0, v6, v9;
	v9 =	vld [tilespmem:s19+$0xDF10]  }
0x6b: {  	v13 =	vld [tilespmem:s17+$0xD190];
	vm0 =	vgt.s32 v6, v10  }
0x6c: {  	vm1 =	vgt.s32 v11, v7;
	v6 =	vsel vm0, v6, v10;
	v10 =	vld [tilespmem:s19+$0xE090]  }
0x6d: {  	v7 =	vsel vm1, v11, v7;
	v11 =	vld [tilespmem:s17+$0xD310];
	vm0 =	vgt.s32 v6, v8  }
0x6e: {  	vm1 =	vgt.s32 v7, v12;
	v6 =	vsel vm0, v6, v8;
	v8 =	vld [tilespmem:s19+$0xE210]  }
0x6f: {  	v61 =	vld [tilespmem:s17+$0xD490];
	v7 =	vsel vm1, v7, v12;
	vm0 =	vgt.s32 v6, v9  }
0x70: {  	vm1 =	vgt.s32 v7, v13;
	v6 =	vsel vm0, v6, v9;
	v9 =	vld [tilespmem:s19+$0xE390]  }
0x71: {  	v62 =	vld [tilespmem:s17+$0xD610];
	v7 =	vsel vm1, v7, v13;
	vm0 =	vgt.s32 v6, v10  }
0x72: {  	vm1 =	vgt.s32 v7, v11;
	v6 =	vsel vm0, v6, v10  }
0x73: {  	v7 =	vsel vm1, v7, v11;
	v11 =	vld [tilespmem:s17+$0xD790];
	vm0 =	vgt.s32 v6, v8  }
0x74: {  	vm1 =	vgt.s32 v7, v61;
	v6 =	vsel vm0, v6, v8  }
0x75: {  	v10 =	vld [tilespmem:s17+$0xD910];
	v7 =	vsel vm1, v7, v61;
	vm0 =	vgt.s32 v6, v9  }
0x76: {  	vm1 =	vgt.s32 v7, v62;
	v6 =	vsel vm0, v6, v9  }
0x77: {  	v63 =	vor.u32 s20, v0;
	v9 =	vld [tilespmem:s17+$0xDA90];
	v12 =	vsel vm1, v7, v62;
	v7 =	vshra.s32 v6, $0x1F  }
0x78: {  	s18 =	simm.s32 $0x20;
	v8 =	vld [tilespmem:s17+$0xDC10];
	vm14 =	vgt.s32 v12, v11;
	vm15 =	vlt.s32 v6, $0x0;
	v14 =	vor.u32 v7, v6  }
0x79: {  	s22 =	simm.s32 $0xC0;
	s5 =	smov.u32 s20;
	v7 =	vld [tilespmem:s18+$0xCD10];
	v11 =	vsel vm14, v12, v11;
	[tilespmem:s19+$0xE510] =	vst v14;
	v6 =	vsel vm15, v63, v14  }
.LBB2_6:
0x7a: {  	p0 =	sne.s32 s22, $0x5C0;
	v12 =	vld [tilespmem:s18+$0xCE90];
	vm0 =	vgt.s32 v11, v10;
	v13 =	vshll.u32 v6, $0x1;
	[tilespmem:s19+$0xE690] =	vst v6;
	v14 =	vadd.s32 $0x4E200, v6  }
0x7b: {  	v15 =	vand.u32 $0x7F, v6;
	v10 =	vsel vm0, v11, v10;
	v11 =	vld [tilespmem:s17+$0xDD90];
	v13 =	vand.u32 $0xFFFFFF00, v13;
	[tilespmem:s19+$0xE810] =	vst v14  }
0x7c: {  	v14 =	vld [tilespmem:s18+$0xD010];
	vm0 =	vgt.s32 v10, v9;
	v13 =	vor.u32 v13, v15;
	v15 =	vadd.s32 $0x9C400, v6  }
0x7d: {  	v9 =	vsel vm0, v10, v9;
	v10 =	vld [tilespmem:s17+$0xDF10];
	v13 =	vor.u32 $0x80, v13;
	[tilespmem:s19+$0xE990] =	vst v15;
	v15 =	vadd.s32 $0xEA600, v6  }
0x7e: {  	v17 =	vadd.s32 $0x186A00, v6;
	v16 =	vld [tilespmem:s18+$0xD190];
	vm0 =	vgt.s32 v9, v8;
	[tilespmem:s19+$0xFE90] =	vst v13;
	v13 =	vadd.s32 $0x138800, v6  }
0x7f: {  	vm1 =	vgt.s32 v7, v12;
	v8 =	vsel vm0, v9, v8;
	v9 =	vld [tilespmem:s17+$0xE090];
	[tilespmem:s19+$0xEB10] =	vst v15;
	v15 =	vadd.s32 $0x1D4C00, v6  }
0x80: {  	v7 =	vsel vm1, v7, v12;
	v12 =	vld [tilespmem:s18+$0xD310];
	vm0 =	vgt.s32 v8, v11;
	[tilespmem:s19+$0xEC90] =	vst v13;
	v13 =	vadd.s32 $0x222E00, v6  }
0x81: {  	vm1 =	vgt.s32 v7, v14;
	v8 =	vsel vm0, v8, v11;
	v11 =	vld [tilespmem:s17+$0xE210];
	[tilespmem:s19+$0xEE10] =	vst v17;
	v17 =	vadd.s32 $0x271000, v6  }
0x82: {  	v7 =	vsel vm1, v7, v14;
	v14 =	vld [tilespmem:s18+$0xD490];
	vm0 =	vgt.s32 v8, v10;
	[tilespmem:s19+$0xEF90] =	vst v15;
	v15 =	vadd.s32 $0x2BF200, v6  }
0x83: {  	vm1 =	vgt.s32 v7, v16;
	v8 =	vsel vm0, v8, v10;
	v18 =	vld [tilespmem:s17+$0xE390];
	[tilespmem:s19+$0xF110] =	vst v13;
	v10 =	vadd.s32 $0x30D400, v6  }
0x84: {  	v7 =	vsel vm1, v7, v16;
	v13 =	vld [tilespmem:s18+$0xD610];
	vm0 =	vgt.s32 v8, v9;
	[tilespmem:s19+$0xF290] =	vst v17;
	v16 =	vadd.s32 $0x35B600, v6  }
0x85: {  	vm1 =	vgt.s32 v7, v12;
	v8 =	vsel vm0, v8, v9;
	[tilespmem:s19+$0xF410] =	vst v15;
	v9 =	vadd.s32 $0x3A9800, v6  }
0x86: {  	v15 =	vadd.s32 $0x3F7A00, v6;
	v7 =	vsel vm1, v7, v12;
	v12 =	vld [tilespmem:s18+$0xD790];
	vm0 =	vgt.s32 v8, v11;
	[tilespmem:s19+$0xF590] =	vst v10  }
0x87: {  	vm1 =	vgt.s32 v7, v14;
	v8 =	vsel vm0, v8, v11;
	[tilespmem:s19+$0xF710] =	vst v16;
	v11 =	vadd.s32 $0x445C00, v6  }
.Ltmp2:
0x88: {  	v6 =	vadd.s32 $0x493E00, v6;
	v7 =	vsel vm1, v7, v14;
	v10 =	vld [tilespmem:s18+$0xD910];
	vm0 =	vgt.s32 v8, v18;
	[tilespmem:s19+$0xF890] =	vst v9;
	(pc) =	sbr.rel @p0 .LBB2_6-.Ltmp2, $4  }
0x89: {  	s5 =	sadd.s32 $0x10, s5;
	vm1 =	vgt.s32 v7, v13;
	v14 =	vsel vm0, v8, v18;
	[tilespmem:s19+$0xFA10] =	vst v15  }
0x8a: {  	v15 =	vor.u32 s5, v0;
	v13 =	vsel vm1, v7, v13;
	v9 =	vld [tilespmem:s18+$0xDA90];
	v7 =	vshra.s32 v14, $0x1F;
	[tilespmem:s19+$0xFB90] =	vst v11  }
0x8b: {  	vm1 =	vlt.s32 v14, $0x0;
	vm0 =	vgt.s32 v13, v12;
	v8 =	vld [tilespmem:s18+$0xDC10];
	v16 =	vor.u32 v7, v14;
	[tilespmem:s19+$0xFD10] =	vst v6;
	s19 =	smov.u32 s17;
	s17 =	smov.u32 s18;
	s18 =	sshra.s32 s22, $0x2  }
0x8c: {  	s22 =	sadd.s32 $0x40, s22;
	v7 =	vld [tilespmem:s18+$0xCD10];
	v11 =	vsel vm0, v13, v12;
	[tilespmem:s19+$0xE510] =	vst v16;
	v6 =	vsel vm1, v15, v16  }
0x8d: {  	v12 =	vld [tilespmem:s18+$0xCE90];
	[tilespmem:s19+$0xE690] =	vst v6;
	v13 =	vadd.s32 $0x4E200, v6;
	v51 =	vshll.u32 v6, $0x1  }
0x8e: {  	v16 =	vand.u32 $0x7F, v6;
	vm0 =	vgt.s32 v11, v10;
	v14 =	vld [tilespmem:s17+$0xDD90];
	[tilespmem:s19+$0xE810] =	vst v13;
	v13 =	vand.u32 $0xFFFFFF00, v51  }
0x8f: {  	v17 =	vadd.s32 $0x9C400, v6;
	v10 =	vsel vm0, v11, v10;
	v15 =	vld [tilespmem:s18+$0xD010];
	v13 =	vor.u32 v13, v16  }
0x90: {  	v18 =	vld [tilespmem:s17+$0xDF10];
	[tilespmem:s19+$0xE990] =	vst v17;
	vm0 =	vgt.s32 v10, v9;
	v13 =	vor.u32 $0x80, v13  }
0x91: {  	v53 =	vadd.s32 $0xEA600, v6;
	v52 =	vld [tilespmem:s18+$0xD190];
	v9 =	vsel vm0, v10, v9;
	[tilespmem:s19+$0xFE90] =	vst v13  }
0x92: {  	v54 =	vadd.s32 $0x138800, v6;
	vm0 =	vgt.s32 v9, v8;
	v17 =	vld [tilespmem:s17+$0xE090];
	[tilespmem:s19+$0xEB10] =	vst v53  }
0x93: {  	v55 =	vadd.s32 $0x186A00, v6;
	v8 =	vsel vm0, v9, v8;
	vm11 =	vgt.s32 v7, v12;
	v19 =	vld [tilespmem:s18+$0xD310];
	[tilespmem:s19+$0xEC90] =	vst v54  }
0x94: {  	v11 =	vadd.s32 $0x1D4C00, v6;
	vm0 =	vgt.s32 v8, v14;
	v7 =	vsel vm11, v7, v12;
	v20 =	vld [tilespmem:s17+$0xE210];
	[tilespmem:s19+$0xEE10] =	vst v55  }
0x95: {  	v10 =	vadd.s32 $0x222E00, v6;
	v8 =	vsel vm0, v8, v14;
	vm13 =	vgt.s32 v7, v15;
	v13 =	vld [tilespmem:s18+$0xD490];
	[tilespmem:s19+$0xEF90] =	vst v11  }
0x96: {  	v9 =	vadd.s32 $0x271000, v6;
	vm12 =	vgt.s32 v8, v18;
	v7 =	vsel vm13, v7, v15;
	v11 =	vld [tilespmem:s17+$0xE390];
	[tilespmem:s19+$0xF110] =	vst v10  }
0x97: {  	v8 =	vsel vm12, v8, v18;
	vm1 =	vgt.s32 v7, v52;
	v10 =	vld [tilespmem:s18+$0xD610];
	[tilespmem:s19+$0xF290] =	vst v9;
	v9 =	vadd.s32 $0x2BF200, v6  }
0x98: {  	vm14 =	vgt.s32 v8, v17;
	v7 =	vsel vm1, v7, v52;
	[tilespmem:s19+$0xF410] =	vst v9;
	v9 =	vadd.s32 $0x30D400, v6  }
0x99: {  	v8 =	vsel vm14, v8, v17;
	vm1 =	vgt.s32 v7, v19;
	v56 =	vld [tilespmem:s18+$0xD790];
	[tilespmem:s19+$0xF590] =	vst v9;
	v9 =	vadd.s32 $0x35B600, v6  }
0x9a: {  	vm0 =	vgt.s32 v8, v20;
	v7 =	vsel vm1, v7, v19;
	[tilespmem:s19+$0xF710] =	vst v9;
	v9 =	vadd.s32 $0x3A9800, v6  }
0x9b: {  	v58 =	vadd.s32 $0x3F7A00, v6;
	v8 =	vsel vm0, v8, v20;
	vm1 =	vgt.s32 v7, v13;
	v57 =	vld [tilespmem:s18+$0xD910];
	[tilespmem:s19+$0xF890] =	vst v9  }
0x9c: {  	[tilespmem:s19+$0xFA10] =	vst v58;
	v9 =	vadd.s32 $0x445C00, v6;
	vm0 =	vgt.s32 v8, v11;
	v7 =	vsel vm1, v7, v13  }
0x9d: {  	s5 =	sadd.s32 $0x10, s5;
	v6 =	vadd.s32 $0x493E00, v6;
	v15 =	vld [tilespmem:s18+$0xDA90];
	v8 =	vsel vm0, v8, v11;
	[tilespmem:s19+$0xFB90] =	vst v9;
	vm1 =	vgt.s32 v7, v10  }
0x9e: {  	v9 =	vshra.s32 v8, $0x1F;
	v11 =	vld [tilespmem:s18+$0xDC10];
	[tilespmem:s19+$0xFD10] =	vst v6;
	v6 =	vor.u32 s5, v0;
	v7 =	vsel vm1, v7, v10  }
0x9f: {  	vm0 =	vlt.s32 v8, $0x0;
	v9 =	vor.u32 v9, v8;
	vm15 =	vgt.s32 v7, v56  }
0xa0: {  	[tilespmem:s17+$0xE510] =	vst v9;
	v6 =	vsel vm0, v6, v9;
	v7 =	vsel vm15, v7, v56  }
0xa1: {  	[tilespmem:s17+$0xE690] =	vst v6;
	v8 =	vshll.u32 v6, $0x1;
	v9 =	vadd.s32 $0x4E200, v6;
	vm0 =	vgt.s32 v7, v57  }
0xa2: {  	v59 =	vand.u32 $0x7F, v6;
	v10 =	vld [tilespmem:s18+$0xDD90];
	v8 =	vand.u32 $0xFFFFFF00, v8;
	v7 =	vsel vm0, v7, v57  }
0xa3: {  	[tilespmem:s17+$0xE810] =	vst v9;
	v9 =	vadd.s32 $0x9C400, v6;
	v8 =	vor.u32 v8, v59;
	vm0 =	vgt.s32 v7, v15  }
0xa4: {  	v60 =	vld [tilespmem:s18+$0xDF10];
	[tilespmem:s17+$0xE990] =	vst v9;
	v8 =	vor.u32 $0x80, v8;
	v7 =	vsel vm0, v7, v15  }
0xa5: {  	[tilespmem:s17+$0xFE90] =	vst v8;
	v8 =	vadd.s32 $0xEA600, v6;
	vm0 =	vgt.s32 v7, v11  }
0xa6: {  	v61 =	vadd.s32 $0x138800, v6;
	v9 =	vld [tilespmem:s18+$0xE090];
	[tilespmem:s17+$0xEB10] =	vst v8;
	v7 =	vsel vm0, v7, v11  }
0xa7: {  	[tilespmem:s17+$0xEC90] =	vst v61;
	v8 =	vadd.s32 $0x186A00, v6;
	vm0 =	vgt.s32 v7, v10  }
0xa8: {  	v62 =	vadd.s32 $0x1D4C00, v6;
	v11 =	vld [tilespmem:s18+$0xE210];
	[tilespmem:s17+$0xEE10] =	vst v8;
	v7 =	vsel vm0, v7, v10  }
0xa9: {  	[tilespmem:s17+$0xEF90] =	vst v62;
	v8 =	vadd.s32 $0x222E00, v6;
	vm0 =	vgt.s32 v7, v60  }
0xaa: {  	v63 =	vadd.s32 $0x271000, v6;
	v10 =	vld [tilespmem:s18+$0xE390];
	[tilespmem:s17+$0xF110] =	vst v8;
	v7 =	vsel vm0, v7, v60  }
0xab: {  	v8 =	vadd.s32 $0x2BF200, v6;
	[tilespmem:s17+$0xF290] =	vst v63;
	vm0 =	vgt.s32 v7, v9  }
0xac: {  	[tilespmem:s17+$0xF410] =	vst v8;
	v8 =	vadd.s32 $0x35B600, v6;
	v7 =	vsel vm0, v7, v9  }
0xad: {  	[tilespmem:s17+$0xF710] =	vst v8;
	v8 =	vadd.s32 $0x3F7A00, v6;
	vm0 =	vgt.s32 v7, v11  }
0xae: {  	[tilespmem:s17+$0xFA10] =	vst v8;
	v9 =	vadd.s32 $0x30D400, v6;
	v7 =	vsel vm0, v7, v11  }
0xaf: {  	[tilespmem:s17+$0xF590] =	vst v9;
	v9 =	vadd.s32 $0x3A9800, v6;
	vm0 =	vgt.s32 v7, v10  }
0xb0: {  	[tilespmem:s17+$0xF890] =	vst v9;
	v7 =	vsel vm0, v7, v10;
	v10 =	vadd.s32 $0x445C00, v6  }
0xb1: {  	s5 =	sadd.s32 $0x10, s5;
	v6 =	vadd.s32 $0x493E00, v6;
	v8 =	vshra.s32 v7, $0x1F;
	[tilespmem:s17+$0xFB90] =	vst v10  }
0xb2: {  	v9 =	vor.u32 s5, v0;
	vm0 =	vlt.s32 v7, $0x0;
	[tilespmem:s17+$0xFD10] =	vst v6;
	v8 =	vor.u32 v8, v7  }
0xb3: {  	v6 =	vsel vm0, v9, v8;
	[tilespmem:s18+$0xE510] =	vst v8  }
0xb4: {  	v7 =	vshll.u32 v6, $0x1;
	[tilespmem:s18+$0xE690] =	vst v6;
	v8 =	vadd.s32 $0x4E200, v6  }
0xb5: {  	v9 =	vand.u32 $0x7F, v6;
	v7 =	vand.u32 $0xFFFFFF00, v7;
	[tilespmem:s18+$0xE810] =	vst v8;
	v8 =	vadd.s32 $0x9C400, v6  }
0xb6: {  	v7 =	vor.u32 v7, v9;
	[tilespmem:s18+$0xE990] =	vst v8;
	v8 =	vadd.s32 $0xEA600, v6  }
0xb7: {  	v7 =	vor.u32 $0x80, v7;
	[tilespmem:s18+$0xEB10] =	vst v8  }
0xb8: {  	v8 =	vadd.s32 $0x186A00, v6;
	[tilespmem:s18+$0xFE90] =	vst v7  }
0xb9: {  	v7 =	vadd.s32 $0x138800, v6;
	[tilespmem:s18+$0xEE10] =	vst v8  }
0xba: {  	v8 =	vadd.s32 $0x222E00, v6;
	[tilespmem:s18+$0xEC90] =	vst v7  }
0xbb: {  	v7 =	vadd.s32 $0x1D4C00, v6;
	[tilespmem:s18+$0xF110] =	vst v8  }
0xbc: {  	v8 =	vadd.s32 $0x2BF200, v6;
	[tilespmem:s18+$0xEF90] =	vst v7  }
0xbd: {  	v7 =	vadd.s32 $0x271000, v6;
	[tilespmem:s18+$0xF410] =	vst v8  }
0xbe: {  	v8 =	vadd.s32 $0x35B600, v6;
	[tilespmem:s18+$0xF290] =	vst v7  }
0xbf: {  	v7 =	vadd.s32 $0x30D400, v6;
	[tilespmem:s18+$0xF710] =	vst v8  }
0xc0: {  	v8 =	vadd.s32 $0x3F7A00, v6;
	[tilespmem:s18+$0xF590] =	vst v7  }
0xc1: {  	v7 =	vadd.s32 $0x3A9800, v6;
	[tilespmem:s18+$0xFA10] =	vst v8  }
0xc2: {  	[tilespmem:s18+$0xF890] =	vst v7;
	v7 =	vadd.s32 $0x445C00, v6  }
0xc3: {  	v6 =	vadd.s32 $0x493E00, v6;
	[tilespmem:s18+$0xFB90] =	vst v7  }
0xc4: {  	[tilespmem:s18+$0xFD10] =	vst v6  }
0xc5: {  	s17 =	simm.s32 $0xE510;
	s18 =	simm.s32 $0x0;
	_ =	strace $0x90000049  }
0xc6: {  	[hbm4b:s10+s18] =	stream.linear.scatter [tilespmem:s17], [sflag:$0x2], $0x180, $0x38;
	[tilespmem:$0x1F190] =	vst v63  }
0xc7: {  	s19 =	simm.s32 $0xFE90;
	_ =	strace $0x8000004A  }
0xc8: {  	[tilespmem:s23], [sflag:$0x1] =	stream.indirect.gather [hbm4b:s0+s21], $0x1, s19, s21, $0x2000b8;
	[tilespmem:$0x1F190] =	vst v63  }
0xc9: {  	s22 =	simm.s32 $0xFF10  }
0xca: {  	[tilespmem:s25], [sflag:$0x1] =	stream.indirect.gather [hbm4b:s0+s21], $0x1, s22, s21, $0x2000b8;
	[tilespmem:$0x1F190] =	vst v63  }
0xcb: {  	s17 =	simm.s32 $0xFF90  }
0xcc: {  	[tilespmem:s28], [sflag:$0x1] =	stream.indirect.gather [hbm4b:s0+s21], $0x1, s17, s21, $0x2000b8;
	[tilespmem:$0x1F190] =	vst v63  }
0xcd: {  	s19 =	simm.s32 $0xE690;
	s22 =	simm.s32 $0x1C190  }
0xce: {  	[tilespmem:s22], [sflag:$0x1] =	stream.indirect.gather [hbm4b:s6+s21], $0x1, s19, s21, $0x2000b8;
	[tilespmem:$0x1F190] =	vst v63  }
0xcf: {  	s19 =	simm.s32 $0xE710;
	s22 =	simm.s32 $0x1C210  }
0xd0: {  	[tilespmem:s22], [sflag:$0x1] =	stream.indirect.gather [hbm4b:s6+s21], $0x1, s19, s21, $0x2000b8;
	[tilespmem:$0x1F190] =	vst v63  }
0xd1: {  	s19 =	simm.s32 $0xE790;
	s22 =	simm.s32 $0x1C290  }
0xd2: {  	[tilespmem:s22], [sflag:$0x1] =	stream.indirect.gather [hbm4b:s6+s21], $0x1, s19, s21, $0x2000b8;
	[tilespmem:$0x1F190] =	vst v63  }
0xd3: {  	s19 =	simm.s32 $0xE810;
	s22 =	simm.s32 $0x1C310  }
0xd4: {  	[tilespmem:s22], [sflag:$0x1] =	stream.indirect.gather [hbm4b:s6+s21], $0x1, s19, s21, $0x2000b8;
	[tilespmem:$0x1F190] =	vst v63  }
0xd5: {  	s19 =	simm.s32 $0xE890;
	s22 =	simm.s32 $0x1C390  }
0xd6: {  	[tilespmem:s22], [sflag:$0x1] =	stream.indirect.gather [hbm4b:s6+s21], $0x1, s19, s21, $0x2000b8;
	[tilespmem:$0x1F190] =	vst v63  }
0xd7: {  	s19 =	simm.s32 $0xE910;
	s22 =	simm.s32 $0x1C410  }
0xd8: {  	[tilespmem:s22], [sflag:$0x1] =	stream.indirect.gather [hbm4b:s6+s21], $0x1, s19, s21, $0x2000b8;
	[tilespmem:$0x1F190] =	vst v63  }
0xd9: {  	s19 =	simm.s32 $0xE990;
	s22 =	simm.s32 $0x1C490  }
0xda: {  	[tilespmem:s22], [sflag:$0x1] =	stream.indirect.gather [hbm4b:s6+s21], $0x1, s19, s21, $0x2000b8;
	[tilespmem:$0x1F190] =	vst v63  }
0xdb: {  	s19 =	simm.s32 $0xEA10;
	s22 =	simm.s32 $0x1C510  }
0xdc: {  	[tilespmem:s22], [sflag:$0x1] =	stream.indirect.gather [hbm4b:s6+s21], $0x1, s19, s21, $0x2000b8;
	[tilespmem:$0x1F190] =	vst v63  }
0xdd: {  	s19 =	simm.s32 $0xEA90;
	s22 =	simm.s32 $0x1C590  }
0xde: {  	[tilespmem:s22], [sflag:$0x1] =	stream.indirect.gather [hbm4b:s6+s21], $0x1, s19, s21, $0x2000b8;
	[tilespmem:$0x1F190] =	vst v63  }
0xdf: {  	s19 =	simm.s32 $0xEB10;
	s22 =	simm.s32 $0x1C610  }
0xe0: {  	[tilespmem:s22], [sflag:$0x1] =	stream.indirect.gather [hbm4b:s6+s21], $0x1, s19, s21, $0x2000b8;
	[tilespmem:$0x1F190] =	vst v63  }
0xe1: {  	s19 =	simm.s32 $0xEB90;
	s22 =	simm.s32 $0x1C690  }
0xe2: {  	[tilespmem:s22], [sflag:$0x1] =	stream.indirect.gather [hbm4b:s6+s21], $0x1, s19, s21, $0x2000b8;
	[tilespmem:$0x1F190] =	vst v63  }
0xe3: {  	s19 =	simm.s32 $0xEC10;
	s22 =	simm.s32 $0x1C710  }
0xe4: {  	[tilespmem:s22], [sflag:$0x1] =	stream.indirect.gather [hbm4b:s6+s21], $0x1, s19, s21, $0x2000b8;
	[tilespmem:$0x1F190] =	vst v63  }
0xe5: {  	s19 =	simm.s32 $0xEC90;
	s22 =	simm.s32 $0x1C790  }
0xe6: {  	[tilespmem:s22], [sflag:$0x1] =	stream.indirect.gather [hbm4b:s6+s21], $0x1, s19, s21, $0x2000b8;
	[tilespmem:$0x1F190] =	vst v63  }
0xe7: {  	s19 =	simm.s32 $0xED10;
	s22 =	simm.s32 $0x1C810  }
0xe8: {  	[tilespmem:s22], [sflag:$0x1] =	stream.indirect.gather [hbm4b:s6+s21], $0x1, s19, s21, $0x2000b8;
	[tilespmem:$0x1F190] =	vst v63  }
0xe9: {  	s19 =	simm.s32 $0xED90;
	s22 =	simm.s32 $0x1C890  }
0xea: {  	[tilespmem:s22], [sflag:$0x1] =	stream.indirect.gather [hbm4b:s6+s21], $0x1, s19, s21, $0x2000b8;
	[tilespmem:$0x1F190] =	vst v63  }
0xeb: {  	s19 =	simm.s32 $0xEE10;
	s22 =	simm.s32 $0x1C910  }
0xec: {  	[tilespmem:s22], [sflag:$0x1] =	stream.indirect.gather [hbm4b:s6+s21], $0x1, s19, s21, $0x2000b8;
	[tilespmem:$0x1F190] =	vst v63  }
0xed: {  	s19 =	simm.s32 $0xEE90;
	s22 =	simm.s32 $0x1C990  }
0xee: {  	[tilespmem:s22], [sflag:$0x1] =	stream.indirect.gather [hbm4b:s6+s21], $0x1, s19, s21, $0x2000b8;
	[tilespmem:$0x1F190] =	vst v63  }
0xef: {  	s19 =	simm.s32 $0xEF10;
	s22 =	simm.s32 $0x1CA10  }
0xf0: {  	[tilespmem:s22], [sflag:$0x1] =	stream.indirect.gather [hbm4b:s6+s21], $0x1, s19, s21, $0x2000b8;
	[tilespmem:$0x1F190] =	vst v63  }
0xf1: {  	s19 =	simm.s32 $0xEF90;
	s22 =	simm.s32 $0x1CA90  }
0xf2: {  	[tilespmem:s22], [sflag:$0x1] =	stream.indirect.gather [hbm4b:s6+s21], $0x1, s19, s21, $0x2000b8;
	[tilespmem:$0x1F190] =	vst v63  }
0xf3: {  	s19 =	simm.s32 $0xF010;
	s22 =	simm.s32 $0x1CB10  }
0xf4: {  	[tilespmem:s22], [sflag:$0x1] =	stream.indirect.gather [hbm4b:s6+s21], $0x1, s19, s21, $0x2000b8;
	[tilespmem:$0x1F190] =	vst v63  }
0xf5: {  	s19 =	simm.s32 $0xF090;
	s22 =	simm.s32 $0x1CB90  }
0xf6: {  	[tilespmem:s22], [sflag:$0x1] =	stream.indirect.gather [hbm4b:s6+s21], $0x1, s19, s21, $0x2000b8;
	[tilespmem:$0x1F190] =	vst v63  }
0xf7: {  	s19 =	simm.s32 $0xF110;
	s22 =	simm.s32 $0x1CC10  }
0xf8: {  	[tilespmem:s22], [sflag:$0x1] =	stream.indirect.gather [hbm4b:s6+s21], $0x1, s19, s21, $0x2000b8;
	[tilespmem:$0x1F190] =	vst v63  }
0xf9: {  	s19 =	simm.s32 $0xF190;
	s22 =	simm.s32 $0x1CC90  }
0xfa: {  	[tilespmem:s22], [sflag:$0x1] =	stream.indirect.gather [hbm4b:s6+s21], $0x1, s19, s21, $0x2000b8;
	[tilespmem:$0x1F190] =	vst v63  }
0xfb: {  	s17 =	simm.s32 $0xF210;
	s19 =	simm.s32 $0x1CD10  }
0xfc: {  	[tilespmem:s19], [sflag:$0x1] =	stream.indirect.gather [hbm4b:s6+s21], $0x1, s17, s21, $0x2000b8;
	[tilespmem:$0x1F190] =	vst v63  }
0xfd: {  	s22 =	simm.s32 $0xF290;
	s17 =	simm.s32 $0x1CD90  }
0xfe: {  	[tilespmem:s17], [sflag:$0x1] =	stream.indirect.gather [hbm4b:s6+s21], $0x1, s22, s21, $0x2000b8;
	[tilespmem:$0x1F190] =	vst v63  }
0xff: {  	s19 =	simm.s32 $0xF310;
	s22 =	simm.s32 $0x1CE10  }
0x100: {  	[tilespmem:s22], [sflag:$0x1] =	stream.indirect.gather [hbm4b:s6+s21], $0x1, s19, s21, $0x2000b8;
	[tilespmem:$0x1F190] =	vst v63  }
0x101: {  	s19 =	simm.s32 $0xF390;
	s22 =	simm.s32 $0x1CE90  }
0x102: {  	[tilespmem:s22], [sflag:$0x1] =	stream.indirect.gather [hbm4b:s6+s21], $0x1, s19, s21, $0x2000b8;
	[tilespmem:$0x1F190] =	vst v63  }
0x103: {  	s19 =	simm.s32 $0xF410;
	s22 =	simm.s32 $0x1CF10  }
0x104: {  	[tilespmem:s22], [sflag:$0x1] =	stream.indirect.gather [hbm4b:s6+s21], $0x1, s19, s21, $0x2000b8;
	[tilespmem:$0x1F190] =	vst v63  }
0x105: {  	s19 =	simm.s32 $0xF490;
	s22 =	simm.s32 $0x1CF90  }
0x106: {  	[tilespmem:s22], [sflag:$0x1] =	stream.indirect.gather [hbm4b:s6+s21], $0x1, s19, s21, $0x2000b8;
	[tilespmem:$0x1F190] =	vst v63  }
0x107: {  	s19 =	simm.s32 $0xF510;
	s22 =	simm.s32 $0x1D010  }
0x108: {  	[tilespmem:s22], [sflag:$0x1] =	stream.indirect.gather [hbm4b:s6+s21], $0x1, s19, s21, $0x2000b8;
	[tilespmem:$0x1F190] =	vst v63  }
0x109: {  	s19 =	simm.s32 $0xF590;
	s22 =	simm.s32 $0x1D090  }
0x10a: {  	[tilespmem:s22], [sflag:$0x1] =	stream.indirect.gather [hbm4b:s6+s21], $0x1, s19, s21, $0x2000b8;
	[tilespmem:$0x1F190] =	vst v63  }
0x10b: {  	s19 =	simm.s32 $0xF610;
	s22 =	simm.s32 $0x1D110  }
0x10c: {  	[tilespmem:s22], [sflag:$0x1] =	stream.indirect.gather [hbm4b:s6+s21], $0x1, s19, s21, $0x2000b8;
	[tilespmem:$0x1F190] =	vst v63  }
0x10d: {  	s19 =	simm.s32 $0xF690;
	s22 =	simm.s32 $0x1D190  }
0x10e: {  	[tilespmem:s22], [sflag:$0x1] =	stream.indirect.gather [hbm4b:s6+s21], $0x1, s19, s21, $0x2000b8;
	[tilespmem:$0x1F190] =	vst v63  }
0x10f: {  	s19 =	simm.s32 $0xF710;
	s22 =	simm.s32 $0x1D210  }
0x110: {  	[tilespmem:s22], [sflag:$0x1] =	stream.indirect.gather [hbm4b:s6+s21], $0x1, s19, s21, $0x2000b8;
	[tilespmem:$0x1F190] =	vst v63  }
0x111: {  	s19 =	simm.s32 $0xF790;
	s22 =	simm.s32 $0x1D290  }
0x112: {  	[tilespmem:s22], [sflag:$0x1] =	stream.indirect.gather [hbm4b:s6+s21], $0x1, s19, s21, $0x2000b8;
	[tilespmem:$0x1F190] =	vst v63  }
0x113: {  	s19 =	simm.s32 $0xF810;
	s22 =	simm.s32 $0x1D310  }
0x114: {  	[tilespmem:s22], [sflag:$0x1] =	stream.indirect.gather [hbm4b:s6+s21], $0x1, s19, s21, $0x2000b8;
	[tilespmem:$0x1F190] =	vst v63  }
0x115: {  	s19 =	simm.s32 $0xF890;
	s22 =	simm.s32 $0x1D390  }
0x116: {  	[tilespmem:s22], [sflag:$0x1] =	stream.indirect.gather [hbm4b:s6+s21], $0x1, s19, s21, $0x2000b8;
	[tilespmem:$0x1F190] =	vst v63  }
0x117: {  	s19 =	simm.s32 $0xF910;
	s22 =	simm.s32 $0x1D410  }
0x118: {  	[tilespmem:s22], [sflag:$0x1] =	stream.indirect.gather [hbm4b:s6+s21], $0x1, s19, s21, $0x2000b8;
	[tilespmem:$0x1F190] =	vst v63  }
0x119: {  	s19 =	simm.s32 $0xF990;
	s22 =	simm.s32 $0x1D490  }
0x11a: {  	[tilespmem:s22], [sflag:$0x1] =	stream.indirect.gather [hbm4b:s6+s21], $0x1, s19, s21, $0x2000b8;
	[tilespmem:$0x1F190] =	vst v63  }
0x11b: {  	s19 =	simm.s32 $0xFA10;
	s22 =	simm.s32 $0x1D510  }
0x11c: {  	[tilespmem:s22], [sflag:$0x1] =	stream.indirect.gather [hbm4b:s6+s21], $0x1, s19, s21, $0x2000b8;
	[tilespmem:$0x1F190] =	vst v63  }
0x11d: {  	s19 =	simm.s32 $0xFA90;
	s22 =	simm.s32 $0x1D590  }
0x11e: {  	[tilespmem:s22], [sflag:$0x1] =	stream.indirect.gather [hbm4b:s6+s21], $0x1, s19, s21, $0x2000b8;
	[tilespmem:$0x1F190] =	vst v63  }
0x11f: {  	s19 =	simm.s32 $0xFB10;
	s22 =	simm.s32 $0x1D610  }
0x120: {  	[tilespmem:s22], [sflag:$0x1] =	stream.indirect.gather [hbm4b:s6+s21], $0x1, s19, s21, $0x2000b8;
	[tilespmem:$0x1F190] =	vst v63  }
0x121: {  	s19 =	simm.s32 $0xFB90;
	s22 =	simm.s32 $0x1D690  }
0x122: {  	[tilespmem:s22], [sflag:$0x1] =	stream.indirect.gather [hbm4b:s6+s21], $0x1, s19, s21, $0x2000b8;
	[tilespmem:$0x1F190] =	vst v63  }
0x123: {  	s19 =	simm.s32 $0xFC10;
	s22 =	simm.s32 $0x1D710  }
0x124: {  	[tilespmem:s22], [sflag:$0x1] =	stream.indirect.gather [hbm4b:s6+s21], $0x1, s19, s21, $0x2000b8;
	[tilespmem:$0x1F190] =	vst v63  }
0x125: {  	s19 =	simm.s32 $0xFC90;
	s22 =	simm.s32 $0x1D790  }
0x126: {  	[tilespmem:s22], [sflag:$0x1] =	stream.indirect.gather [hbm4b:s6+s21], $0x1, s19, s21, $0x2000b8;
	[tilespmem:$0x1F190] =	vst v63  }
0x127: {  	s19 =	simm.s32 $0xFD10;
	s22 =	simm.s32 $0x1D810  }
0x128: {  	[tilespmem:s22], [sflag:$0x1] =	stream.indirect.gather [hbm4b:s6+s21], $0x1, s19, s21, $0x2000b8;
	[tilespmem:$0x1F190] =	vst v63  }
0x129: {  	s19 =	simm.s32 $0xFD90;
	s22 =	simm.s32 $0x1D890  }
0x12a: {  	[tilespmem:s22], [sflag:$0x1] =	stream.indirect.gather [hbm4b:s6+s21], $0x1, s19, s21, $0x2000b8;
	[tilespmem:$0x1F190] =	vst v63  }
0x12b: {  	s19 =	simm.s32 $0xFE10  }
0x12c: {  	[tilespmem:s24], [sflag:$0x1] =	stream.indirect.gather [hbm4b:s6+s21], $0x1, s19, s21, $0x2000b8;
	[tilespmem:$0x1F190] =	vst v63  }
0x12d: {  	_ =	swait.ge [sflag:s26], $0x80  }
0x12e: {  	[sflag:s26] =	ssyncset.done $0x0  }
0x12f: {  	[sflag:s26] =	ssyncadd.s32 $0xFFFFFF80  }
0x130: {  	_ =	swait.ge [sflag:s26], $0x80  }
0x131: {  	[sflag:s26] =	ssyncset.done $0x0  }
0x132: {  	[sflag:s26] =	ssyncadd.s32 $0xFFFFFF80  }
0x133: {  	_ =	swait.ge [sflag:s26], $0x80  }
0x134: {  	[sflag:s26] =	ssyncset.done $0x0  }
0x135: {  	[sflag:s26] =	ssyncadd.s32 $0xFFFFFF80  }
0x136: {  	[tilespmem:s29], [sflag:$0x1] =	stream.indirect.gather [hbm4b:s1+s21], $0x80, s23, s21, $0x2000b8;
	[tilespmem:$0x1F190] =	vst v63  }
0x137: {  	_ = 	snop  }
0x138: {  	[tilespmem:s30], [sflag:$0x1] =	stream.indirect.gather [hbm4b:s1+s21], $0x80, s25, s21, $0x2000b8;
	[tilespmem:$0x1F190] =	vst v63  }
0x139: {  	_ = 	snop  }
0x13a: {  	[tilespmem:s31], [sflag:$0x1] =	stream.indirect.gather [hbm4b:s1+s21], $0x80, s28, s21, $0x2000b8;
	[tilespmem:$0x1F190] =	vst v63  }
0x13b: {  	_ =	swait.ge [sflag:s26], $0x80  }
0x13c: {  	[sflag:s26] =	ssyncset.done $0x0  }
0x13d: {  	[sflag:s26] =	ssyncadd.s32 $0xFFFFFF80  }
0x13e: {  	_ =	swait.ge [sflag:s26], $0x80  }
0x13f: {  	[sflag:s26] =	ssyncset.done $0x0  }
0x140: {  	[sflag:s26] =	ssyncadd.s32 $0xFFFFFF80  }
0x141: {  	_ =	swait.ge [sflag:s26], $0x80  }
0x142: {  	[sflag:s26] =	ssyncset.done $0x0  }
0x143: {  	[sflag:s26] =	ssyncadd.s32 $0xFFFFFF80  }
0x144: {  	_ =	swait.ge [sflag:s26], $0x80  }
0x145: {  	[sflag:s26] =	ssyncset.done $0x0  }
0x146: {  	[sflag:s26] =	ssyncadd.s32 $0xFFFFFF80  }
0x147: {  	_ =	swait.ge [sflag:s26], $0x80  }
0x148: {  	[sflag:s26] =	ssyncset.done $0x0  }
0x149: {  	[sflag:s26] =	ssyncadd.s32 $0xFFFFFF80  }
0x14a: {  	_ =	swait.ge [sflag:s26], $0x80  }
0x14b: {  	[sflag:s26] =	ssyncset.done $0x0  }
0x14c: {  	[sflag:s26] =	ssyncadd.s32 $0xFFFFFF80  }
0x14d: {  	_ =	swait.ge [sflag:s26], $0x80  }
0x14e: {  	[sflag:s26] =	ssyncset.done $0x0  }
0x14f: {  	[sflag:s26] =	ssyncadd.s32 $0xFFFFFF80  }
0x150: {  	_ =	swait.ge [sflag:s26], $0x80  }
0x151: {  	[sflag:s26] =	ssyncset.done $0x0  }
0x152: {  	[sflag:s26] =	ssyncadd.s32 $0xFFFFFF80  }
0x153: {  	_ =	swait.ge [sflag:s26], $0x80  }
0x154: {  	[sflag:s26] =	ssyncset.done $0x0  }
0x155: {  	[sflag:s26] =	ssyncadd.s32 $0xFFFFFF80  }
0x156: {  	_ =	swait.ge [sflag:s26], $0x80  }
0x157: {  	[sflag:s26] =	ssyncset.done $0x0  }
0x158: {  	[sflag:s26] =	ssyncadd.s32 $0xFFFFFF80  }
0x159: {  	_ =	swait.ge [sflag:s26], $0x80  }
0x15a: {  	[sflag:s26] =	ssyncset.done $0x0  }
0x15b: {  	[sflag:s26] =	ssyncadd.s32 $0xFFFFFF80  }
0x15c: {  	_ =	swait.ge [sflag:s26], $0x80  }
0x15d: {  	[sflag:s26] =	ssyncset.done $0x0  }
0x15e: {  	[sflag:s26] =	ssyncadd.s32 $0xFFFFFF80  }
0x15f: {  	_ =	swait.ge [sflag:s26], $0x80  }
0x160: {  	[sflag:s26] =	ssyncset.done $0x0  }
0x161: {  	[sflag:s26] =	ssyncadd.s32 $0xFFFFFF80  }
0x162: {  	_ =	swait.ge [sflag:s26], $0x80  }
0x163: {  	[sflag:s26] =	ssyncset.done $0x0  }
0x164: {  	[sflag:s26] =	ssyncadd.s32 $0xFFFFFF80  }
0x165: {  	_ =	swait.ge [sflag:s26], $0x80  }
0x166: {  	[sflag:s26] =	ssyncset.done $0x0  }
0x167: {  	[sflag:s26] =	ssyncadd.s32 $0xFFFFFF80  }
0x168: {  	_ =	swait.ge [sflag:s26], $0x80  }
0x169: {  	[sflag:s26] =	ssyncset.done $0x0  }
0x16a: {  	[sflag:s26] =	ssyncadd.s32 $0xFFFFFF80  }
0x16b: {  	_ =	swait.ge [sflag:s26], $0x80  }
0x16c: {  	[sflag:s26] =	ssyncset.done $0x0  }
0x16d: {  	[sflag:s26] =	ssyncadd.s32 $0xFFFFFF80  }
0x16e: {  	_ =	swait.ge [sflag:s26], $0x80  }
0x16f: {  	[sflag:s26] =	ssyncset.done $0x0  }
0x170: {  	[sflag:s26] =	ssyncadd.s32 $0xFFFFFF80  }
0x171: {  	_ =	swait.ge [sflag:s26], $0x80  }
0x172: {  	[sflag:s26] =	ssyncset.done $0x0  }
0x173: {  	[sflag:s26] =	ssyncadd.s32 $0xFFFFFF80  }
0x174: {  	_ =	swait.ge [sflag:s26], $0x80  }
0x175: {  	[sflag:s26] =	ssyncset.done $0x0  }
0x176: {  	[sflag:s26] =	ssyncadd.s32 $0xFFFFFF80  }
0x177: {  	_ =	swait.ge [sflag:s26], $0x80  }
0x178: {  	[sflag:s26] =	ssyncset.done $0x0  }
0x179: {  	[sflag:s26] =	ssyncadd.s32 $0xFFFFFF80  }
0x17a: {  	_ =	swait.ge [sflag:s26], $0x80  }
0x17b: {  	[sflag:s26] =	ssyncset.done $0x0  }
0x17c: {  	[sflag:s26] =	ssyncadd.s32 $0xFFFFFF80  }
0x17d: {  	_ =	swait.ge [sflag:s26], $0x80  }
0x17e: {  	[sflag:s26] =	ssyncset.done $0x0  }
0x17f: {  	[sflag:s26] =	ssyncadd.s32 $0xFFFFFF80  }
0x180: {  	_ =	swait.ge [sflag:s26], $0x80  }
0x181: {  	[sflag:s26] =	ssyncset.done $0x0  }
0x182: {  	[sflag:s26] =	ssyncadd.s32 $0xFFFFFF80  }
0x183: {  	_ =	swait.ge [sflag:s26], $0x80  }
0x184: {  	[sflag:s26] =	ssyncset.done $0x0  }
0x185: {  	[sflag:s26] =	ssyncadd.s32 $0xFFFFFF80  }
0x186: {  	_ =	swait.ge [sflag:s26], $0x80  }
0x187: {  	[sflag:s26] =	ssyncset.done $0x0  }
0x188: {  	[sflag:s26] =	ssyncadd.s32 $0xFFFFFF80  }
0x189: {  	_ =	swait.ge [sflag:s26], $0x80  }
0x18a: {  	[sflag:s26] =	ssyncset.done $0x0  }
0x18b: {  	[sflag:s26] =	ssyncadd.s32 $0xFFFFFF80  }
0x18c: {  	_ =	swait.ge [sflag:s26], $0x80  }
0x18d: {  	[sflag:s26] =	ssyncset.done $0x0  }
0x18e: {  	[sflag:s26] =	ssyncadd.s32 $0xFFFFFF80  }
0x18f: {  	_ =	swait.ge [sflag:s26], $0x80  }
0x190: {  	[sflag:s26] =	ssyncset.done $0x0  }
0x191: {  	[sflag:s26] =	ssyncadd.s32 $0xFFFFFF80  }
0x192: {  	_ =	swait.ge [sflag:s26], $0x80  }
0x193: {  	[sflag:s26] =	ssyncset.done $0x0  }
0x194: {  	[sflag:s26] =	ssyncadd.s32 $0xFFFFFF80  }
0x195: {  	_ =	swait.ge [sflag:s26], $0x80  }
0x196: {  	[sflag:s26] =	ssyncset.done $0x0  }
0x197: {  	[sflag:s26] =	ssyncadd.s32 $0xFFFFFF80  }
0x198: {  	_ =	swait.ge [sflag:s26], $0x80  }
0x199: {  	[sflag:s26] =	ssyncset.done $0x0  }
0x19a: {  	[sflag:s26] =	ssyncadd.s32 $0xFFFFFF80  }
0x19b: {  	_ =	swait.ge [sflag:s26], $0x80  }
0x19c: {  	[sflag:s26] =	ssyncset.done $0x0  }
0x19d: {  	[sflag:s26] =	ssyncadd.s32 $0xFFFFFF80  }
0x19e: {  	_ =	swait.ge [sflag:s26], $0x80  }
0x19f: {  	[sflag:s26] =	ssyncset.done $0x0  }
0x1a0: {  	[sflag:s26] =	ssyncadd.s32 $0xFFFFFF80  }
0x1a1: {  	_ =	swait.ge [sflag:s26], $0x80  }
0x1a2: {  	[sflag:s26] =	ssyncset.done $0x0  }
0x1a3: {  	[sflag:s26] =	ssyncadd.s32 $0xFFFFFF80  }
0x1a4: {  	_ =	swait.ge [sflag:s26], $0x80  }
0x1a5: {  	[sflag:s26] =	ssyncset.done $0x0  }
0x1a6: {  	[sflag:s26] =	ssyncadd.s32 $0xFFFFFF80  }
0x1a7: {  	_ =	swait.ge [sflag:s26], $0x80  }
0x1a8: {  	[sflag:s26] =	ssyncset.done $0x0  }
0x1a9: {  	[sflag:s26] =	ssyncadd.s32 $0xFFFFFF80  }
0x1aa: {  	_ =	swait.ge [sflag:s26], $0x80  }
0x1ab: {  	[sflag:s26] =	ssyncset.done $0x0  }
0x1ac: {  	[sflag:s26] =	ssyncadd.s32 $0xFFFFFF80  }
0x1ad: {  	_ =	swait.ge [sflag:s26], $0x80  }
0x1ae: {  	[sflag:s26] =	ssyncset.done $0x0  }
0x1af: {  	[sflag:s26] =	ssyncadd.s32 $0xFFFFFF80  }
0x1b0: {  	_ =	swait.ge [sflag:s26], $0x80  }
0x1b1: {  	[sflag:s26] =	ssyncset.done $0x0  }
0x1b2: {  	[sflag:s26] =	ssyncadd.s32 $0xFFFFFF80  }
0x1b3: {  	_ =	swait.ge [sflag:s26], $0x80  }
0x1b4: {  	[sflag:s26] =	ssyncset.done $0x0  }
0x1b5: {  	[sflag:s26] =	ssyncadd.s32 $0xFFFFFF80  }
0x1b6: {  	_ =	swait.ge [sflag:s26], $0x80  }
0x1b7: {  	[sflag:s26] =	ssyncset.done $0x0  }
0x1b8: {  	[sflag:s26] =	ssyncadd.s32 $0xFFFFFF80  }
0x1b9: {  	_ =	swait.ge [sflag:s26], $0x80  }
0x1ba: {  	[sflag:s26] =	ssyncset.done $0x0  }
0x1bb: {  	[sflag:s26] =	ssyncadd.s32 $0xFFFFFF80  }
0x1bc: {  	_ =	swait.ge [sflag:s26], $0x80  }
0x1bd: {  	[sflag:s26] =	ssyncset.done $0x0  }
0x1be: {  	[sflag:s26] =	ssyncadd.s32 $0xFFFFFF80  }
0x1bf: {  	_ =	swait.ge [sflag:s26], $0x80  }
0x1c0: {  	[sflag:s26] =	ssyncset.done $0x0  }
0x1c1: {  	[sflag:s26] =	ssyncadd.s32 $0xFFFFFF80  }
0x1c2: {  	_ =	swait.ge [sflag:s26], $0x80  }
0x1c3: {  	[sflag:s26] =	ssyncset.done $0x0  }
0x1c4: {  	[sflag:s26] =	ssyncadd.s32 $0xFFFFFF80  }
0x1c5: {  	_ =	swait.ge [sflag:s26], $0x80  }
0x1c6: {  	[sflag:s26] =	ssyncset.done $0x0  }
0x1c7: {  	[sflag:s26] =	ssyncadd.s32 $0xFFFFFF80  }
0x1c8: {  	_ =	swait.ge [sflag:s26], $0x80  }
0x1c9: {  	v6 =	vmov s18;
	[sflag:s26] =	ssyncset.done $0x0  }
0x1ca: {  	v6 =	vshll.u32 v6, $0x4;
	[sflag:s26] =	ssyncadd.s32 $0xFFFFFF80  }
0x1cb: {  	v6 =	vor.u32 v5, v6;
	v7 =	vld [tilespmem:s17+$0xFFFFF400];
	_ =	sdelay $0x4  }
0x1cc: {  	[tilespmem:v6+s2+$0x0] =	vst.idx.msk $0xffff, v7  }
0x1cd: {  	v8 =	vor.u32 $0x1, v6;
	v7 =	vld [tilespmem:s17+$0xFFFFF580];
	_ =	sdelay $0x4  }
0x1ce: {  	[tilespmem:v8+s2+$0x0] =	vst.idx.msk $0xffff, v7  }
0x1cf: {  	v8 =	vor.u32 $0x2, v6;
	v7 =	vld [tilespmem:s17+$0xFFFFF700];
	_ =	sdelay $0x4  }
0x1d0: {  	[tilespmem:v8+s2+$0x0] =	vst.idx.msk $0xffff, v7  }
0x1d1: {  	v8 =	vor.u32 $0x3, v6;
	v7 =	vld [tilespmem:s17+$0xFFFFF880];
	_ =	sdelay $0x4  }
0x1d2: {  	[tilespmem:v8+s2+$0x0] =	vst.idx.msk $0xffff, v7  }
0x1d3: {  	v8 =	vor.u32 $0x4, v6;
	v7 =	vld [tilespmem:s17+$0xFFFFFA00];
	_ =	sdelay $0x4  }
0x1d4: {  	[tilespmem:v8+s2+$0x0] =	vst.idx.msk $0xffff, v7  }
0x1d5: {  	v8 =	vor.u32 $0x5, v6;
	v7 =	vld [tilespmem:s17+$0xFFFFFB80];
	_ =	sdelay $0x4  }
0x1d6: {  	[tilespmem:v8+s2+$0x0] =	vst.idx.msk $0xffff, v7  }
0x1d7: {  	v8 =	vor.u32 $0x6, v6;
	v7 =	vld [tilespmem:s17+$0xFFFFFD00];
	_ =	sdelay $0x4  }
0x1d8: {  	[tilespmem:v8+s2+$0x0] =	vst.idx.msk $0xffff, v7  }
0x1d9: {  	v8 =	vor.u32 $0x7, v6;
	v7 =	vld [tilespmem:s17+$0xFFFFFE80];
	_ =	sdelay $0x4  }
0x1da: {  	[tilespmem:v8+s2+$0x0] =	vst.idx.msk $0xffff, v7  }
0x1db: {  	v8 =	vor.u32 $0x8, v6;
	v7 =	vld [tilespmem:s17+$0x0];
	_ =	sdelay $0x4  }
0x1dc: {  	[tilespmem:v8+s2+$0x0] =	vst.idx.msk $0xffff, v7  }
0x1dd: {  	v8 =	vor.u32 $0x9, v6;
	v7 =	vld [tilespmem:s17+$0x180];
	_ =	sdelay $0x4  }
0x1de: {  	[tilespmem:v8+s2+$0x0] =	vst.idx.msk $0xffff, v7  }
0x1df: {  	v8 =	vor.u32 $0xA, v6;
	v7 =	vld [tilespmem:s17+$0x300];
	_ =	sdelay $0x4  }
0x1e0: {  	[tilespmem:v8+s2+$0x0] =	vst.idx.msk $0xffff, v7  }
0x1e1: {  	v8 =	vor.u32 $0xB, v6;
	v7 =	vld [tilespmem:s17+$0x480];
	_ =	sdelay $0x4  }
0x1e2: {  	[tilespmem:v8+s2+$0x0] =	vst.idx.msk $0xffff, v7  }
0x1e3: {  	v8 =	vor.u32 $0xC, v6;
	v7 =	vld [tilespmem:s17+$0x600];
	_ =	sdelay $0x4  }
0x1e4: {  	[tilespmem:v8+s2+$0x0] =	vst.idx.msk $0xffff, v7  }
0x1e5: {  	v8 =	vor.u32 $0xD, v6;
	v7 =	vld [tilespmem:s17+$0x780];
	_ =	sdelay $0x4  }
0x1e6: {  	[tilespmem:v8+s2+$0x0] =	vst.idx.msk $0xffff, v7  }
0x1e7: {  	v8 =	vor.u32 $0xE, v6;
	v7 =	vld [tilespmem:s17+$0x900];
	_ =	sdelay $0x4  }
0x1e8: {  	[tilespmem:v8+s2+$0x0] =	vst.idx.msk $0xffff, v7  }
0x1e9: {  	v6 =	vor.u32 $0xF, v6;
	v7 =	vld [tilespmem:s17+$0xA80];
	_ =	sdelay $0x2  }
0x1ea: {  	s22 =	simm.s32 $0x10  }
0x1eb: {  	s5 =	simm.s32 $0x20;
	v8 =	vmov s22  }
.LBB2_8:
0x1ec: {  	p0 =	sne.s32 s5, $0x170;
	v8 =	vshll.u32 v8, $0x4;
	[tilespmem:v6+s2+$0x0] =	vst.idx.msk $0xffff, v7;
	s17 =	sadd.s32 $0x10, s17  }
0x1ed: {  	v7 =	vld [tilespmem:s17+$0xFFFFF400];
	v6 =	vor.u32 v5, v8;
	_ =	sdelay $0x4  }
0x1ee: {  	[tilespmem:v6+s2+$0x0] =	vst.idx.msk $0xffff, v7  }
0x1ef: {  	v8 =	vor.u32 $0x1, v6;
	v7 =	vld [tilespmem:s17+$0xFFFFF580];
	_ =	sdelay $0x4  }
0x1f0: {  	[tilespmem:v8+s2+$0x0] =	vst.idx.msk $0xffff, v7  }
0x1f1: {  	v8 =	vor.u32 $0x2, v6;
	v7 =	vld [tilespmem:s17+$0xFFFFF700];
	_ =	sdelay $0x4  }
0x1f2: {  	[tilespmem:v8+s2+$0x0] =	vst.idx.msk $0xffff, v7  }
0x1f3: {  	v8 =	vor.u32 $0x3, v6;
	v7 =	vld [tilespmem:s17+$0xFFFFF880];
	_ =	sdelay $0x4  }
0x1f4: {  	[tilespmem:v8+s2+$0x0] =	vst.idx.msk $0xffff, v7  }
0x1f5: {  	v8 =	vor.u32 $0x4, v6;
	v7 =	vld [tilespmem:s17+$0xFFFFFA00];
	_ =	sdelay $0x4  }
0x1f6: {  	[tilespmem:v8+s2+$0x0] =	vst.idx.msk $0xffff, v7  }
0x1f7: {  	v8 =	vor.u32 $0x5, v6;
	v7 =	vld [tilespmem:s17+$0xFFFFFB80];
	_ =	sdelay $0x4  }
0x1f8: {  	[tilespmem:v8+s2+$0x0] =	vst.idx.msk $0xffff, v7  }
0x1f9: {  	v8 =	vor.u32 $0x6, v6;
	v7 =	vld [tilespmem:s17+$0xFFFFFD00];
	_ =	sdelay $0x4  }
0x1fa: {  	[tilespmem:v8+s2+$0x0] =	vst.idx.msk $0xffff, v7  }
0x1fb: {  	v8 =	vor.u32 $0x7, v6;
	v7 =	vld [tilespmem:s17+$0xFFFFFE80];
	_ =	sdelay $0x4  }
0x1fc: {  	[tilespmem:v8+s2+$0x0] =	vst.idx.msk $0xffff, v7  }
0x1fd: {  	v8 =	vor.u32 $0x8, v6;
	v7 =	vld [tilespmem:s17+$0x0];
	_ =	sdelay $0x4  }
0x1fe: {  	[tilespmem:v8+s2+$0x0] =	vst.idx.msk $0xffff, v7  }
0x1ff: {  	v8 =	vor.u32 $0x9, v6;
	v7 =	vld [tilespmem:s17+$0x180];
	_ =	sdelay $0x4  }
0x200: {  	[tilespmem:v8+s2+$0x0] =	vst.idx.msk $0xffff, v7  }
0x201: {  	v8 =	vor.u32 $0xA, v6;
	v7 =	vld [tilespmem:s17+$0x300];
	_ =	sdelay $0x4  }
0x202: {  	[tilespmem:v8+s2+$0x0] =	vst.idx.msk $0xffff, v7  }
0x203: {  	v8 =	vor.u32 $0xB, v6;
	v7 =	vld [tilespmem:s17+$0x480];
	_ =	sdelay $0x4  }
0x204: {  	[tilespmem:v8+s2+$0x0] =	vst.idx.msk $0xffff, v7  }
0x205: {  	v8 =	vor.u32 $0xC, v6;
	v7 =	vld [tilespmem:s17+$0x600];
	_ =	sdelay $0x4  }
0x206: {  	[tilespmem:v8+s2+$0x0] =	vst.idx.msk $0xffff, v7  }
0x207: {  	v8 =	vor.u32 $0xD, v6;
	v7 =	vld [tilespmem:s17+$0x780];
	_ =	sdelay $0x4  }
0x208: {  	[tilespmem:v8+s2+$0x0] =	vst.idx.msk $0xffff, v7  }
0x209: {  	v8 =	vor.u32 $0xE, v6;
	v7 =	vld [tilespmem:s17+$0x900];
	_ =	sdelay $0x4  }
0x20a: {  	[tilespmem:v8+s2+$0x0] =	vst.idx.msk $0xffff, v7  }
.Ltmp3:
0x20b: {  	v6 =	vor.u32 $0xF, v6;
	v7 =	vld [tilespmem:s17+$0xA80];
	(pc) =	sbr.rel @p0 .LBB2_8-.Ltmp3, $2  }
0x20c: {  	_ =	sdelay $0x2  }
0x20d: {  	v8 =	vmov s5;
	s5 =	sadd.s32 $0x10, s5  }
0x20e: {  	_ =	sdelay $0x3  }
0x20f: {  	v8 =	vshll.u32 v8, $0x4;
	[tilespmem:v6+s2+$0x0] =	vst.idx.msk $0xffff, v7;
	s5 =	sadd.s32 $0x10, s17  }
0x210: {  	v6 =	vld [tilespmem:s5+$0xFFFFF400];
	v7 =	vor.u32 v5, v8;
	_ =	sdelay $0x4  }
0x211: {  	[tilespmem:v7+s2+$0x0] =	vst.idx.msk $0xffff, v6  }
0x212: {  	v8 =	vor.u32 $0x1, v7;
	v6 =	vld [tilespmem:s5+$0xFFFFF580];
	_ =	sdelay $0x4  }
0x213: {  	[tilespmem:v8+s2+$0x0] =	vst.idx.msk $0xffff, v6  }
0x214: {  	v51 =	vor.u32 $0x2, v7;
	v6 =	vld [tilespmem:s5+$0xFFFFF700];
	_ =	sdelay $0x4  }
0x215: {  	[tilespmem:v51+s2+$0x0] =	vst.idx.msk $0xffff, v6  }
0x216: {  	v52 =	vor.u32 $0x3, v7;
	v6 =	vld [tilespmem:s5+$0xFFFFF880];
	_ =	sdelay $0x4  }
0x217: {  	[tilespmem:v52+s2+$0x0] =	vst.idx.msk $0xffff, v6  }
0x218: {  	v53 =	vor.u32 $0x4, v7;
	v6 =	vld [tilespmem:s5+$0xFFFFFA00];
	_ =	sdelay $0x4  }
0x219: {  	[tilespmem:v53+s2+$0x0] =	vst.idx.msk $0xffff, v6  }
0x21a: {  	v54 =	vor.u32 $0x5, v7;
	v6 =	vld [tilespmem:s5+$0xFFFFFB80];
	_ =	sdelay $0x4  }
0x21b: {  	[tilespmem:v54+s2+$0x0] =	vst.idx.msk $0xffff, v6  }
0x21c: {  	v55 =	vor.u32 $0x6, v7;
	v6 =	vld [tilespmem:s5+$0xFFFFFD00];
	_ =	sdelay $0x4  }
0x21d: {  	[tilespmem:v55+s2+$0x0] =	vst.idx.msk $0xffff, v6  }
0x21e: {  	v56 =	vor.u32 $0x7, v7;
	v6 =	vld [tilespmem:s5+$0xFFFFFE80];
	_ =	sdelay $0x4  }
0x21f: {  	[tilespmem:v56+s2+$0x0] =	vst.idx.msk $0xffff, v6  }
0x220: {  	v57 =	vor.u32 $0x8, v7;
	v6 =	vld [tilespmem:s5+$0x0];
	_ =	sdelay $0x4  }
0x221: {  	[tilespmem:v57+s2+$0x0] =	vst.idx.msk $0xffff, v6  }
0x222: {  	v58 =	vor.u32 $0x9, v7;
	v6 =	vld [tilespmem:s5+$0x180];
	_ =	sdelay $0x4  }
0x223: {  	[tilespmem:v58+s2+$0x0] =	vst.idx.msk $0xffff, v6  }
0x224: {  	v59 =	vor.u32 $0xA, v7;
	v6 =	vld [tilespmem:s5+$0x300];
	_ =	sdelay $0x4  }
0x225: {  	[tilespmem:v59+s2+$0x0] =	vst.idx.msk $0xffff, v6  }
0x226: {  	v60 =	vor.u32 $0xB, v7;
	v6 =	vld [tilespmem:s5+$0x480];
	_ =	sdelay $0x4  }
0x227: {  	[tilespmem:v60+s2+$0x0] =	vst.idx.msk $0xffff, v6  }
0x228: {  	v61 =	vor.u32 $0xC, v7;
	v6 =	vld [tilespmem:s5+$0x600];
	_ =	sdelay $0x4  }
0x229: {  	[tilespmem:v61+s2+$0x0] =	vst.idx.msk $0xffff, v6  }
0x22a: {  	v62 =	vor.u32 $0xD, v7;
	v6 =	vld [tilespmem:s5+$0x780];
	_ =	sdelay $0x4  }
0x22b: {  	[tilespmem:v62+s2+$0x0] =	vst.idx.msk $0xffff, v6  }
0x22c: {  	v63 =	vor.u32 $0xE, v7;
	v6 =	vld [tilespmem:s5+$0x900];
	_ =	sdelay $0x4  }
0x22d: {  	[tilespmem:v63+s2+$0x0] =	vst.idx.msk $0xffff, v6  }
0x22e: {  	v7 =	vor.u32 $0xF, v7;
	v6 =	vld [tilespmem:s5+$0xA80];
	_ =	sdelay $0x4  }
0x22f: {  	[tilespmem:v7+s2+$0x0] =	vst.idx.msk $0xffff, v6  }
0x230: {  	[hbm4b:s11+s4] =	stream.linear.scatter [tilespmem:s2], [sflag:$0x3], $0x1800, $0x200038;
	[tilespmem:$0x1F190] =	vst v63  }
0x231: {  	_ =	swait.ge [sflag:s16], $0x1800  }
0x232: {  	[sflag:s16] =	ssyncset.done $0x0  }
0x233: {  	[sflag:s16] =	ssyncadd.s32 $0xFFFFE800  }
0x234: {  	_ =	swait.ge [sflag:s26], $0x4000  }
0x235: {  	[sflag:s26] =	ssyncset.done $0x0  }
0x236: {  	[sflag:s26] =	ssyncadd.s32 $0xFFFFC000  }
0x237: {  	_ =	swait.ge [sflag:s26], $0x4000  }
0x238: {  	[sflag:s26] =	ssyncset.done $0x0  }
0x239: {  	[sflag:s26] =	ssyncadd.s32 $0xFFFFC000  }
0x23a: {  	_ =	swait.ge [sflag:s26], $0x4000  }
0x23b: {  	[sflag:s26] =	ssyncset.done $0x0  }
0x23c: {  	[sflag:s26] =	ssyncadd.s32 $0xFFFFC000  }
0x23d: {  	[hbm4b:s12+s4] =	stream.linear.scatter [tilespmem:s29], [sflag:$0x3], $0xC000, $0x200038;
	[tilespmem:$0x1F190] =	vst v63  }
0x23e: {  	s3 =	sadd.s32 $0x1, s3;
	_ =	swait.ge [sflag:s16], $0xC000  }
0x23f: {  	p0 =	sne.s32 s3, s13;
	[sflag:s16] =	ssyncset.done $0x0  }
.Ltmp4:
0x240: {  	[sflag:s16] =	ssyncadd.s32 $0xFFFF4000;
	(pc) =	sbr.rel @p0 .LBB2_1-.Ltmp4, $4  }
0x241: {  	_ =	strace $0x9000004A  }
0x242: {  	_ =	swait.ge [sflag:s14], $0x180  }
0x243: {  	[sflag:s14] =	ssyncset.done $0x0  }
0x244: {  	[sflag:s14] =	ssyncadd.s32 $0xFFFFFE80  }
0x245: {  	_ =	sfence.sel $0x180000  }
0x246: {  	[bflag:$0x0] =	sbarrier.arrive $0xFFFF  }
0x247: {  	_ =	strace $0x90000047  }
0x248: {  	s0 =	stileid.u32;
	[bflag:$0x2] =	sbarrier.arrive $0xFFFF  }
0x249: {  	p0 =	sne.s32 s0, $0x0;
	s0 =	rddreg [dreg:$0x5]  }
0x24a: {  	s0 =	sadd.s32 @!p0 $0x100000, s0  }
0x24b: {  	[sflag:s0] =	ssyncadd.tile.s32 @!p0 $0x1;
	_ =	shalt  }
.Lfunc_end2:
_tile_overlayer_lowered:
.L_overlay_start_2:
0x24c: {  	(tag) =	ssettag $0x2  }
0x24d: {  	s0 =	rddreg [dreg:$0x0];
	s2 =	stileid.u32  }
0x24e: {  	s1 =	rddreg [dreg:$0x1];
	p0 =	sne.s32 s2, $0x0  }
0x24f: {  	s3 =	rddreg [dreg:$0x2];
	[bflag:$0x3] =	sbarrier.arrive $0xFFFF;
	s2 =	simm.s32 @!p0 $0x1C03  }
0x250: {  	[timem:s3], [sflag:s2] =	dma.local @!p0 [hbm:s0], s1  }
0x251: {  	s0 =	simm.s32 @!p0 $0x3  }
0x252: {  	_ =	swait.ge @!p0 [sflag:s0], s1  }
0x253: {  	s1 =	ssub.s32 @!p0 $0x0, s1;
	[sflag:s0] =	ssyncset.done @!p0 $0x0  }
0x254: {  	[sflag:s0] =	ssyncadd.s32 @!p0 s1  }
0x255: {  	[bflag:$0x3] =	sbarrier.arrive $0xFFFF  }
0x256: {  	_ =	shalt  }

</sc_bundles>
